<compile_context>
chip_gen: v7x
topology: tpu7x:2x2x1
jax: 0.10.2.dev20260603
libtpu: 0.0.44.dev20260713+nightly
codegen_flags: <defaults>
</compile_context>

<pallas_src>
import functools

import jax
import jax.numpy as jnp
from jax import lax
from jax.experimental import pallas as pl
from jax.experimental.pallas import tpu as pltpu
from jax.experimental.pallas import tpu_sc as plsc

N = 10000
D = 256
HALF = 128
E = 160000
NT = 16
CH = 128
EPT = E // NT
NCH = 80
EPT_PAD = NCH * CH
N_PAD = 10240
RPT = N_PAD // NT
PAD_DST = N
IB = 40
NGRP = NCH // IB

_mesh = plsc.VectorSubcoreMesh(core_axis_name="c", subcore_axis_name="s")


def _f32(*shape):
    return jax.ShapeDtypeStruct(shape, jnp.float32)


@functools.partial(
    pl.kernel,
    out_type=_f32(2, N_PAD),
    mesh=_mesh,
    scratch_types=[
        pltpu.VMEM((NCH // 2, CH), jnp.int32),
        pltpu.VMEM((N_PAD,), jnp.float32),
        pltpu.VMEM((NT, RPT), jnp.float32),
        pltpu.VMEM((RPT,), jnp.float32),
        pltpu.VMEM_SHARED((NT, N_PAD), jnp.float32),
    ],
    compiler_params=pltpu.CompilerParams(needs_layout_passes=False),
)
def _degree_kernel(dst_hbm, zeros_hbm, cnt_hbm,
                   dst_v, hist_v, red_v, out_v, hists):
    cid = lax.axis_index("c")
    sid = lax.axis_index("s")
    row0 = sid * RPT
    half = NCH // 2

    pltpu.sync_copy(zeros_hbm, hist_v)
    pltpu.sync_copy(dst_hbm.at[pl.ds(sid * NCH + cid * half, half)], dst_v)

    ones16 = jnp.full((16,), 1.0, jnp.float32)

    @pl.loop(0, half)
    def _(j):
        @pl.loop(0, CH // 16)
        def _(k):
            idx = dst_v[j, pl.ds(k * 16, 16)]
            plsc.addupdate_scatter(hist_v, [idx], ones16)

    pltpu.sync_copy(hist_v, hists.at[sid])
    plsc.subcore_barrier()

    pltpu.sync_copy(hists.at[:, pl.ds(row0, RPT)], red_v)

    @pl.loop(0, RPT // 16)
    def _(k):
        s = red_v[0, pl.ds(k * 16, 16)]
        for r in range(1, NT):
            s = s + red_v[r, pl.ds(k * 16, 16)]
        out_v[pl.ds(k * 16, 16)] = s

    pltpu.sync_copy(out_v, cnt_hbm.at[cid, pl.ds(row0, RPT)])


@functools.partial(
    pl.kernel,
    out_type=(_f32(N_PAD, HALF), _f32(N_PAD, HALF)),
    mesh=_mesh,
    scratch_types=[
        pltpu.VMEM((IB, CH), jnp.int32),
        pltpu.VMEM((IB, CH), jnp.int32),
        pltpu.VMEM((CH, HALF), jnp.float32),
        pltpu.VMEM((CH, HALF), jnp.float32),
        pltpu.VMEM_SHARED((N_PAD, HALF), jnp.float32),
        pltpu.SemaphoreType.DMA,
        pltpu.SemaphoreType.DMA,
    ],
)
def _aggregate_kernel(tlo_hbm, thi_hbm, src_hbm, dst_hbm, olo_hbm, ohi_hbm,
                      src_v, dst_v, rows_a, rows_b, acc, sem_a, sem_b):
    cid = lax.axis_index("c")
    sid = lax.axis_index("s")
    row0 = sid * RPT
    base = sid * NCH

    def run(table, out):
        pltpu.sync_copy(table.at[pl.ds(row0, RPT)], acc.at[pl.ds(row0, RPT)])
        plsc.subcore_barrier()

        def start(j, buf, sem):
            pltpu.async_copy(table.at[src_v.at[j]], buf, sem)

        def wait(j, buf, sem):
            pltpu.make_async_copy(table.at[src_v.at[j]], buf, sem).wait()

        def scat(j, buf):
            pltpu.sync_copy(buf, acc.at[dst_v.at[j]], add=True)

        @pl.loop(0, NGRP)
        def _(g):
            pltpu.sync_copy(src_hbm.at[pl.ds(base + g * IB, IB)], src_v)
            pltpu.sync_copy(dst_hbm.at[pl.ds(base + g * IB, IB)], dst_v)
            start(0, rows_a, sem_a)

            @pl.loop(0, IB, step=2)
            def _(j):
                start(j + 1, rows_b, sem_b)
                wait(j, rows_a, sem_a)
                scat(j, rows_a)

                @pl.when(j + 2 < IB)
                def _():
                    start(j + 2, rows_a, sem_a)

                wait(j + 1, rows_b, sem_b)
                scat(j + 1, rows_b)

        plsc.subcore_barrier()
        pltpu.sync_copy(acc.at[pl.ds(row0, RPT)], out.at[pl.ds(row0, RPT)])

    @pl.when(cid == 0)
    def _():
        run(tlo_hbm, olo_hbm)

    @pl.when(cid == 1)
    def _():
        run(thi_hbm, ohi_hbm)


def _dis(c0_ref, c1_ref):
    deg = 1.0 + c0_ref[...] + c1_ref[...]
    return lax.rsqrt(deg)


def _tc_first_body(x_ref, w_ref, c0_ref, c1_ref, lo_ref, hi_ref):
    dis = _dis(c0_ref, c1_ref)
    h = jnp.dot(x_ref[...], w_ref[...], preferred_element_type=jnp.float32)
    hs = h * dis
    lo_ref[...] = hs[:, :HALF]
    hi_ref[...] = hs[:, HALF:]


def _tc_mid_body(alo_ref, ahi_ref, c0_ref, c1_ref, b_ref, w_ref,
                 lo_ref, hi_ref):
    dis = _dis(c0_ref, c1_ref)
    agg = jnp.concatenate([alo_ref[...], ahi_ref[...]], axis=1)
    h = jnp.maximum(agg * dis + b_ref[...], 0.0)
    hs = jnp.dot(h, w_ref[...], preferred_element_type=jnp.float32) * dis
    lo_ref[...] = hs[:, :HALF]
    hi_ref[...] = hs[:, HALF:]


def _tc_final_body(alo_ref, ahi_ref, c0_ref, c1_ref, b_ref, o_ref):
    dis = _dis(c0_ref, c1_ref)
    agg = jnp.concatenate([alo_ref[...], ahi_ref[...]], axis=1)
    o_ref[...] = jnp.maximum(agg * dis + b_ref[...], 0.0)


_R1 = 1024
_R3 = 1000


def _tc_first(x_pad, W1, cnt0, cnt1):
    return pl.pallas_call(
        _tc_first_body,
        grid=(N_PAD // _R1,),
        in_specs=[
            pl.BlockSpec((_R1, D), lambda i: (i, 0)),
            pl.BlockSpec((D, D), lambda i: (0, 0)),
            pl.BlockSpec((_R1, 1), lambda i: (i, 0)),
            pl.BlockSpec((_R1, 1), lambda i: (i, 0)),
        ],
        out_specs=[
            pl.BlockSpec((_R1, HALF), lambda i: (i, 0)),
            pl.BlockSpec((_R1, HALF), lambda i: (i, 0)),
        ],
        out_shape=(_f32(N_PAD, HALF), _f32(N_PAD, HALF)),
    )(x_pad, W1, cnt0, cnt1)


def _tc_mid(alo, ahi, cnt0, cnt1, b1r, W2):
    return pl.pallas_call(
        _tc_mid_body,
        grid=(N_PAD // _R1,),
        in_specs=[
            pl.BlockSpec((_R1, HALF), lambda i: (i, 0)),
            pl.BlockSpec((_R1, HALF), lambda i: (i, 0)),
            pl.BlockSpec((_R1, 1), lambda i: (i, 0)),
            pl.BlockSpec((_R1, 1), lambda i: (i, 0)),
            pl.BlockSpec((1, D), lambda i: (0, 0)),
            pl.BlockSpec((D, D), lambda i: (0, 0)),
        ],
        out_specs=[
            pl.BlockSpec((_R1, HALF), lambda i: (i, 0)),
            pl.BlockSpec((_R1, HALF), lambda i: (i, 0)),
        ],
        out_shape=(_f32(N_PAD, HALF), _f32(N_PAD, HALF)),
    )(alo, ahi, cnt0, cnt1, b1r, W2)


def _tc_final(alo, ahi, cnt0, cnt1, b2r):
    return pl.pallas_call(
        _tc_final_body,
        grid=(N // _R3,),
        in_specs=[
            pl.BlockSpec((_R3, HALF), lambda i: (i, 0)),
            pl.BlockSpec((_R3, HALF), lambda i: (i, 0)),
            pl.BlockSpec((_R3, 1), lambda i: (i, 0)),
            pl.BlockSpec((_R3, 1), lambda i: (i, 0)),
            pl.BlockSpec((1, D), lambda i: (0, 0)),
        ],
        out_specs=pl.BlockSpec((_R3, D), lambda i: (i, 0)),
        out_shape=_f32(N, D),
    )(alo, ahi, cnt0, cnt1, b2r)


def kernel(x, edge_index, W1, b1, W2, b2):
    src = edge_index[0].astype(jnp.int32)
    dst = edge_index[1].astype(jnp.int32)
    pad_e = EPT_PAD - EPT
    src_r = jnp.concatenate(
        [src.reshape(NT, EPT), jnp.zeros((NT, pad_e), jnp.int32)], axis=1
    ).reshape(NT * NCH, CH)
    dst_r = jnp.concatenate(
        [dst.reshape(NT, EPT), jnp.full((NT, pad_e), PAD_DST, jnp.int32)], axis=1
    ).reshape(NT * NCH, CH)
    x_pad = jnp.pad(x, ((0, N_PAD - N), (0, 0)))
    b1r = b1.reshape(1, D)
    b2r = b2.reshape(1, D)

    zeros_c = jnp.zeros((N_PAD,), jnp.float32)
    cnt2 = _degree_kernel(dst_r, zeros_c)
    cnt0 = cnt2[0].reshape(N_PAD, 1)
    cnt1 = cnt2[1].reshape(N_PAD, 1)
    hs1_lo, hs1_hi = _tc_first(x_pad, W1, cnt0, cnt1)
    agg1_lo, agg1_hi = _aggregate_kernel(hs1_lo, hs1_hi, src_r, dst_r)
    hs2_lo, hs2_hi = _tc_mid(agg1_lo, agg1_hi, cnt0, cnt1, b1r, W2)
    agg2_lo, agg2_hi = _aggregate_kernel(hs2_lo, hs2_hi, src_r, dst_r)
    return _tc_final(agg2_lo, agg2_hi, cnt0, cnt1, b2r)

# --- scband reference (transcript-rebuilt; emitter-appended) ---
"""Pipeline reference for scband-gcnnet-22514218566315 (READ-ONLY COPY).

The authoritative reference and input builder live on the scoring server;
editing this copy changes nothing except your own understanding.
"""

import jax, jax.numpy as jnp
import numpy as np

N_NODES = 10000
N_EDGES = 160000
D = 256


def setup_inputs(seed: int = 0) -> dict:
    key = jax.random.key(seed)
    k_x, k_e, k_w1, k_b1, k_w2, k_b2 = jax.random.split(key, 6)
    x = jax.random.normal(k_x, (N_NODES, D), dtype=jnp.float32)
    edge_index = jax.random.randint(k_e, (2, N_EDGES), 0, N_NODES, dtype=jnp.int64)
    # GCNConv weights (glorot-like init); layer1: in_channels->hidden_dim, layer2: hidden->hidden
    s = 1.0 / np.sqrt(D)
    W1 = jax.random.uniform(k_w1, (D, D), dtype=jnp.float32, minval=-s, maxval=s)
    b1 = jnp.zeros((D,), dtype=jnp.float32)
    W2 = jax.random.uniform(k_w2, (D, D), dtype=jnp.float32, minval=-s, maxval=s)
    b2 = jnp.zeros((D,), dtype=jnp.float32)
    return {"x": x, "edge_index": edge_index, "W1": W1, "b1": b1, "W2": W2, "b2": b2}


def _gcn_conv(x, src, dst, W, b):
    """PyG GCNConv: add self-loops, symmetric normalization, linear transform, scatter-add."""
    N = x.shape[0]
    h = x @ W
    # degree computed on dst with unit edge weights (after self-loops already appended)
    deg = jnp.zeros((N,), dtype=h.dtype).at[dst].add(1.0)
    deg_inv_sqrt = jnp.where(deg > 0, jax.lax.rsqrt(jnp.maximum(deg, 1e-12)), 0.0)
    norm = deg_inv_sqrt[src] * deg_inv_sqrt[dst]
    msg = h[src] * norm[:, None]
    out = jnp.zeros((N, h.shape[1]), dtype=h.dtype).at[dst].add(msg)
    return out + b


def reference(x, edge_index, W1, b1, W2, b2):
    N = x.shape[0]
    loop = jnp.arange(N, dtype=edge_index.dtype)
    src = jnp.concatenate([edge_index[0], loop])
    dst = jnp.concatenate([edge_index[1], loop])
    # layer 1
    h = _gcn_conv(x, src, dst, W1, b1)
    h = jax.nn.relu(h)
    # dropout is identity in eval mode (p=0.1, training=False)
    # layer 2
    h = _gcn_conv(h, src, dst, W2, b2)
    h = jax.nn.relu(h)
    return h

if __name__ == "__main__":
    import jax
    _d = setup_inputs()
    print(jax.jit(kernel)(*tuple(_d.values())))

</pallas_src>

<mosaic_0001>
#map = affine_map<(d0, d1) -> (0, 0)>
#map1 = affine_map<(d0, d1) -> (0)>
module attributes {stable_mosaic.version = 14 : i64} {
  func.func @_degree_kernel(%arg0: i32, %arg1: i32, %arg2: memref<1280x128xi32, #tpu.memory_space<hbm>>, %arg3: memref<10240xf32, #tpu.memory_space<hbm>>, %arg4: memref<2x10240xf32, #tpu.memory_space<hbm>>, %arg5: memref<40x128xi32, #tpu.memory_space<vmem>>, %arg6: memref<10240xf32, #tpu.memory_space<vmem>>, %arg7: memref<16x640xf32, #tpu.memory_space<vmem>>, %arg8: memref<640xf32, #tpu.memory_space<vmem>>, %arg9: memref<16x10240xf32, #tpu.memory_space<vmem_shared>>) attributes {dimension_semantics = [#tpu.dimension_semantics<core_parallel>, #tpu.dimension_semantics<subcore_parallel>], iteration_bounds = array<i64: 2, 16>, scalar_prefetch = 0 : i64, scratch_operands = 5 : i64, tpu.core_type = #tpu.core_type<sc_vector_subcore>, window_params = [{transform_indices = #map}, {transform_indices = #map1}, {transform_indices = #map}]} {
    %mul3A = arith.constant 640 : i32
    %mul3A_0 = arith.muli %arg1, %mul3A : i32
    "tpu.region"() ({
      %run_scoped3A = tpu.sem_alloc : memref<!tpu.dma_semaphore, #tpu.memory_space<semaphore_mem>>
      tpu.enqueue_dma source(%arg3 : memref<10240xf32, #tpu.memory_space<hbm>>) target(%arg6 : memref<10240xf32, #tpu.memory_space<vmem>>) target_semaphore(%run_scoped3A : memref<!tpu.dma_semaphore, #tpu.memory_space<semaphore_mem>>)
      tpu.wait_dma2 semaphore(%run_scoped3A : memref<!tpu.dma_semaphore, #tpu.memory_space<semaphore_mem>>) src(%arg3 : memref<10240xf32, #tpu.memory_space<hbm>>) dst(%arg6 : memref<10240xf32, #tpu.memory_space<vmem>>)
      tpu.yield
    }) : () -> ()
    %mul3A_1 = arith.constant 80 : i32
    %mul3A_2 = arith.muli %arg1, %mul3A_1 : i32
    %mul3A_3 = arith.constant 40 : i32
    %mul3A_4 = arith.muli %arg0, %mul3A_3 : i32
    %add3A = arith.addi %mul3A_2, %mul3A_4 : i32
    "tpu.region"() ({
      %run_scoped3A = tpu.sem_alloc : memref<!tpu.dma_semaphore, #tpu.memory_space<semaphore_mem>>
      %dma_start3A = arith.constant 0 : i32
      %dma_start3A_15 = tpu.memref_slice %arg2[%add3A, %dma_start3A] : memref<1280x128xi32, #tpu.memory_space<hbm>> -> memref<40x128xi32, #tpu.memory_space<hbm>>
      %dma_start3A_16 = arith.constant 0 : i32
      %dma_start3A_17 = tpu.memref_slice %arg2[%add3A, %dma_start3A_16] : memref<1280x128xi32, #tpu.memory_space<hbm>> -> memref<40x128xi32, #tpu.memory_space<hbm>>
      tpu.enqueue_dma source(%dma_start3A_17 : memref<40x128xi32, #tpu.memory_space<hbm>>) target(%arg5 : memref<40x128xi32, #tpu.memory_space<vmem>>) target_semaphore(%run_scoped3A : memref<!tpu.dma_semaphore, #tpu.memory_space<semaphore_mem>>)
      %dma_wait3A = arith.constant 0 : i32
      %dma_wait3A_18 = tpu.memref_slice %arg2[%add3A, %dma_wait3A] : memref<1280x128xi32, #tpu.memory_space<hbm>> -> memref<40x128xi32, #tpu.memory_space<hbm>>
      %dma_wait3A_19 = arith.constant 0 : i32
      %dma_wait3A_20 = tpu.memref_slice %arg2[%add3A, %dma_wait3A_19] : memref<1280x128xi32, #tpu.memory_space<hbm>> -> memref<40x128xi32, #tpu.memory_space<hbm>>
      tpu.wait_dma2 semaphore(%run_scoped3A : memref<!tpu.dma_semaphore, #tpu.memory_space<semaphore_mem>>) src(%dma_wait3A_20 : memref<40x128xi32, #tpu.memory_space<hbm>>) dst(%arg5 : memref<40x128xi32, #tpu.memory_space<vmem>>)
      tpu.yield
    }) : () -> ()
    %broadcast_in_dim3A = arith.constant 1.000000e+00 : f32
    %broadcast_in_dim3A_5 = vector.broadcast %broadcast_in_dim3A : f32 to vector<16xf32>
    %scan3A = arith.constant 0 : i32
    %scan3A_6 = arith.constant 40 : i32
    %scan3A_7 = arith.addi %scan3A, %scan3A_6 : i32
    %scan3A_8 = arith.constant 1 : i32
    scf.for %scan3A_15 = %scan3A to %scan3A_7 step %scan3A_8  : i32 {
      %mul3A_16 = arith.constant 1 : i32
      %mul3A_17 = arith.muli %scan3A_15, %mul3A_16 : i32
      %add3A_18 = arith.constant 0 : i32
      %add3A_19 = arith.addi %add3A_18, %mul3A_17 : i32
      %scan3A_20 = arith.constant 0 : i32
      %scan3A_21 = arith.constant 8 : i32
      %scan3A_22 = arith.addi %scan3A_20, %scan3A_21 : i32
      %scan3A_23 = arith.constant 1 : i32
      scf.for %scan3A_25 = %scan3A_20 to %scan3A_22 step %scan3A_23  : i32 {
        %mul3A_26 = arith.constant 1 : i32
        %mul3A_27 = arith.muli %scan3A_25, %mul3A_26 : i32
        %add3A_28 = arith.constant 0 : i32
        %add3A_29 = arith.addi %add3A_28, %mul3A_27 : i32
        %mul3A_30 = arith.constant 16 : i32
        %mul3A_31 = arith.muli %add3A_29, %mul3A_30 : i32
        %get3A = arith.index_cast %add3A_19 : i32 to index
        %get3A_32 = arith.index_cast %mul3A_31 : i32 to index
        %get3A_33 = tpu.vector_load %arg5[%get3A, %get3A_32] {strides = array<i32>} : memref<40x128xi32, #tpu.memory_space<vmem>>, vector<16xi32>,
        tpu.vector_store_idx %arg6[%get3A_33], %broadcast_in_dim3A_5 {add = true} : memref<10240xf32, #tpu.memory_space<vmem>>[vector<16xi32>], vector<16xf32>,
      }
      %scan3A_24 = arith.constant 8 : i32
    }
    %scan3A_9 = arith.constant 40 : i32
    "tpu.region"() ({
      %run_scoped3A = tpu.sem_alloc : memref<!tpu.dma_semaphore, #tpu.memory_space<semaphore_mem>>
      %dma_start3A = arith.constant 0 : i32
      %dma_start3A_15 = tpu.memref_slice %arg9[%arg1, %dma_start3A] : memref<16x10240xf32, #tpu.memory_space<vmem_shared>> -> memref<1x10240xf32, #tpu.memory_space<vmem_shared>>
      %dma_start3A_16 = tpu.memref_squeeze %dma_start3A_15 : memref<1x10240xf32, #tpu.memory_space<vmem_shared>> -> memref<10240xf32, #tpu.memory_space<vmem_shared>>
      %dma_start3A_17 = arith.constant 0 : i32
      %dma_start3A_18 = tpu.memref_slice %arg9[%arg1, %dma_start3A_17] : memref<16x10240xf32, #tpu.memory_space<vmem_shared>> -> memref<1x10240xf32, #tpu.memory_space<vmem_shared>>
      %dma_start3A_19 = tpu.memref_squeeze %dma_start3A_18 : memref<1x10240xf32, #tpu.memory_space<vmem_shared>> -> memref<10240xf32, #tpu.memory_space<vmem_shared>>
      tpu.enqueue_dma source(%arg6 : memref<10240xf32, #tpu.memory_space<vmem>>) target(%dma_start3A_19 : memref<10240xf32, #tpu.memory_space<vmem_shared>>) target_semaphore(%run_scoped3A : memref<!tpu.dma_semaphore, #tpu.memory_space<semaphore_mem>>)
      %dma_wait3A = arith.constant 0 : i32
      %dma_wait3A_20 = tpu.memref_slice %arg9[%arg1, %dma_wait3A] : memref<16x10240xf32, #tpu.memory_space<vmem_shared>> -> memref<1x10240xf32, #tpu.memory_space<vmem_shared>>
      %dma_wait3A_21 = tpu.memref_squeeze %dma_wait3A_20 : memref<1x10240xf32, #tpu.memory_space<vmem_shared>> -> memref<10240xf32, #tpu.memory_space<vmem_shared>>
      %dma_wait3A_22 = arith.constant 0 : i32
      %dma_wait3A_23 = tpu.memref_slice %arg9[%arg1, %dma_wait3A_22] : memref<16x10240xf32, #tpu.memory_space<vmem_shared>> -> memref<1x10240xf32, #tpu.memory_space<vmem_shared>>
      %dma_wait3A_24 = tpu.memref_squeeze %dma_wait3A_23 : memref<1x10240xf32, #tpu.memory_space<vmem_shared>> -> memref<10240xf32, #tpu.memory_space<vmem_shared>>
      tpu.wait_dma2 semaphore(%run_scoped3A : memref<!tpu.dma_semaphore, #tpu.memory_space<semaphore_mem>>) src(%arg6 : memref<10240xf32, #tpu.memory_space<vmem>>) dst(%dma_wait3A_24 : memref<10240xf32, #tpu.memory_space<vmem_shared>>)
      tpu.yield
    }) : () -> ()
    %barrier3A = arith.constant 0 : index
    tpu.barrier barrier_id(%barrier3A)
    "tpu.region"() ({
      %run_scoped3A = tpu.sem_alloc : memref<!tpu.dma_semaphore, #tpu.memory_space<semaphore_mem>>
      %dma_start3A = arith.constant 0 : i32
      %dma_start3A_15 = tpu.memref_slice %arg9[%dma_start3A, %mul3A_0] : memref<16x10240xf32, #tpu.memory_space<vmem_shared>> -> memref<16x640xf32, #tpu.memory_space<vmem_shared>>
      %dma_start3A_16 = arith.constant 0 : i32
      %dma_start3A_17 = tpu.memref_slice %arg9[%dma_start3A_16, %mul3A_0] : memref<16x10240xf32, #tpu.memory_space<vmem_shared>> -> memref<16x640xf32, #tpu.memory_space<vmem_shared>>
      tpu.enqueue_dma source(%dma_start3A_17 : memref<16x640xf32, #tpu.memory_space<vmem_shared>>) target(%arg7 : memref<16x640xf32, #tpu.memory_space<vmem>>) target_semaphore(%run_scoped3A : memref<!tpu.dma_semaphore, #tpu.memory_space<semaphore_mem>>)
      %dma_wait3A = arith.constant 0 : i32
      %dma_wait3A_18 = tpu.memref_slice %arg9[%dma_wait3A, %mul3A_0] : memref<16x10240xf32, #tpu.memory_space<vmem_shared>> -> memref<16x640xf32, #tpu.memory_space<vmem_shared>>
      %dma_wait3A_19 = arith.constant 0 : i32
      %dma_wait3A_20 = tpu.memref_slice %arg9[%dma_wait3A_19, %mul3A_0] : memref<16x10240xf32, #tpu.memory_space<vmem_shared>> -> memref<16x640xf32, #tpu.memory_space<vmem_shared>>
      tpu.wait_dma2 semaphore(%run_scoped3A : memref<!tpu.dma_semaphore, #tpu.memory_space<semaphore_mem>>) src(%dma_wait3A_20 : memref<16x640xf32, #tpu.memory_space<vmem_shared>>) dst(%arg7 : memref<16x640xf32, #tpu.memory_space<vmem>>)
      tpu.yield
    }) : () -> ()
    %scan3A_10 = arith.constant 0 : i32
    %scan3A_11 = arith.constant 40 : i32
    %scan3A_12 = arith.addi %scan3A_10, %scan3A_11 : i32
    %scan3A_13 = arith.constant 1 : i32
    scf.for %scan3A_15 = %scan3A_10 to %scan3A_12 step %scan3A_13  : i32 {
      %mul3A_16 = arith.constant 1 : i32
      %mul3A_17 = arith.muli %scan3A_15, %mul3A_16 : i32
      %add3A_18 = arith.constant 0 : i32
      %add3A_19 = arith.addi %add3A_18, %mul3A_17 : i32
      %mul3A_20 = arith.constant 16 : i32
      %mul3A_21 = arith.muli %add3A_19, %mul3A_20 : i32
      %get3A = arith.constant 0 : i32
      %get3A_22 = arith.index_cast %get3A : i32 to index
      %get3A_23 = arith.index_cast %mul3A_21 : i32 to index
      %get3A_24 = tpu.vector_load %arg7[%get3A_22, %get3A_23] {strides = array<i32>} : memref<16x640xf32, #tpu.memory_space<vmem>>, vector<16xf32>,
      %mul3A_25 = arith.constant 16 : i32
      %mul3A_26 = arith.muli %add3A_19, %mul3A_25 : i32
      %get3A_27 = arith.constant 1 : i32
      %get3A_28 = arith.index_cast %get3A_27 : i32 to index
      %get3A_29 = arith.index_cast %mul3A_26 : i32 to index
      %get3A_30 = tpu.vector_load %arg7[%get3A_28, %get3A_29] {strides = array<i32>} : memref<16x640xf32, #tpu.memory_space<vmem>>, vector<16xf32>,
      %add3A_31 = arith.addf %get3A_24, %get3A_30 : vector<16xf32>
      %mul3A_32 = arith.constant 16 : i32
      %mul3A_33 = arith.muli %add3A_19, %mul3A_32 : i32
      %get3A_34 = arith.constant 2 : i32
      %get3A_35 = arith.index_cast %get3A_34 : i32 to index
      %get3A_36 = arith.index_cast %mul3A_33 : i32 to index
      %get3A_37 = tpu.vector_load %arg7[%get3A_35, %get3A_36] {strides = array<i32>} : memref<16x640xf32, #tpu.memory_space<vmem>>, vector<16xf32>,
      %add3A_38 = arith.addf %add3A_31, %get3A_37 : vector<16xf32>
      %mul3A_39 = arith.constant 16 : i32
      %mul3A_40 = arith.muli %add3A_19, %mul3A_39 : i32
      %get3A_41 = arith.constant 3 : i32
      %get3A_42 = arith.index_cast %get3A_41 : i32 to index
      %get3A_43 = arith.index_cast %mul3A_40 : i32 to index
      %get3A_44 = tpu.vector_load %arg7[%get3A_42, %get3A_43] {strides = array<i32>} : memref<16x640xf32, #tpu.memory_space<vmem>>, vector<16xf32>,
      %add3A_45 = arith.addf %add3A_38, %get3A_44 : vector<16xf32>
      %mul3A_46 = arith.constant 16 : i32
      %mul3A_47 = arith.muli %add3A_19, %mul3A_46 : i32
      %get3A_48 = arith.constant 4 : i32
      %get3A_49 = arith.index_cast %get3A_48 : i32 to index
      %get3A_50 = arith.index_cast %mul3A_47 : i32 to index
      %get3A_51 = tpu.vector_load %arg7[%get3A_49, %get3A_50] {strides = array<i32>} : memref<16x640xf32, #tpu.memory_space<vmem>>, vector<16xf32>,
      %add3A_52 = arith.addf %add3A_45, %get3A_51 : vector<16xf32>
      %mul3A_53 = arith.constant 16 : i32
      %mul3A_54 = arith.muli %add3A_19, %mul3A_53 : i32
      %get3A_55 = arith.constant 5 : i32
      %get3A_56 = arith.index_cast %get3A_55 : i32 to index
      %get3A_57 = arith.index_cast %mul3A_54 : i32 to index
      %get3A_58 = tpu.vector_load %arg7[%get3A_56, %get3A_57] {strides = array<i32>} : memref<16x640xf32, #tpu.memory_space<vmem>>, vector<16xf32>,
      %add3A_59 = arith.addf %add3A_52, %get3A_58 : vector<16xf32>
      %mul3A_60 = arith.constant 16 : i32
      %mul3A_61 = arith.muli %add3A_19, %mul3A_60 : i32
      %get3A_62 = arith.constant 6 : i32
      %get3A_63 = arith.index_cast %get3A_62 : i32 to index
      %get3A_64 = arith.index_cast %mul3A_61 : i32 to index
      %get3A_65 = tpu.vector_load %arg7[%get3A_63, %get3A_64] {strides = array<i32>} : memref<16x640xf32, #tpu.memory_space<vmem>>, vector<16xf32>,
      %add3A_66 = arith.addf %add3A_59, %get3A_65 : vector<16xf32>
      %mul3A_67 = arith.constant 16 : i32
      %mul3A_68 = arith.muli %add3A_19, %mul3A_67 : i32
      %get3A_69 = arith.constant 7 : i32
      %get3A_70 = arith.index_cast %get3A_69 : i32 to index
      %get3A_71 = arith.index_cast %mul3A_68 : i32 to index
      %get3A_72 = tpu.vector_load %arg7[%get3A_70, %get3A_71] {strides = array<i32>} : memref<16x640xf32, #tpu.memory_space<vmem>>, vector<16xf32>,
      %add3A_73 = arith.addf %add3A_66, %get3A_72 : vector<16xf32>
      %mul3A_74 = arith.constant 16 : i32
      %mul3A_75 = arith.muli %add3A_19, %mul3A_74 : i32
      %get3A_76 = arith.constant 8 : i32
      %get3A_77 = arith.index_cast %get3A_76 : i32 to index
      %get3A_78 = arith.index_cast %mul3A_75 : i32 to index
      %get3A_79 = tpu.vector_load %arg7[%get3A_77, %get3A_78] {strides = array<i32>} : memref<16x640xf32, #tpu.memory_space<vmem>>, vector<16xf32>,
      %add3A_80 = arith.addf %add3A_73, %get3A_79 : vector<16xf32>
      %mul3A_81 = arith.constant 16 : i32
      %mul3A_82 = arith.muli %add3A_19, %mul3A_81 : i32
      %get3A_83 = arith.constant 9 : i32
      %get3A_84 = arith.index_cast %get3A_83 : i32 to index
      %get3A_85 = arith.index_cast %mul3A_82 : i32 to index
      %get3A_86 = tpu.vector_load %arg7[%get3A_84, %get3A_85] {strides = array<i32>} : memref<16x640xf32, #tpu.memory_space<vmem>>, vector<16xf32>,
      %add3A_87 = arith.addf %add3A_80, %get3A_86 : vector<16xf32>
      %mul3A_88 = arith.constant 16 : i32
      %mul3A_89 = arith.muli %add3A_19, %mul3A_88 : i32
      %get3A_90 = arith.constant 10 : i32
      %get3A_91 = arith.index_cast %get3A_90 : i32 to index
      %get3A_92 = arith.index_cast %mul3A_89 : i32 to index
      %get3A_93 = tpu.vector_load %arg7[%get3A_91, %get3A_92] {strides = array<i32>} : memref<16x640xf32, #tpu.memory_space<vmem>>, vector<16xf32>,
      %add3A_94 = arith.addf %add3A_87, %get3A_93 : vector<16xf32>
      %mul3A_95 = arith.constant 16 : i32
      %mul3A_96 = arith.muli %add3A_19, %mul3A_95 : i32
      %get3A_97 = arith.constant 11 : i32
      %get3A_98 = arith.index_cast %get3A_97 : i32 to index
      %get3A_99 = arith.index_cast %mul3A_96 : i32 to index
      %get3A_100 = tpu.vector_load %arg7[%get3A_98, %get3A_99] {strides = array<i32>} : memref<16x640xf32, #tpu.memory_space<vmem>>, vector<16xf32>,
      %add3A_101 = arith.addf %add3A_94, %get3A_100 : vector<16xf32>
      %mul3A_102 = arith.constant 16 : i32
      %mul3A_103 = arith.muli %add3A_19, %mul3A_102 : i32
      %get3A_104 = arith.constant 12 : i32
      %get3A_105 = arith.index_cast %get3A_104 : i32 to index
      %get3A_106 = arith.index_cast %mul3A_103 : i32 to index
      %get3A_107 = tpu.vector_load %arg7[%get3A_105, %get3A_106] {strides = array<i32>} : memref<16x640xf32, #tpu.memory_space<vmem>>, vector<16xf32>,
      %add3A_108 = arith.addf %add3A_101, %get3A_107 : vector<16xf32>
      %mul3A_109 = arith.constant 16 : i32
      %mul3A_110 = arith.muli %add3A_19, %mul3A_109 : i32
      %get3A_111 = arith.constant 13 : i32
      %get3A_112 = arith.index_cast %get3A_111 : i32 to index
      %get3A_113 = arith.index_cast %mul3A_110 : i32 to index
      %get3A_114 = tpu.vector_load %arg7[%get3A_112, %get3A_113] {strides = array<i32>} : memref<16x640xf32, #tpu.memory_space<vmem>>, vector<16xf32>,
      %add3A_115 = arith.addf %add3A_108, %get3A_114 : vector<16xf32>
      %mul3A_116 = arith.constant 16 : i32
      %mul3A_117 = arith.muli %add3A_19, %mul3A_116 : i32
      %get3A_118 = arith.constant 14 : i32
      %get3A_119 = arith.index_cast %get3A_118 : i32 to index
      %get3A_120 = arith.index_cast %mul3A_117 : i32 to index
      %get3A_121 = tpu.vector_load %arg7[%get3A_119, %get3A_120] {strides = array<i32>} : memref<16x640xf32, #tpu.memory_space<vmem>>, vector<16xf32>,
      %add3A_122 = arith.addf %add3A_115, %get3A_121 : vector<16xf32>
      %mul3A_123 = arith.constant 16 : i32
      %mul3A_124 = arith.muli %add3A_19, %mul3A_123 : i32
      %get3A_125 = arith.constant 15 : i32
      %get3A_126 = arith.index_cast %get3A_125 : i32 to index
      %get3A_127 = arith.index_cast %mul3A_124 : i32 to index
      %get3A_128 = tpu.vector_load %arg7[%get3A_126, %get3A_127] {strides = array<i32>} : memref<16x640xf32, #tpu.memory_space<vmem>>, vector<16xf32>,
      %add3A_129 = arith.addf %add3A_122, %get3A_128 : vector<16xf32>
      %mul3A_130 = arith.constant 16 : i32
      %mul3A_131 = arith.muli %add3A_19, %mul3A_130 : i32
      %swap3A = arith.index_cast %mul3A_131 : i32 to index
      %swap3A_132 = tpu.vector_load %arg8[%swap3A] {strides = array<i32>} : memref<640xf32, #tpu.memory_space<vmem>>, vector<16xf32>,
      tpu.vector_store %arg8[%swap3A], %add3A_129 {strides = array<i32>} : memref<640xf32, #tpu.memory_space<vmem>>, vector<16xf32>,
    }
    %scan3A_14 = arith.constant 40 : i32
    "tpu.region"() ({
      %run_scoped3A = tpu.sem_alloc : memref<!tpu.dma_semaphore, #tpu.memory_space<semaphore_mem>>
      %dma_start3A = tpu.memref_slice %arg4[%arg0, %mul3A_0] : memref<2x10240xf32, #tpu.memory_space<hbm>> -> memref<1x640xf32, #tpu.memory_space<hbm>>
      %dma_start3A_15 = tpu.memref_squeeze %dma_start3A : memref<1x640xf32, #tpu.memory_space<hbm>> -> memref<640xf32, #tpu.memory_space<hbm>>
      %dma_start3A_16 = tpu.memref_slice %arg4[%arg0, %mul3A_0] : memref<2x10240xf32, #tpu.memory_space<hbm>> -> memref<1x640xf32, #tpu.memory_space<hbm>>
      %dma_start3A_17 = tpu.memref_squeeze %dma_start3A_16 : memref<1x640xf32, #tpu.memory_space<hbm>> -> memref<640xf32, #tpu.memory_space<hbm>>
      tpu.enqueue_dma source(%arg8 : memref<640xf32, #tpu.memory_space<vmem>>) target(%dma_start3A_17 : memref<640xf32, #tpu.memory_space<hbm>>) target_semaphore(%run_scoped3A : memref<!tpu.dma_semaphore, #tpu.memory_space<semaphore_mem>>)
      %dma_wait3A = tpu.memref_slice %arg4[%arg0, %mul3A_0] : memref<2x10240xf32, #tpu.memory_space<hbm>> -> memref<1x640xf32, #tpu.memory_space<hbm>>
      %dma_wait3A_18 = tpu.memref_squeeze %dma_wait3A : memref<1x640xf32, #tpu.memory_space<hbm>> -> memref<640xf32, #tpu.memory_space<hbm>>
      %dma_wait3A_19 = tpu.memref_slice %arg4[%arg0, %mul3A_0] : memref<2x10240xf32, #tpu.memory_space<hbm>> -> memref<1x640xf32, #tpu.memory_space<hbm>>
      %dma_wait3A_20 = tpu.memref_squeeze %dma_wait3A_19 : memref<1x640xf32, #tpu.memory_space<hbm>> -> memref<640xf32, #tpu.memory_space<hbm>>
      tpu.wait_dma2 semaphore(%run_scoped3A : memref<!tpu.dma_semaphore, #tpu.memory_space<semaphore_mem>>) src(%arg8 : memref<640xf32, #tpu.memory_space<vmem>>) dst(%dma_wait3A_20 : memref<640xf32, #tpu.memory_space<hbm>>)
      tpu.yield
    }) : () -> ()
    return
  }
}

#map = affine_map<(d0, d1) -> (0, 0)>
module attributes {stable_mosaic.version = 14 : i64} {
  func.func @_aggregate_kernel(%arg0: i32, %arg1: i32, %arg2: memref<10240x128xf32, #tpu.memory_space<hbm>>, %arg3: memref<10240x128xf32, #tpu.memory_space<hbm>>, %arg4: memref<1280x128xi32, #tpu.memory_space<hbm>>, %arg5: memref<1280x128xi32, #tpu.memory_space<hbm>>, %arg6: memref<10240x128xf32, #tpu.memory_space<hbm>>, %arg7: memref<10240x128xf32, #tpu.memory_space<hbm>>, %arg8: memref<40x128xi32, #tpu.memory_space<vmem>>, %arg9: memref<40x128xi32, #tpu.memory_space<vmem>>, %arg10: memref<128x128xf32, #tpu.memory_space<vmem>>, %arg11: memref<128x128xf32, #tpu.memory_space<vmem>>, %arg12: memref<10240x128xf32, #tpu.memory_space<vmem_shared>>, %arg13: memref<!tpu.dma_semaphore, #tpu.memory_space<semaphore_mem>>, %arg14: memref<!tpu.dma_semaphore, #tpu.memory_space<semaphore_mem>>) attributes {dimension_semantics = [#tpu.dimension_semantics<core_parallel>, #tpu.dimension_semantics<subcore_parallel>], iteration_bounds = array<i64: 2, 16>, scalar_prefetch = 0 : i64, scratch_operands = 7 : i64, tpu.core_type = #tpu.core_type<sc_vector_subcore>, window_params = [{transform_indices = #map}, {transform_indices = #map}, {transform_indices = #map}, {transform_indices = #map}, {transform_indices = #map}, {transform_indices = #map}]} {
    %mul3A = arith.constant 640 : i32
    %mul3A_0 = arith.muli %arg1, %mul3A : i32
    %mul3A_1 = arith.constant 80 : i32
    %mul3A_2 = arith.muli %arg1, %mul3A_1 : i32
    %eq3A = arith.constant 0 : i32
    %eq3A_3 = arith.cmpi eq, %arg0, %eq3A : i32
    %convert_element_type3A = arith.extui %eq3A_3 : i1 to i32
    %cond3A = arith.constant 0 : i32
    %cond3A_4 = arith.cmpi ne, %convert_element_type3A, %cond3A : i32
    scf.if %cond3A_4 {
      "tpu.region"() ({
        %run_scoped3A = tpu.sem_alloc : memref<!tpu.dma_semaphore, #tpu.memory_space<semaphore_mem>>
        %dma_start3A = arith.constant 0 : i32
        %dma_start3A_15 = tpu.memref_slice %arg12[%mul3A_0, %dma_start3A] : memref<10240x128xf32, #tpu.memory_space<vmem_shared>> -> memref<640x128xf32, #tpu.memory_space<vmem_shared>>
        %dma_start3A_16 = arith.constant 0 : i32
        %dma_start3A_17 = tpu.memref_slice %arg2[%mul3A_0, %dma_start3A_16] : memref<10240x128xf32, #tpu.memory_space<hbm>> -> memref<640x128xf32, #tpu.memory_space<hbm>>
        tpu.enqueue_dma source(%dma_start3A_17 : memref<640x128xf32, #tpu.memory_space<hbm>>) target(%dma_start3A_15 : memref<640x128xf32, #tpu.memory_space<vmem_shared>>) target_semaphore(%run_scoped3A : memref<!tpu.dma_semaphore, #tpu.memory_space<semaphore_mem>>)
        %dma_wait3A = arith.constant 0 : i32
        %dma_wait3A_18 = tpu.memref_slice %arg12[%mul3A_0, %dma_wait3A] : memref<10240x128xf32, #tpu.memory_space<vmem_shared>> -> memref<640x128xf32, #tpu.memory_space<vmem_shared>>
        %dma_wait3A_19 = arith.constant 0 : i32
        %dma_wait3A_20 = tpu.memref_slice %arg2[%mul3A_0, %dma_wait3A_19] : memref<10240x128xf32, #tpu.memory_space<hbm>> -> memref<640x128xf32, #tpu.memory_space<hbm>>
        tpu.wait_dma2 semaphore(%run_scoped3A : memref<!tpu.dma_semaphore, #tpu.memory_space<semaphore_mem>>) src(%dma_wait3A_20 : memref<640x128xf32, #tpu.memory_space<hbm>>) dst(%dma_wait3A_18 : memref<640x128xf32, #tpu.memory_space<vmem_shared>>)
        tpu.yield
      }) : () -> ()
      %barrier3A = arith.constant 0 : index
      tpu.barrier barrier_id(%barrier3A)
      %scan3A = arith.constant 0 : i32
      %scan3A_10 = arith.constant 2 : i32
      %scan3A_11 = arith.addi %scan3A, %scan3A_10 : i32
      %scan3A_12 = arith.constant 1 : i32
      scf.for %scan3A_15 = %scan3A to %scan3A_11 step %scan3A_12  : i32 {
        %mul3A_16 = arith.constant 1 : i32
        %mul3A_17 = arith.muli %scan3A_15, %mul3A_16 : i32
        %add3A = arith.constant 0 : i32
        %add3A_18 = arith.addi %add3A, %mul3A_17 : i32
        %mul3A_19 = arith.constant 40 : i32
        %mul3A_20 = arith.muli %add3A_18, %mul3A_19 : i32
        %add3A_21 = arith.addi %mul3A_2, %mul3A_20 : i32
        "tpu.region"() ({
          %run_scoped3A = tpu.sem_alloc : memref<!tpu.dma_semaphore, #tpu.memory_space<semaphore_mem>>
          %dma_start3A_36 = arith.constant 0 : i32
          %dma_start3A_37 = tpu.memref_slice %arg4[%add3A_21, %dma_start3A_36] : memref<1280x128xi32, #tpu.memory_space<hbm>> -> memref<40x128xi32, #tpu.memory_space<hbm>>
          %dma_start3A_38 = arith.constant 0 : i32
          %dma_start3A_39 = tpu.memref_slice %arg4[%add3A_21, %dma_start3A_38] : memref<1280x128xi32, #tpu.memory_space<hbm>> -> memref<40x128xi32, #tpu.memory_space<hbm>>
          tpu.enqueue_dma source(%dma_start3A_39 : memref<40x128xi32, #tpu.memory_space<hbm>>) target(%arg8 : memref<40x128xi32, #tpu.memory_space<vmem>>) target_semaphore(%run_scoped3A : memref<!tpu.dma_semaphore, #tpu.memory_space<semaphore_mem>>)
          %dma_wait3A = arith.constant 0 : i32
          %dma_wait3A_40 = tpu.memref_slice %arg4[%add3A_21, %dma_wait3A] : memref<1280x128xi32, #tpu.memory_space<hbm>> -> memref<40x128xi32, #tpu.memory_space<hbm>>
          %dma_wait3A_41 = arith.constant 0 : i32
          %dma_wait3A_42 = tpu.memref_slice %arg4[%add3A_21, %dma_wait3A_41] : memref<1280x128xi32, #tpu.memory_space<hbm>> -> memref<40x128xi32, #tpu.memory_space<hbm>>
          tpu.wait_dma2 semaphore(%run_scoped3A : memref<!tpu.dma_semaphore, #tpu.memory_space<semaphore_mem>>) src(%dma_wait3A_42 : memref<40x128xi32, #tpu.memory_space<hbm>>) dst(%arg8 : memref<40x128xi32, #tpu.memory_space<vmem>>)
          tpu.yield
        }) : () -> ()
        %mul3A_22 = arith.constant 40 : i32
        %mul3A_23 = arith.muli %add3A_18, %mul3A_22 : i32
        %add3A_24 = arith.addi %mul3A_2, %mul3A_23 : i32
        "tpu.region"() ({
          %run_scoped3A = tpu.sem_alloc : memref<!tpu.dma_semaphore, #tpu.memory_space<semaphore_mem>>
          %dma_start3A_36 = arith.constant 0 : i32
          %dma_start3A_37 = tpu.memref_slice %arg5[%add3A_24, %dma_start3A_36] : memref<1280x128xi32, #tpu.memory_space<hbm>> -> memref<40x128xi32, #tpu.memory_space<hbm>>
          %dma_start3A_38 = arith.constant 0 : i32
          %dma_start3A_39 = tpu.memref_slice %arg5[%add3A_24, %dma_start3A_38] : memref<1280x128xi32, #tpu.memory_space<hbm>> -> memref<40x128xi32, #tpu.memory_space<hbm>>
          tpu.enqueue_dma source(%dma_start3A_39 : memref<40x128xi32, #tpu.memory_space<hbm>>) target(%arg9 : memref<40x128xi32, #tpu.memory_space<vmem>>) target_semaphore(%run_scoped3A : memref<!tpu.dma_semaphore, #tpu.memory_space<semaphore_mem>>)
          %dma_wait3A = arith.constant 0 : i32
          %dma_wait3A_40 = tpu.memref_slice %arg5[%add3A_24, %dma_wait3A] : memref<1280x128xi32, #tpu.memory_space<hbm>> -> memref<40x128xi32, #tpu.memory_space<hbm>>
          %dma_wait3A_41 = arith.constant 0 : i32
          %dma_wait3A_42 = tpu.memref_slice %arg5[%add3A_24, %dma_wait3A_41] : memref<1280x128xi32, #tpu.memory_space<hbm>> -> memref<40x128xi32, #tpu.memory_space<hbm>>
          tpu.wait_dma2 semaphore(%run_scoped3A : memref<!tpu.dma_semaphore, #tpu.memory_space<semaphore_mem>>) src(%dma_wait3A_42 : memref<40x128xi32, #tpu.memory_space<hbm>>) dst(%arg9 : memref<40x128xi32, #tpu.memory_space<vmem>>)
          tpu.yield
        }) : () -> ()
        %dma_start3A = arith.constant 0 : i32
        %dma_start3A_25 = arith.constant 0 : i32
        %dma_start3A_26 = tpu.memref_slice %arg8[%dma_start3A, %dma_start3A_25] : memref<40x128xi32, #tpu.memory_space<vmem>> -> memref<1x128xi32, #tpu.memory_space<vmem>>
        %dma_start3A_27 = tpu.memref_squeeze %dma_start3A_26 : memref<1x128xi32, #tpu.memory_space<vmem>> -> memref<128xi32, #tpu.memory_space<vmem>>
        %dma_start3A_28 = arith.constant 0 : i32
        %dma_start3A_29 = arith.constant 0 : i32
        %dma_start3A_30 = tpu.memref_slice %arg2[%dma_start3A_28, %dma_start3A_29] : memref<10240x128xf32, #tpu.memory_space<hbm>> -> memref<10240x128xf32, #tpu.memory_space<hbm>>
        tpu.enqueue_indirect_dma source(%dma_start3A_30 : memref<10240x128xf32, #tpu.memory_space<hbm>>) target(%arg10 : memref<128x128xf32, #tpu.memory_space<vmem>>) offsets(%dma_start3A_27 : memref<128xi32, #tpu.memory_space<vmem>>) semaphore(%arg13 : memref<!tpu.dma_semaphore, #tpu.memory_space<semaphore_mem>>)
        %scan3A_31 = arith.constant 0 : i32
        %scan3A_32 = arith.constant 20 : i32
        %scan3A_33 = arith.addi %scan3A_31, %scan3A_32 : i32
        %scan3A_34 = arith.constant 1 : i32
        scf.for %scan3A_36 = %scan3A_31 to %scan3A_33 step %scan3A_34  : i32 {
          %mul3A_37 = arith.constant 2 : i32
          %mul3A_38 = arith.muli %scan3A_36, %mul3A_37 : i32
          %add3A_39 = arith.constant 0 : i32
          %add3A_40 = arith.addi %add3A_39, %mul3A_38 : i32
          %add3A_41 = arith.constant 1 : i32
          %add3A_42 = arith.addi %add3A_40, %add3A_41 : i32
          %dma_start3A_43 = arith.constant 0 : i32
          %dma_start3A_44 = tpu.memref_slice %arg8[%add3A_42, %dma_start3A_43] : memref<40x128xi32, #tpu.memory_space<vmem>> -> memref<1x128xi32, #tpu.memory_space<vmem>>
          %dma_start3A_45 = tpu.memref_squeeze %dma_start3A_44 : memref<1x128xi32, #tpu.memory_space<vmem>> -> memref<128xi32, #tpu.memory_space<vmem>>
          %dma_start3A_46 = arith.constant 0 : i32
          %dma_start3A_47 = arith.constant 0 : i32
          %dma_start3A_48 = tpu.memref_slice %arg2[%dma_start3A_46, %dma_start3A_47] : memref<10240x128xf32, #tpu.memory_space<hbm>> -> memref<10240x128xf32, #tpu.memory_space<hbm>>
          tpu.enqueue_indirect_dma source(%dma_start3A_48 : memref<10240x128xf32, #tpu.memory_space<hbm>>) target(%arg11 : memref<128x128xf32, #tpu.memory_space<vmem>>) offsets(%dma_start3A_45 : memref<128xi32, #tpu.memory_space<vmem>>) semaphore(%arg14 : memref<!tpu.dma_semaphore, #tpu.memory_space<semaphore_mem>>)
          %dma_wait3A = arith.constant 0 : i32
          %dma_wait3A_49 = tpu.memref_slice %arg8[%add3A_40, %dma_wait3A] : memref<40x128xi32, #tpu.memory_space<vmem>> -> memref<1x128xi32, #tpu.memory_space<vmem>>
          %dma_wait3A_50 = tpu.memref_squeeze %dma_wait3A_49 : memref<1x128xi32, #tpu.memory_space<vmem>> -> memref<128xi32, #tpu.memory_space<vmem>>
          %dma_wait3A_51 = arith.constant 0 : i32
          %dma_wait3A_52 = arith.constant 0 : i32
          %dma_wait3A_53 = tpu.memref_slice %arg2[%dma_wait3A_51, %dma_wait3A_52] : memref<10240x128xf32, #tpu.memory_space<hbm>> -> memref<10240x128xf32, #tpu.memory_space<hbm>>
          tpu.wait_indirect_dma semaphore(%arg13 : memref<!tpu.dma_semaphore, #tpu.memory_space<semaphore_mem>>) src(%dma_wait3A_53 : memref<10240x128xf32, #tpu.memory_space<hbm>>) dst(%arg10 : memref<128x128xf32, #tpu.memory_space<vmem>>)
          "tpu.region"() ({
            %run_scoped3A = tpu.sem_alloc : memref<!tpu.dma_semaphore, #tpu.memory_space<semaphore_mem>>
            %dma_start3A_70 = arith.constant 0 : i32
            %dma_start3A_71 = tpu.memref_slice %arg9[%add3A_40, %dma_start3A_70] : memref<40x128xi32, #tpu.memory_space<vmem>> -> memref<1x128xi32, #tpu.memory_space<vmem>>
            %dma_start3A_72 = tpu.memref_squeeze %dma_start3A_71 : memref<1x128xi32, #tpu.memory_space<vmem>> -> memref<128xi32, #tpu.memory_space<vmem>>
            %dma_start3A_73 = arith.constant 0 : i32
            %dma_start3A_74 = arith.constant 0 : i32
            %dma_start3A_75 = tpu.memref_slice %arg12[%dma_start3A_73, %dma_start3A_74] : memref<10240x128xf32, #tpu.memory_space<vmem_shared>> -> memref<10240x128xf32, #tpu.memory_space<vmem_shared>>
            tpu.enqueue_indirect_dma source(%arg10 : memref<128x128xf32, #tpu.memory_space<vmem>>) target(%dma_start3A_75 : memref<10240x128xf32, #tpu.memory_space<vmem_shared>>) offsets(%dma_start3A_72 : memref<128xi32, #tpu.memory_space<vmem>>) semaphore(%run_scoped3A : memref<!tpu.dma_semaphore, #tpu.memory_space<semaphore_mem>>) {add = true}
            %dma_wait3A_76 = arith.constant 0 : i32
            %dma_wait3A_77 = tpu.memref_slice %arg9[%add3A_40, %dma_wait3A_76] : memref<40x128xi32, #tpu.memory_space<vmem>> -> memref<1x128xi32, #tpu.memory_space<vmem>>
            %dma_wait3A_78 = tpu.memref_squeeze %dma_wait3A_77 : memref<1x128xi32, #tpu.memory_space<vmem>> -> memref<128xi32, #tpu.memory_space<vmem>>
            %dma_wait3A_79 = arith.constant 0 : i32
            %dma_wait3A_80 = arith.constant 0 : i32
            %dma_wait3A_81 = tpu.memref_slice %arg12[%dma_wait3A_79, %dma_wait3A_80] : memref<10240x128xf32, #tpu.memory_space<vmem_shared>> -> memref<10240x128xf32, #tpu.memory_space<vmem_shared>>
            tpu.wait_indirect_dma semaphore(%run_scoped3A : memref<!tpu.dma_semaphore, #tpu.memory_space<semaphore_mem>>) src(%arg10 : memref<128x128xf32, #tpu.memory_space<vmem>>) dst(%dma_wait3A_81 : memref<10240x128xf32, #tpu.memory_space<vmem_shared>>)
            tpu.yield
          }) : () -> ()
          %add3A_54 = arith.constant 2 : i32
          %add3A_55 = arith.addi %add3A_40, %add3A_54 : i32
          %lt3A = arith.constant 40 : i32
          %lt3A_56 = arith.cmpi slt, %add3A_55, %lt3A : i32
          %convert_element_type3A_57 = arith.extui %lt3A_56 : i1 to i32
          %cond3A_58 = arith.constant 0 : i32
          %cond3A_59 = arith.cmpi ne, %convert_element_type3A_57, %cond3A_58 : i32
          scf.if %cond3A_59 {
            %add3A_70 = arith.constant 2 : i32
            %add3A_71 = arith.addi %add3A_40, %add3A_70 : i32
            %dma_start3A_72 = arith.constant 0 : i32
            %dma_start3A_73 = tpu.memref_slice %arg8[%add3A_71, %dma_start3A_72] : memref<40x128xi32, #tpu.memory_space<vmem>> -> memref<1x128xi32, #tpu.memory_space<vmem>>
            %dma_start3A_74 = tpu.memref_squeeze %dma_start3A_73 : memref<1x128xi32, #tpu.memory_space<vmem>> -> memref<128xi32, #tpu.memory_space<vmem>>
            %dma_start3A_75 = arith.constant 0 : i32
            %dma_start3A_76 = arith.constant 0 : i32
            %dma_start3A_77 = tpu.memref_slice %arg2[%dma_start3A_75, %dma_start3A_76] : memref<10240x128xf32, #tpu.memory_space<hbm>> -> memref<10240x128xf32, #tpu.memory_space<hbm>>
            tpu.enqueue_indirect_dma source(%dma_start3A_77 : memref<10240x128xf32, #tpu.memory_space<hbm>>) target(%arg10 : memref<128x128xf32, #tpu.memory_space<vmem>>) offsets(%dma_start3A_74 : memref<128xi32, #tpu.memory_space<vmem>>) semaphore(%arg13 : memref<!tpu.dma_semaphore, #tpu.memory_space<semaphore_mem>>)
          } else {
          }
          %add3A_60 = arith.constant 1 : i32
          %add3A_61 = arith.addi %add3A_40, %add3A_60 : i32
          %dma_wait3A_62 = arith.constant 0 : i32
          %dma_wait3A_63 = tpu.memref_slice %arg8[%add3A_61, %dma_wait3A_62] : memref<40x128xi32, #tpu.memory_space<vmem>> -> memref<1x128xi32, #tpu.memory_space<vmem>>
          %dma_wait3A_64 = tpu.memref_squeeze %dma_wait3A_63 : memref<1x128xi32, #tpu.memory_space<vmem>> -> memref<128xi32, #tpu.memory_space<vmem>>
          %dma_wait3A_65 = arith.constant 0 : i32
          %dma_wait3A_66 = arith.constant 0 : i32
          %dma_wait3A_67 = tpu.memref_slice %arg2[%dma_wait3A_65, %dma_wait3A_66] : memref<10240x128xf32, #tpu.memory_space<hbm>> -> memref<10240x128xf32, #tpu.memory_space<hbm>>
          tpu.wait_indirect_dma semaphore(%arg14 : memref<!tpu.dma_semaphore, #tpu.memory_space<semaphore_mem>>) src(%dma_wait3A_67 : memref<10240x128xf32, #tpu.memory_space<hbm>>) dst(%arg11 : memref<128x128xf32, #tpu.memory_space<vmem>>)
          %add3A_68 = arith.constant 1 : i32
          %add3A_69 = arith.addi %add3A_40, %add3A_68 : i32
          "tpu.region"() ({
            %run_scoped3A = tpu.sem_alloc : memref<!tpu.dma_semaphore, #tpu.memory_space<semaphore_mem>>
            %dma_start3A_70 = arith.constant 0 : i32
            %dma_start3A_71 = tpu.memref_slice %arg9[%add3A_69, %dma_start3A_70] : memref<40x128xi32, #tpu.memory_space<vmem>> -> memref<1x128xi32, #tpu.memory_space<vmem>>
            %dma_start3A_72 = tpu.memref_squeeze %dma_start3A_71 : memref<1x128xi32, #tpu.memory_space<vmem>> -> memref<128xi32, #tpu.memory_space<vmem>>
            %dma_start3A_73 = arith.constant 0 : i32
            %dma_start3A_74 = arith.constant 0 : i32
            %dma_start3A_75 = tpu.memref_slice %arg12[%dma_start3A_73, %dma_start3A_74] : memref<10240x128xf32, #tpu.memory_space<vmem_shared>> -> memref<10240x128xf32, #tpu.memory_space<vmem_shared>>
            tpu.enqueue_indirect_dma source(%arg11 : memref<128x128xf32, #tpu.memory_space<vmem>>) target(%dma_start3A_75 : memref<10240x128xf32, #tpu.memory_space<vmem_shared>>) offsets(%dma_start3A_72 : memref<128xi32, #tpu.memory_space<vmem>>) semaphore(%run_scoped3A : memref<!tpu.dma_semaphore, #tpu.memory_space<semaphore_mem>>) {add = true}
            %dma_wait3A_76 = arith.constant 0 : i32
            %dma_wait3A_77 = tpu.memref_slice %arg9[%add3A_69, %dma_wait3A_76] : memref<40x128xi32, #tpu.memory_space<vmem>> -> memref<1x128xi32, #tpu.memory_space<vmem>>
            %dma_wait3A_78 = tpu.memref_squeeze %dma_wait3A_77 : memref<1x128xi32, #tpu.memory_space<vmem>> -> memref<128xi32, #tpu.memory_space<vmem>>
            %dma_wait3A_79 = arith.constant 0 : i32
            %dma_wait3A_80 = arith.constant 0 : i32
            %dma_wait3A_81 = tpu.memref_slice %arg12[%dma_wait3A_79, %dma_wait3A_80] : memref<10240x128xf32, #tpu.memory_space<vmem_shared>> -> memref<10240x128xf32, #tpu.memory_space<vmem_shared>>
            tpu.wait_indirect_dma semaphore(%run_scoped3A : memref<!tpu.dma_semaphore, #tpu.memory_space<semaphore_mem>>) src(%arg11 : memref<128x128xf32, #tpu.memory_space<vmem>>) dst(%dma_wait3A_81 : memref<10240x128xf32, #tpu.memory_space<vmem_shared>>)
            tpu.yield
          }) : () -> ()
        }
        %scan3A_35 = arith.constant 20 : i32
      }
      %scan3A_13 = arith.constant 2 : i32
      %barrier3A_14 = arith.constant 0 : index
      tpu.barrier barrier_id(%barrier3A_14)
      "tpu.region"() ({
        %run_scoped3A = tpu.sem_alloc : memref<!tpu.dma_semaphore, #tpu.memory_space<semaphore_mem>>
        %dma_start3A = arith.constant 0 : i32
        %dma_start3A_15 = tpu.memref_slice %arg6[%mul3A_0, %dma_start3A] : memref<10240x128xf32, #tpu.memory_space<hbm>> -> memref<640x128xf32, #tpu.memory_space<hbm>>
        %dma_start3A_16 = arith.constant 0 : i32
        %dma_start3A_17 = tpu.memref_slice %arg12[%mul3A_0, %dma_start3A_16] : memref<10240x128xf32, #tpu.memory_space<vmem_shared>> -> memref<640x128xf32, #tpu.memory_space<vmem_shared>>
        tpu.enqueue_dma source(%dma_start3A_17 : memref<640x128xf32, #tpu.memory_space<vmem_shared>>) target(%dma_start3A_15 : memref<640x128xf32, #tpu.memory_space<hbm>>) target_semaphore(%run_scoped3A : memref<!tpu.dma_semaphore, #tpu.memory_space<semaphore_mem>>)
        %dma_wait3A = arith.constant 0 : i32
        %dma_wait3A_18 = tpu.memref_slice %arg6[%mul3A_0, %dma_wait3A] : memref<10240x128xf32, #tpu.memory_space<hbm>> -> memref<640x128xf32, #tpu.memory_space<hbm>>
        %dma_wait3A_19 = arith.constant 0 : i32
        %dma_wait3A_20 = tpu.memref_slice %arg12[%mul3A_0, %dma_wait3A_19] : memref<10240x128xf32, #tpu.memory_space<vmem_shared>> -> memref<640x128xf32, #tpu.memory_space<vmem_shared>>
        tpu.wait_dma2 semaphore(%run_scoped3A : memref<!tpu.dma_semaphore, #tpu.memory_space<semaphore_mem>>) src(%dma_wait3A_20 : memref<640x128xf32, #tpu.memory_space<vmem_shared>>) dst(%dma_wait3A_18 : memref<640x128xf32, #tpu.memory_space<hbm>>)
        tpu.yield
      }) : () -> ()
    } else {
    }
    %eq3A_5 = arith.constant 1 : i32
    %eq3A_6 = arith.cmpi eq, %arg0, %eq3A_5 : i32
    %convert_element_type3A_7 = arith.extui %eq3A_6 : i1 to i32
    %cond3A_8 = arith.constant 0 : i32
    %cond3A_9 = arith.cmpi ne, %convert_element_type3A_7, %cond3A_8 : i32
    scf.if %cond3A_9 {
      "tpu.region"() ({
        %run_scoped3A = tpu.sem_alloc : memref<!tpu.dma_semaphore, #tpu.memory_space<semaphore_mem>>
        %dma_start3A = arith.constant 0 : i32
        %dma_start3A_15 = tpu.memref_slice %arg12[%mul3A_0, %dma_start3A] : memref<10240x128xf32, #tpu.memory_space<vmem_shared>> -> memref<640x128xf32, #tpu.memory_space<vmem_shared>>
        %dma_start3A_16 = arith.constant 0 : i32
        %dma_start3A_17 = tpu.memref_slice %arg3[%mul3A_0, %dma_start3A_16] : memref<10240x128xf32, #tpu.memory_space<hbm>> -> memref<640x128xf32, #tpu.memory_space<hbm>>
        tpu.enqueue_dma source(%dma_start3A_17 : memref<640x128xf32, #tpu.memory_space<hbm>>) target(%dma_start3A_15 : memref<640x128xf32, #tpu.memory_space<vmem_shared>>) target_semaphore(%run_scoped3A : memref<!tpu.dma_semaphore, #tpu.memory_space<semaphore_mem>>)
        %dma_wait3A = arith.constant 0 : i32
        %dma_wait3A_18 = tpu.memref_slice %arg12[%mul3A_0, %dma_wait3A] : memref<10240x128xf32, #tpu.memory_space<vmem_shared>> -> memref<640x128xf32, #tpu.memory_space<vmem_shared>>
        %dma_wait3A_19 = arith.constant 0 : i32
        %dma_wait3A_20 = tpu.memref_slice %arg3[%mul3A_0, %dma_wait3A_19] : memref<10240x128xf32, #tpu.memory_space<hbm>> -> memref<640x128xf32, #tpu.memory_space<hbm>>
        tpu.wait_dma2 semaphore(%run_scoped3A : memref<!tpu.dma_semaphore, #tpu.memory_space<semaphore_mem>>) src(%dma_wait3A_20 : memref<640x128xf32, #tpu.memory_space<hbm>>) dst(%dma_wait3A_18 : memref<640x128xf32, #tpu.memory_space<vmem_shared>>)
        tpu.yield
      }) : () -> ()
      %barrier3A = arith.constant 0 : index
      tpu.barrier barrier_id(%barrier3A)
      %scan3A = arith.constant 0 : i32
      %scan3A_10 = arith.constant 2 : i32
      %scan3A_11 = arith.addi %scan3A, %scan3A_10 : i32
      %scan3A_12 = arith.constant 1 : i32
      scf.for %scan3A_15 = %scan3A to %scan3A_11 step %scan3A_12  : i32 {
        %mul3A_16 = arith.constant 1 : i32
        %mul3A_17 = arith.muli %scan3A_15, %mul3A_16 : i32
        %add3A = arith.constant 0 : i32
        %add3A_18 = arith.addi %add3A, %mul3A_17 : i32
        %mul3A_19 = arith.constant 40 : i32
        %mul3A_20 = arith.muli %add3A_18, %mul3A_19 : i32
        %add3A_21 = arith.addi %mul3A_2, %mul3A_20 : i32
        "tpu.region"() ({
          %run_scoped3A = tpu.sem_alloc : memref<!tpu.dma_semaphore, #tpu.memory_space<semaphore_mem>>
          %dma_start3A_36 = arith.constant 0 : i32
          %dma_start3A_37 = tpu.memref_slice %arg4[%add3A_21, %dma_start3A_36] : memref<1280x128xi32, #tpu.memory_space<hbm>> -> memref<40x128xi32, #tpu.memory_space<hbm>>
          %dma_start3A_38 = arith.constant 0 : i32
          %dma_start3A_39 = tpu.memref_slice %arg4[%add3A_21, %dma_start3A_38] : memref<1280x128xi32, #tpu.memory_space<hbm>> -> memref<40x128xi32, #tpu.memory_space<hbm>>
          tpu.enqueue_dma source(%dma_start3A_39 : memref<40x128xi32, #tpu.memory_space<hbm>>) target(%arg8 : memref<40x128xi32, #tpu.memory_space<vmem>>) target_semaphore(%run_scoped3A : memref<!tpu.dma_semaphore, #tpu.memory_space<semaphore_mem>>)
          %dma_wait3A = arith.constant 0 : i32
          %dma_wait3A_40 = tpu.memref_slice %arg4[%add3A_21, %dma_wait3A] : memref<1280x128xi32, #tpu.memory_space<hbm>> -> memref<40x128xi32, #tpu.memory_space<hbm>>
          %dma_wait3A_41 = arith.constant 0 : i32
          %dma_wait3A_42 = tpu.memref_slice %arg4[%add3A_21, %dma_wait3A_41] : memref<1280x128xi32, #tpu.memory_space<hbm>> -> memref<40x128xi32, #tpu.memory_space<hbm>>
          tpu.wait_dma2 semaphore(%run_scoped3A : memref<!tpu.dma_semaphore, #tpu.memory_space<semaphore_mem>>) src(%dma_wait3A_42 : memref<40x128xi32, #tpu.memory_space<hbm>>) dst(%arg8 : memref<40x128xi32, #tpu.memory_space<vmem>>)
          tpu.yield
        }) : () -> ()
        %mul3A_22 = arith.constant 40 : i32
        %mul3A_23 = arith.muli %add3A_18, %mul3A_22 : i32
        %add3A_24 = arith.addi %mul3A_2, %mul3A_23 : i32
        "tpu.region"() ({
          %run_scoped3A = tpu.sem_alloc : memref<!tpu.dma_semaphore, #tpu.memory_space<semaphore_mem>>
          %dma_start3A_36 = arith.constant 0 : i32
          %dma_start3A_37 = tpu.memref_slice %arg5[%add3A_24, %dma_start3A_36] : memref<1280x128xi32, #tpu.memory_space<hbm>> -> memref<40x128xi32, #tpu.memory_space<hbm>>
          %dma_start3A_38 = arith.constant 0 : i32
          %dma_start3A_39 = tpu.memref_slice %arg5[%add3A_24, %dma_start3A_38] : memref<1280x128xi32, #tpu.memory_space<hbm>> -> memref<40x128xi32, #tpu.memory_space<hbm>>
          tpu.enqueue_dma source(%dma_start3A_39 : memref<40x128xi32, #tpu.memory_space<hbm>>) target(%arg9 : memref<40x128xi32, #tpu.memory_space<vmem>>) target_semaphore(%run_scoped3A : memref<!tpu.dma_semaphore, #tpu.memory_space<semaphore_mem>>)
          %dma_wait3A = arith.constant 0 : i32
          %dma_wait3A_40 = tpu.memref_slice %arg5[%add3A_24, %dma_wait3A] : memref<1280x128xi32, #tpu.memory_space<hbm>> -> memref<40x128xi32, #tpu.memory_space<hbm>>
          %dma_wait3A_41 = arith.constant 0 : i32
          %dma_wait3A_42 = tpu.memref_slice %arg5[%add3A_24, %dma_wait3A_41] : memref<1280x128xi32, #tpu.memory_space<hbm>> -> memref<40x128xi32, #tpu.memory_space<hbm>>
          tpu.wait_dma2 semaphore(%run_scoped3A : memref<!tpu.dma_semaphore, #tpu.memory_space<semaphore_mem>>) src(%dma_wait3A_42 : memref<40x128xi32, #tpu.memory_space<hbm>>) dst(%arg9 : memref<40x128xi32, #tpu.memory_space<vmem>>)
          tpu.yield
        }) : () -> ()
        %dma_start3A = arith.constant 0 : i32
        %dma_start3A_25 = arith.constant 0 : i32
        %dma_start3A_26 = tpu.memref_slice %arg8[%dma_start3A, %dma_start3A_25] : memref<40x128xi32, #tpu.memory_space<vmem>> -> memref<1x128xi32, #tpu.memory_space<vmem>>
        %dma_start3A_27 = tpu.memref_squeeze %dma_start3A_26 : memref<1x128xi32, #tpu.memory_space<vmem>> -> memref<128xi32, #tpu.memory_space<vmem>>
        %dma_start3A_28 = arith.constant 0 : i32
        %dma_start3A_29 = arith.constant 0 : i32
        %dma_start3A_30 = tpu.memref_slice %arg3[%dma_start3A_28, %dma_start3A_29] : memref<10240x128xf32, #tpu.memory_space<hbm>> -> memref<10240x128xf32, #tpu.memory_space<hbm>>
        tpu.enqueue_indirect_dma source(%dma_start3A_30 : memref<10240x128xf32, #tpu.memory_space<hbm>>) target(%arg10 : memref<128x128xf32, #tpu.memory_space<vmem>>) offsets(%dma_start3A_27 : memref<128xi32, #tpu.memory_space<vmem>>) semaphore(%arg13 : memref<!tpu.dma_semaphore, #tpu.memory_space<semaphore_mem>>)
        %scan3A_31 = arith.constant 0 : i32
        %scan3A_32 = arith.constant 20 : i32
        %scan3A_33 = arith.addi %scan3A_31, %scan3A_32 : i32
        %scan3A_34 = arith.constant 1 : i32
        scf.for %scan3A_36 = %scan3A_31 to %scan3A_33 step %scan3A_34  : i32 {
          %mul3A_37 = arith.constant 2 : i32
          %mul3A_38 = arith.muli %scan3A_36, %mul3A_37 : i32
          %add3A_39 = arith.constant 0 : i32
          %add3A_40 = arith.addi %add3A_39, %mul3A_38 : i32
          %add3A_41 = arith.constant 1 : i32
          %add3A_42 = arith.addi %add3A_40, %add3A_41 : i32
          %dma_start3A_43 = arith.constant 0 : i32
          %dma_start3A_44 = tpu.memref_slice %arg8[%add3A_42, %dma_start3A_43] : memref<40x128xi32, #tpu.memory_space<vmem>> -> memref<1x128xi32, #tpu.memory_space<vmem>>
          %dma_start3A_45 = tpu.memref_squeeze %dma_start3A_44 : memref<1x128xi32, #tpu.memory_space<vmem>> -> memref<128xi32, #tpu.memory_space<vmem>>
          %dma_start3A_46 = arith.constant 0 : i32
          %dma_start3A_47 = arith.constant 0 : i32
          %dma_start3A_48 = tpu.memref_slice %arg3[%dma_start3A_46, %dma_start3A_47] : memref<10240x128xf32, #tpu.memory_space<hbm>> -> memref<10240x128xf32, #tpu.memory_space<hbm>>
          tpu.enqueue_indirect_dma source(%dma_start3A_48 : memref<10240x128xf32, #tpu.memory_space<hbm>>) target(%arg11 : memref<128x128xf32, #tpu.memory_space<vmem>>) offsets(%dma_start3A_45 : memref<128xi32, #tpu.memory_space<vmem>>) semaphore(%arg14 : memref<!tpu.dma_semaphore, #tpu.memory_space<semaphore_mem>>)
          %dma_wait3A = arith.constant 0 : i32
          %dma_wait3A_49 = tpu.memref_slice %arg8[%add3A_40, %dma_wait3A] : memref<40x128xi32, #tpu.memory_space<vmem>> -> memref<1x128xi32, #tpu.memory_space<vmem>>
          %dma_wait3A_50 = tpu.memref_squeeze %dma_wait3A_49 : memref<1x128xi32, #tpu.memory_space<vmem>> -> memref<128xi32, #tpu.memory_space<vmem>>
          %dma_wait3A_51 = arith.constant 0 : i32
          %dma_wait3A_52 = arith.constant 0 : i32
          %dma_wait3A_53 = tpu.memref_slice %arg3[%dma_wait3A_51, %dma_wait3A_52] : memref<10240x128xf32, #tpu.memory_space<hbm>> -> memref<10240x128xf32, #tpu.memory_space<hbm>>
          tpu.wait_indirect_dma semaphore(%arg13 : memref<!tpu.dma_semaphore, #tpu.memory_space<semaphore_mem>>) src(%dma_wait3A_53 : memref<10240x128xf32, #tpu.memory_space<hbm>>) dst(%arg10 : memref<128x128xf32, #tpu.memory_space<vmem>>)
          "tpu.region"() ({
            %run_scoped3A = tpu.sem_alloc : memref<!tpu.dma_semaphore, #tpu.memory_space<semaphore_mem>>
            %dma_start3A_70 = arith.constant 0 : i32
            %dma_start3A_71 = tpu.memref_slice %arg9[%add3A_40, %dma_start3A_70] : memref<40x128xi32, #tpu.memory_space<vmem>> -> memref<1x128xi32, #tpu.memory_space<vmem>>
            %dma_start3A_72 = tpu.memref_squeeze %dma_start3A_71 : memref<1x128xi32, #tpu.memory_space<vmem>> -> memref<128xi32, #tpu.memory_space<vmem>>
            %dma_start3A_73 = arith.constant 0 : i32
            %dma_start3A_74 = arith.constant 0 : i32
            %dma_start3A_75 = tpu.memref_slice %arg12[%dma_start3A_73, %dma_start3A_74] : memref<10240x128xf32, #tpu.memory_space<vmem_shared>> -> memref<10240x128xf32, #tpu.memory_space<vmem_shared>>
            tpu.enqueue_indirect_dma source(%arg10 : memref<128x128xf32, #tpu.memory_space<vmem>>) target(%dma_start3A_75 : memref<10240x128xf32, #tpu.memory_space<vmem_shared>>) offsets(%dma_start3A_72 : memref<128xi32, #tpu.memory_space<vmem>>) semaphore(%run_scoped3A : memref<!tpu.dma_semaphore, #tpu.memory_space<semaphore_mem>>) {add = true}
            %dma_wait3A_76 = arith.constant 0 : i32
            %dma_wait3A_77 = tpu.memref_slice %arg9[%add3A_40, %dma_wait3A_76] : memref<40x128xi32, #tpu.memory_space<vmem>> -> memref<1x128xi32, #tpu.memory_space<vmem>>
            %dma_wait3A_78 = tpu.memref_squeeze %dma_wait3A_77 : memref<1x128xi32, #tpu.memory_space<vmem>> -> memref<128xi32, #tpu.memory_space<vmem>>
            %dma_wait3A_79 = arith.constant 0 : i32
            %dma_wait3A_80 = arith.constant 0 : i32
            %dma_wait3A_81 = tpu.memref_slice %arg12[%dma_wait3A_79, %dma_wait3A_80] : memref<10240x128xf32, #tpu.memory_space<vmem_shared>> -> memref<10240x128xf32, #tpu.memory_space<vmem_shared>>
            tpu.wait_indirect_dma semaphore(%run_scoped3A : memref<!tpu.dma_semaphore, #tpu.memory_space<semaphore_mem>>) src(%arg10 : memref<128x128xf32, #tpu.memory_space<vmem>>) dst(%dma_wait3A_81 : memref<10240x128xf32, #tpu.memory_space<vmem_shared>>)
            tpu.yield
          }) : () -> ()
          %add3A_54 = arith.constant 2 : i32
          %add3A_55 = arith.addi %add3A_40, %add3A_54 : i32
          %lt3A = arith.constant 40 : i32
          %lt3A_56 = arith.cmpi slt, %add3A_55, %lt3A : i32
          %convert_element_type3A_57 = arith.extui %lt3A_56 : i1 to i32
          %cond3A_58 = arith.constant 0 : i32
          %cond3A_59 = arith.cmpi ne, %convert_element_type3A_57, %cond3A_58 : i32
          scf.if %cond3A_59 {
            %add3A_70 = arith.constant 2 : i32
            %add3A_71 = arith.addi %add3A_40, %add3A_70 : i32
            %dma_start3A_72 = arith.constant 0 : i32
            %dma_start3A_73 = tpu.memref_slice %arg8[%add3A_71, %dma_start3A_72] : memref<40x128xi32, #tpu.memory_space<vmem>> -> memref<1x128xi32, #tpu.memory_space<vmem>>
            %dma_start3A_74 = tpu.memref_squeeze %dma_start3A_73 : memref<1x128xi32, #tpu.memory_space<vmem>> -> memref<128xi32, #tpu.memory_space<vmem>>
            %dma_start3A_75 = arith.constant 0 : i32
            %dma_start3A_76 = arith.constant 0 : i32
            %dma_start3A_77 = tpu.memref_slice %arg3[%dma_start3A_75, %dma_start3A_76] : memref<10240x128xf32, #tpu.memory_space<hbm>> -> memref<10240x128xf32, #tpu.memory_space<hbm>>
            tpu.enqueue_indirect_dma source(%dma_start3A_77 : memref<10240x128xf32, #tpu.memory_space<hbm>>) target(%arg10 : memref<128x128xf32, #tpu.memory_space<vmem>>) offsets(%dma_start3A_74 : memref<128xi32, #tpu.memory_space<vmem>>) semaphore(%arg13 : memref<!tpu.dma_semaphore, #tpu.memory_space<semaphore_mem>>)
          } else {
          }
          %add3A_60 = arith.constant 1 : i32
          %add3A_61 = arith.addi %add3A_40, %add3A_60 : i32
          %dma_wait3A_62 = arith.constant 0 : i32
          %dma_wait3A_63 = tpu.memref_slice %arg8[%add3A_61, %dma_wait3A_62] : memref<40x128xi32, #tpu.memory_space<vmem>> -> memref<1x128xi32, #tpu.memory_space<vmem>>
          %dma_wait3A_64 = tpu.memref_squeeze %dma_wait3A_63 : memref<1x128xi32, #tpu.memory_space<vmem>> -> memref<128xi32, #tpu.memory_space<vmem>>
          %dma_wait3A_65 = arith.constant 0 : i32
          %dma_wait3A_66 = arith.constant 0 : i32
          %dma_wait3A_67 = tpu.memref_slice %arg3[%dma_wait3A_65, %dma_wait3A_66] : memref<10240x128xf32, #tpu.memory_space<hbm>> -> memref<10240x128xf32, #tpu.memory_space<hbm>>
          tpu.wait_indirect_dma semaphore(%arg14 : memref<!tpu.dma_semaphore, #tpu.memory_space<semaphore_mem>>) src(%dma_wait3A_67 : memref<10240x128xf32, #tpu.memory_space<hbm>>) dst(%arg11 : memref<128x128xf32, #tpu.memory_space<vmem>>)
          %add3A_68 = arith.constant 1 : i32
          %add3A_69 = arith.addi %add3A_40, %add3A_68 : i32
          "tpu.region"() ({
            %run_scoped3A = tpu.sem_alloc : memref<!tpu.dma_semaphore, #tpu.memory_space<semaphore_mem>>
            %dma_start3A_70 = arith.constant 0 : i32
            %dma_start3A_71 = tpu.memref_slice %arg9[%add3A_69, %dma_start3A_70] : memref<40x128xi32, #tpu.memory_space<vmem>> -> memref<1x128xi32, #tpu.memory_space<vmem>>
            %dma_start3A_72 = tpu.memref_squeeze %dma_start3A_71 : memref<1x128xi32, #tpu.memory_space<vmem>> -> memref<128xi32, #tpu.memory_space<vmem>>
            %dma_start3A_73 = arith.constant 0 : i32
            %dma_start3A_74 = arith.constant 0 : i32
            %dma_start3A_75 = tpu.memref_slice %arg12[%dma_start3A_73, %dma_start3A_74] : memref<10240x128xf32, #tpu.memory_space<vmem_shared>> -> memref<10240x128xf32, #tpu.memory_space<vmem_shared>>
            tpu.enqueue_indirect_dma source(%arg11 : memref<128x128xf32, #tpu.memory_space<vmem>>) target(%dma_start3A_75 : memref<10240x128xf32, #tpu.memory_space<vmem_shared>>) offsets(%dma_start3A_72 : memref<128xi32, #tpu.memory_space<vmem>>) semaphore(%run_scoped3A : memref<!tpu.dma_semaphore, #tpu.memory_space<semaphore_mem>>) {add = true}
            %dma_wait3A_76 = arith.constant 0 : i32
            %dma_wait3A_77 = tpu.memref_slice %arg9[%add3A_69, %dma_wait3A_76] : memref<40x128xi32, #tpu.memory_space<vmem>> -> memref<1x128xi32, #tpu.memory_space<vmem>>
            %dma_wait3A_78 = tpu.memref_squeeze %dma_wait3A_77 : memref<1x128xi32, #tpu.memory_space<vmem>> -> memref<128xi32, #tpu.memory_space<vmem>>
            %dma_wait3A_79 = arith.constant 0 : i32
            %dma_wait3A_80 = arith.constant 0 : i32
            %dma_wait3A_81 = tpu.memref_slice %arg12[%dma_wait3A_79, %dma_wait3A_80] : memref<10240x128xf32, #tpu.memory_space<vmem_shared>> -> memref<10240x128xf32, #tpu.memory_space<vmem_shared>>
            tpu.wait_indirect_dma semaphore(%run_scoped3A : memref<!tpu.dma_semaphore, #tpu.memory_space<semaphore_mem>>) src(%arg11 : memref<128x128xf32, #tpu.memory_space<vmem>>) dst(%dma_wait3A_81 : memref<10240x128xf32, #tpu.memory_space<vmem_shared>>)
            tpu.yield
          }) : () -> ()
        }
        %scan3A_35 = arith.constant 20 : i32
      }
      %scan3A_13 = arith.constant 2 : i32
      %barrier3A_14 = arith.constant 0 : index
      tpu.barrier barrier_id(%barrier3A_14)
      "tpu.region"() ({
        %run_scoped3A = tpu.sem_alloc : memref<!tpu.dma_semaphore, #tpu.memory_space<semaphore_mem>>
        %dma_start3A = arith.constant 0 : i32
        %dma_start3A_15 = tpu.memref_slice %arg7[%mul3A_0, %dma_start3A] : memref<10240x128xf32, #tpu.memory_space<hbm>> -> memref<640x128xf32, #tpu.memory_space<hbm>>
        %dma_start3A_16 = arith.constant 0 : i32
        %dma_start3A_17 = tpu.memref_slice %arg12[%mul3A_0, %dma_start3A_16] : memref<10240x128xf32, #tpu.memory_space<vmem_shared>> -> memref<640x128xf32, #tpu.memory_space<vmem_shared>>
        tpu.enqueue_dma source(%dma_start3A_17 : memref<640x128xf32, #tpu.memory_space<vmem_shared>>) target(%dma_start3A_15 : memref<640x128xf32, #tpu.memory_space<hbm>>) target_semaphore(%run_scoped3A : memref<!tpu.dma_semaphore, #tpu.memory_space<semaphore_mem>>)
        %dma_wait3A = arith.constant 0 : i32
        %dma_wait3A_18 = tpu.memref_slice %arg7[%mul3A_0, %dma_wait3A] : memref<10240x128xf32, #tpu.memory_space<hbm>> -> memref<640x128xf32, #tpu.memory_space<hbm>>
        %dma_wait3A_19 = arith.constant 0 : i32
        %dma_wait3A_20 = tpu.memref_slice %arg12[%mul3A_0, %dma_wait3A_19] : memref<10240x128xf32, #tpu.memory_space<vmem_shared>> -> memref<640x128xf32, #tpu.memory_space<vmem_shared>>
        tpu.wait_dma2 semaphore(%run_scoped3A : memref<!tpu.dma_semaphore, #tpu.memory_space<semaphore_mem>>) src(%dma_wait3A_20 : memref<640x128xf32, #tpu.memory_space<vmem_shared>>) dst(%dma_wait3A_18 : memref<640x128xf32, #tpu.memory_space<hbm>>)
        tpu.yield
      }) : () -> ()
    } else {
    }
    return
  }
}

#map = affine_map<(d0, d1) -> (0, 0)>
module attributes {stable_mosaic.version = 14 : i64} {
  func.func @_aggregate_kernel(%arg0: i32, %arg1: i32, %arg2: memref<10240x128xf32, #tpu.memory_space<hbm>>, %arg3: memref<10240x128xf32, #tpu.memory_space<hbm>>, %arg4: memref<1280x128xi32, #tpu.memory_space<hbm>>, %arg5: memref<1280x128xi32, #tpu.memory_space<hbm>>, %arg6: memref<10240x128xf32, #tpu.memory_space<hbm>>, %arg7: memref<10240x128xf32, #tpu.memory_space<hbm>>, %arg8: memref<40x128xi32, #tpu.memory_space<vmem>>, %arg9: memref<40x128xi32, #tpu.memory_space<vmem>>, %arg10: memref<128x128xf32, #tpu.memory_space<vmem>>, %arg11: memref<128x128xf32, #tpu.memory_space<vmem>>, %arg12: memref<10240x128xf32, #tpu.memory_space<vmem_shared>>, %arg13: memref<!tpu.dma_semaphore, #tpu.memory_space<semaphore_mem>>, %arg14: memref<!tpu.dma_semaphore, #tpu.memory_space<semaphore_mem>>) attributes {dimension_semantics = [#tpu.dimension_semantics<core_parallel>, #tpu.dimension_semantics<subcore_parallel>], iteration_bounds = array<i64: 2, 16>, scalar_prefetch = 0 : i64, scratch_operands = 7 : i64, tpu.core_type = #tpu.core_type<sc_vector_subcore>, window_params = [{transform_indices = #map}, {transform_indices = #map}, {transform_indices = #map}, {transform_indices = #map}, {transform_indices = #map}, {transform_indices = #map}]} {
    %mul3A = arith.constant 640 : i32
    %mul3A_0 = arith.muli %arg1, %mul3A : i32
    %mul3A_1 = arith.constant 80 : i32
    %mul3A_2 = arith.muli %arg1, %mul3A_1 : i32
    %eq3A = arith.constant 0 : i32
    %eq3A_3 = arith.cmpi eq, %arg0, %eq3A : i32
    %convert_element_type3A = arith.extui %eq3A_3 : i1 to i32
    %cond3A = arith.constant 0 : i32
    %cond3A_4 = arith.cmpi ne, %convert_element_type3A, %cond3A : i32
    scf.if %cond3A_4 {
      "tpu.region"() ({
        %run_scoped3A = tpu.sem_alloc : memref<!tpu.dma_semaphore, #tpu.memory_space<semaphore_mem>>
        %dma_start3A = arith.constant 0 : i32
        %dma_start3A_15 = tpu.memref_slice %arg12[%mul3A_0, %dma_start3A] : memref<10240x128xf32, #tpu.memory_space<vmem_shared>> -> memref<640x128xf32, #tpu.memory_space<vmem_shared>>
        %dma_start3A_16 = arith.constant 0 : i32
        %dma_start3A_17 = tpu.memref_slice %arg2[%mul3A_0, %dma_start3A_16] : memref<10240x128xf32, #tpu.memory_space<hbm>> -> memref<640x128xf32, #tpu.memory_space<hbm>>
        tpu.enqueue_dma source(%dma_start3A_17 : memref<640x128xf32, #tpu.memory_space<hbm>>) target(%dma_start3A_15 : memref<640x128xf32, #tpu.memory_space<vmem_shared>>) target_semaphore(%run_scoped3A : memref<!tpu.dma_semaphore, #tpu.memory_space<semaphore_mem>>)
        %dma_wait3A = arith.constant 0 : i32
        %dma_wait3A_18 = tpu.memref_slice %arg12[%mul3A_0, %dma_wait3A] : memref<10240x128xf32, #tpu.memory_space<vmem_shared>> -> memref<640x128xf32, #tpu.memory_space<vmem_shared>>
        %dma_wait3A_19 = arith.constant 0 : i32
        %dma_wait3A_20 = tpu.memref_slice %arg2[%mul3A_0, %dma_wait3A_19] : memref<10240x128xf32, #tpu.memory_space<hbm>> -> memref<640x128xf32, #tpu.memory_space<hbm>>
        tpu.wait_dma2 semaphore(%run_scoped3A : memref<!tpu.dma_semaphore, #tpu.memory_space<semaphore_mem>>) src(%dma_wait3A_20 : memref<640x128xf32, #tpu.memory_space<hbm>>) dst(%dma_wait3A_18 : memref<640x128xf32, #tpu.memory_space<vmem_shared>>)
        tpu.yield
      }) : () -> ()
      %barrier3A = arith.constant 0 : index
      tpu.barrier barrier_id(%barrier3A)
      %scan3A = arith.constant 0 : i32
      %scan3A_10 = arith.constant 2 : i32
      %scan3A_11 = arith.addi %scan3A, %scan3A_10 : i32
      %scan3A_12 = arith.constant 1 : i32
      scf.for %scan3A_15 = %scan3A to %scan3A_11 step %scan3A_12  : i32 {
        %mul3A_16 = arith.constant 1 : i32
        %mul3A_17 = arith.muli %scan3A_15, %mul3A_16 : i32
        %add3A = arith.constant 0 : i32
        %add3A_18 = arith.addi %add3A, %mul3A_17 : i32
        %mul3A_19 = arith.constant 40 : i32
        %mul3A_20 = arith.muli %add3A_18, %mul3A_19 : i32
        %add3A_21 = arith.addi %mul3A_2, %mul3A_20 : i32
        "tpu.region"() ({
          %run_scoped3A = tpu.sem_alloc : memref<!tpu.dma_semaphore, #tpu.memory_space<semaphore_mem>>
          %dma_start3A_36 = arith.constant 0 : i32
          %dma_start3A_37 = tpu.memref_slice %arg4[%add3A_21, %dma_start3A_36] : memref<1280x128xi32, #tpu.memory_space<hbm>> -> memref<40x128xi32, #tpu.memory_space<hbm>>
          %dma_start3A_38 = arith.constant 0 : i32
          %dma_start3A_39 = tpu.memref_slice %arg4[%add3A_21, %dma_start3A_38] : memref<1280x128xi32, #tpu.memory_space<hbm>> -> memref<40x128xi32, #tpu.memory_space<hbm>>
          tpu.enqueue_dma source(%dma_start3A_39 : memref<40x128xi32, #tpu.memory_space<hbm>>) target(%arg8 : memref<40x128xi32, #tpu.memory_space<vmem>>) target_semaphore(%run_scoped3A : memref<!tpu.dma_semaphore, #tpu.memory_space<semaphore_mem>>)
          %dma_wait3A = arith.constant 0 : i32
          %dma_wait3A_40 = tpu.memref_slice %arg4[%add3A_21, %dma_wait3A] : memref<1280x128xi32, #tpu.memory_space<hbm>> -> memref<40x128xi32, #tpu.memory_space<hbm>>
          %dma_wait3A_41 = arith.constant 0 : i32
          %dma_wait3A_42 = tpu.memref_slice %arg4[%add3A_21, %dma_wait3A_41] : memref<1280x128xi32, #tpu.memory_space<hbm>> -> memref<40x128xi32, #tpu.memory_space<hbm>>
          tpu.wait_dma2 semaphore(%run_scoped3A : memref<!tpu.dma_semaphore, #tpu.memory_space<semaphore_mem>>) src(%dma_wait3A_42 : memref<40x128xi32, #tpu.memory_space<hbm>>) dst(%arg8 : memref<40x128xi32, #tpu.memory_space<vmem>>)
          tpu.yield
        }) : () -> ()
        %mul3A_22 = arith.constant 40 : i32
        %mul3A_23 = arith.muli %add3A_18, %mul3A_22 : i32
        %add3A_24 = arith.addi %mul3A_2, %mul3A_23 : i32
        "tpu.region"() ({
          %run_scoped3A = tpu.sem_alloc : memref<!tpu.dma_semaphore, #tpu.memory_space<semaphore_mem>>
          %dma_start3A_36 = arith.constant 0 : i32
          %dma_start3A_37 = tpu.memref_slice %arg5[%add3A_24, %dma_start3A_36] : memref<1280x128xi32, #tpu.memory_space<hbm>> -> memref<40x128xi32, #tpu.memory_space<hbm>>
          %dma_start3A_38 = arith.constant 0 : i32
          %dma_start3A_39 = tpu.memref_slice %arg5[%add3A_24, %dma_start3A_38] : memref<1280x128xi32, #tpu.memory_space<hbm>> -> memref<40x128xi32, #tpu.memory_space<hbm>>
          tpu.enqueue_dma source(%dma_start3A_39 : memref<40x128xi32, #tpu.memory_space<hbm>>) target(%arg9 : memref<40x128xi32, #tpu.memory_space<vmem>>) target_semaphore(%run_scoped3A : memref<!tpu.dma_semaphore, #tpu.memory_space<semaphore_mem>>)
          %dma_wait3A = arith.constant 0 : i32
          %dma_wait3A_40 = tpu.memref_slice %arg5[%add3A_24, %dma_wait3A] : memref<1280x128xi32, #tpu.memory_space<hbm>> -> memref<40x128xi32, #tpu.memory_space<hbm>>
          %dma_wait3A_41 = arith.constant 0 : i32
          %dma_wait3A_42 = tpu.memref_slice %arg5[%add3A_24, %dma_wait3A_41] : memref<1280x128xi32, #tpu.memory_space<hbm>> -> memref<40x128xi32, #tpu.memory_space<hbm>>
          tpu.wait_dma2 semaphore(%run_scoped3A : memref<!tpu.dma_semaphore, #tpu.memory_space<semaphore_mem>>) src(%dma_wait3A_42 : memref<40x128xi32, #tpu.memory_space<hbm>>) dst(%arg9 : memref<40x128xi32, #tpu.memory_space<vmem>>)
          tpu.yield
        }) : () -> ()
        %dma_start3A = arith.constant 0 : i32
        %dma_start3A_25 = arith.constant 0 : i32
        %dma_start3A_26 = tpu.memref_slice %arg8[%dma_start3A, %dma_start3A_25] : memref<40x128xi32, #tpu.memory_space<vmem>> -> memref<1x128xi32, #tpu.memory_space<vmem>>
        %dma_start3A_27 = tpu.memref_squeeze %dma_start3A_26 : memref<1x128xi32, #tpu.memory_space<vmem>> -> memref<128xi32, #tpu.memory_space<vmem>>
        %dma_start3A_28 = arith.constant 0 : i32
        %dma_start3A_29 = arith.constant 0 : i32
        %dma_start3A_30 = tpu.memref_slice %arg2[%dma_start3A_28, %dma_start3A_29] : memref<10240x128xf32, #tpu.memory_space<hbm>> -> memref<10240x128xf32, #tpu.memory_space<hbm>>
        tpu.enqueue_indirect_dma source(%dma_start3A_30 : memref<10240x128xf32, #tpu.memory_space<hbm>>) target(%arg10 : memref<128x128xf32, #tpu.memory_space<vmem>>) offsets(%dma_start3A_27 : memref<128xi32, #tpu.memory_space<vmem>>) semaphore(%arg13 : memref<!tpu.dma_semaphore, #tpu.memory_space<semaphore_mem>>)
        %scan3A_31 = arith.constant 0 : i32
        %scan3A_32 = arith.constant 20 : i32
        %scan3A_33 = arith.addi %scan3A_31, %scan3A_32 : i32
        %scan3A_34 = arith.constant 1 : i32
        scf.for %scan3A_36 = %scan3A_31 to %scan3A_33 step %scan3A_34  : i32 {
          %mul3A_37 = arith.constant 2 : i32
          %mul3A_38 = arith.muli %scan3A_36, %mul3A_37 : i32
          %add3A_39 = arith.constant 0 : i32
          %add3A_40 = arith.addi %add3A_39, %mul3A_38 : i32
          %add3A_41 = arith.constant 1 : i32
          %add3A_42 = arith.addi %add3A_40, %add3A_41 : i32
          %dma_start3A_43 = arith.constant 0 : i32
          %dma_start3A_44 = tpu.memref_slice %arg8[%add3A_42, %dma_start3A_43] : memref<40x128xi32, #tpu.memory_space<vmem>> -> memref<1x128xi32, #tpu.memory_space<vmem>>
          %dma_start3A_45 = tpu.memref_squeeze %dma_start3A_44 : memref<1x128xi32, #tpu.memory_space<vmem>> -> memref<128xi32, #tpu.memory_space<vmem>>
          %dma_start3A_46 = arith.constant 0 : i32
          %dma_start3A_47 = arith.constant 0 : i32
          %dma_start3A_48 = tpu.memref_slice %arg2[%dma_start3A_46, %dma_start3A_47] : memref<10240x128xf32, #tpu.memory_space<hbm>> -> memref<10240x128xf32, #tpu.memory_space<hbm>>
          tpu.enqueue_indirect_dma source(%dma_start3A_48 : memref<10240x128xf32, #tpu.memory_space<hbm>>) target(%arg11 : memref<128x128xf32, #tpu.memory_space<vmem>>) offsets(%dma_start3A_45 : memref<128xi32, #tpu.memory_space<vmem>>) semaphore(%arg14 : memref<!tpu.dma_semaphore, #tpu.memory_space<semaphore_mem>>)
          %dma_wait3A = arith.constant 0 : i32
          %dma_wait3A_49 = tpu.memref_slice %arg8[%add3A_40, %dma_wait3A] : memref<40x128xi32, #tpu.memory_space<vmem>> -> memref<1x128xi32, #tpu.memory_space<vmem>>
          %dma_wait3A_50 = tpu.memref_squeeze %dma_wait3A_49 : memref<1x128xi32, #tpu.memory_space<vmem>> -> memref<128xi32, #tpu.memory_space<vmem>>
          %dma_wait3A_51 = arith.constant 0 : i32
          %dma_wait3A_52 = arith.constant 0 : i32
          %dma_wait3A_53 = tpu.memref_slice %arg2[%dma_wait3A_51, %dma_wait3A_52] : memref<10240x128xf32, #tpu.memory_space<hbm>> -> memref<10240x128xf32, #tpu.memory_space<hbm>>
          tpu.wait_indirect_dma semaphore(%arg13 : memref<!tpu.dma_semaphore, #tpu.memory_space<semaphore_mem>>) src(%dma_wait3A_53 : memref<10240x128xf32, #tpu.memory_space<hbm>>) dst(%arg10 : memref<128x128xf32, #tpu.memory_space<vmem>>)
          "tpu.region"() ({
            %run_scoped3A = tpu.sem_alloc : memref<!tpu.dma_semaphore, #tpu.memory_space<semaphore_mem>>
            %dma_start3A_70 = arith.constant 0 : i32
            %dma_start3A_71 = tpu.memref_slice %arg9[%add3A_40, %dma_start3A_70] : memref<40x128xi32, #tpu.memory_space<vmem>> -> memref<1x128xi32, #tpu.memory_space<vmem>>
            %dma_start3A_72 = tpu.memref_squeeze %dma_start3A_71 : memref<1x128xi32, #tpu.memory_space<vmem>> -> memref<128xi32, #tpu.memory_space<vmem>>
            %dma_start3A_73 = arith.constant 0 : i32
            %dma_start3A_74 = arith.constant 0 : i32
            %dma_start3A_75 = tpu.memref_slice %arg12[%dma_start3A_73, %dma_start3A_74] : memref<10240x128xf32, #tpu.memory_space<vmem_shared>> -> memref<10240x128xf32, #tpu.memory_space<vmem_shared>>
            tpu.enqueue_indirect_dma source(%arg10 : memref<128x128xf32, #tpu.memory_space<vmem>>) target(%dma_start3A_75 : memref<10240x128xf32, #tpu.memory_space<vmem_shared>>) offsets(%dma_start3A_72 : memref<128xi32, #tpu.memory_space<vmem>>) semaphore(%run_scoped3A : memref<!tpu.dma_semaphore, #tpu.memory_space<semaphore_mem>>) {add = true}
            %dma_wait3A_76 = arith.constant 0 : i32
            %dma_wait3A_77 = tpu.memref_slice %arg9[%add3A_40, %dma_wait3A_76] : memref<40x128xi32, #tpu.memory_space<vmem>> -> memref<1x128xi32, #tpu.memory_space<vmem>>
            %dma_wait3A_78 = tpu.memref_squeeze %dma_wait3A_77 : memref<1x128xi32, #tpu.memory_space<vmem>> -> memref<128xi32, #tpu.memory_space<vmem>>
            %dma_wait3A_79 = arith.constant 0 : i32
            %dma_wait3A_80 = arith.constant 0 : i32
            %dma_wait3A_81 = tpu.memref_slice %arg12[%dma_wait3A_79, %dma_wait3A_80] : memref<10240x128xf32, #tpu.memory_space<vmem_shared>> -> memref<10240x128xf32, #tpu.memory_space<vmem_shared>>
            tpu.wait_indirect_dma semaphore(%run_scoped3A : memref<!tpu.dma_semaphore, #tpu.memory_space<semaphore_mem>>) src(%arg10 : memref<128x128xf32, #tpu.memory_space<vmem>>) dst(%dma_wait3A_81 : memref<10240x128xf32, #tpu.memory_space<vmem_shared>>)
            tpu.yield
          }) : () -> ()
          %add3A_54 = arith.constant 2 : i32
          %add3A_55 = arith.addi %add3A_40, %add3A_54 : i32
          %lt3A = arith.constant 40 : i32
          %lt3A_56 = arith.cmpi slt, %add3A_55, %lt3A : i32
          %convert_element_type3A_57 = arith.extui %lt3A_56 : i1 to i32
          %cond3A_58 = arith.constant 0 : i32
          %cond3A_59 = arith.cmpi ne, %convert_element_type3A_57, %cond3A_58 : i32
          scf.if %cond3A_59 {
            %add3A_70 = arith.constant 2 : i32
            %add3A_71 = arith.addi %add3A_40, %add3A_70 : i32
            %dma_start3A_72 = arith.constant 0 : i32
            %dma_start3A_73 = tpu.memref_slice %arg8[%add3A_71, %dma_start3A_72] : memref<40x128xi32, #tpu.memory_space<vmem>> -> memref<1x128xi32, #tpu.memory_space<vmem>>
            %dma_start3A_74 = tpu.memref_squeeze %dma_start3A_73 : memref<1x128xi32, #tpu.memory_space<vmem>> -> memref<128xi32, #tpu.memory_space<vmem>>
            %dma_start3A_75 = arith.constant 0 : i32
            %dma_start3A_76 = arith.constant 0 : i32
            %dma_start3A_77 = tpu.memref_slice %arg2[%dma_start3A_75, %dma_start3A_76] : memref<10240x128xf32, #tpu.memory_space<hbm>> -> memref<10240x128xf32, #tpu.memory_space<hbm>>
            tpu.enqueue_indirect_dma source(%dma_start3A_77 : memref<10240x128xf32, #tpu.memory_space<hbm>>) target(%arg10 : memref<128x128xf32, #tpu.memory_space<vmem>>) offsets(%dma_start3A_74 : memref<128xi32, #tpu.memory_space<vmem>>) semaphore(%arg13 : memref<!tpu.dma_semaphore, #tpu.memory_space<semaphore_mem>>)
          } else {
          }
          %add3A_60 = arith.constant 1 : i32
          %add3A_61 = arith.addi %add3A_40, %add3A_60 : i32
          %dma_wait3A_62 = arith.constant 0 : i32
          %dma_wait3A_63 = tpu.memref_slice %arg8[%add3A_61, %dma_wait3A_62] : memref<40x128xi32, #tpu.memory_space<vmem>> -> memref<1x128xi32, #tpu.memory_space<vmem>>
          %dma_wait3A_64 = tpu.memref_squeeze %dma_wait3A_63 : memref<1x128xi32, #tpu.memory_space<vmem>> -> memref<128xi32, #tpu.memory_space<vmem>>
          %dma_wait3A_65 = arith.constant 0 : i32
          %dma_wait3A_66 = arith.constant 0 : i32
          %dma_wait3A_67 = tpu.memref_slice %arg2[%dma_wait3A_65, %dma_wait3A_66] : memref<10240x128xf32, #tpu.memory_space<hbm>> -> memref<10240x128xf32, #tpu.memory_space<hbm>>
          tpu.wait_indirect_dma semaphore(%arg14 : memref<!tpu.dma_semaphore, #tpu.memory_space<semaphore_mem>>) src(%dma_wait3A_67 : memref<10240x128xf32, #tpu.memory_space<hbm>>) dst(%arg11 : memref<128x128xf32, #tpu.memory_space<vmem>>)
          %add3A_68 = arith.constant 1 : i32
          %add3A_69 = arith.addi %add3A_40, %add3A_68 : i32
          "tpu.region"() ({
            %run_scoped3A = tpu.sem_alloc : memref<!tpu.dma_semaphore, #tpu.memory_space<semaphore_mem>>
            %dma_start3A_70 = arith.constant 0 : i32
            %dma_start3A_71 = tpu.memref_slice %arg9[%add3A_69, %dma_start3A_70] : memref<40x128xi32, #tpu.memory_space<vmem>> -> memref<1x128xi32, #tpu.memory_space<vmem>>
            %dma_start3A_72 = tpu.memref_squeeze %dma_start3A_71 : memref<1x128xi32, #tpu.memory_space<vmem>> -> memref<128xi32, #tpu.memory_space<vmem>>
            %dma_start3A_73 = arith.constant 0 : i32
            %dma_start3A_74 = arith.constant 0 : i32
            %dma_start3A_75 = tpu.memref_slice %arg12[%dma_start3A_73, %dma_start3A_74] : memref<10240x128xf32, #tpu.memory_space<vmem_shared>> -> memref<10240x128xf32, #tpu.memory_space<vmem_shared>>
            tpu.enqueue_indirect_dma source(%arg11 : memref<128x128xf32, #tpu.memory_space<vmem>>) target(%dma_start3A_75 : memref<10240x128xf32, #tpu.memory_space<vmem_shared>>) offsets(%dma_start3A_72 : memref<128xi32, #tpu.memory_space<vmem>>) semaphore(%run_scoped3A : memref<!tpu.dma_semaphore, #tpu.memory_space<semaphore_mem>>) {add = true}
            %dma_wait3A_76 = arith.constant 0 : i32
            %dma_wait3A_77 = tpu.memref_slice %arg9[%add3A_69, %dma_wait3A_76] : memref<40x128xi32, #tpu.memory_space<vmem>> -> memref<1x128xi32, #tpu.memory_space<vmem>>
            %dma_wait3A_78 = tpu.memref_squeeze %dma_wait3A_77 : memref<1x128xi32, #tpu.memory_space<vmem>> -> memref<128xi32, #tpu.memory_space<vmem>>
            %dma_wait3A_79 = arith.constant 0 : i32
            %dma_wait3A_80 = arith.constant 0 : i32
            %dma_wait3A_81 = tpu.memref_slice %arg12[%dma_wait3A_79, %dma_wait3A_80] : memref<10240x128xf32, #tpu.memory_space<vmem_shared>> -> memref<10240x128xf32, #tpu.memory_space<vmem_shared>>
            tpu.wait_indirect_dma semaphore(%run_scoped3A : memref<!tpu.dma_semaphore, #tpu.memory_space<semaphore_mem>>) src(%arg11 : memref<128x128xf32, #tpu.memory_space<vmem>>) dst(%dma_wait3A_81 : memref<10240x128xf32, #tpu.memory_space<vmem_shared>>)
            tpu.yield
          }) : () -> ()
        }
        %scan3A_35 = arith.constant 20 : i32
      }
      %scan3A_13 = arith.constant 2 : i32
      %barrier3A_14 = arith.constant 0 : index
      tpu.barrier barrier_id(%barrier3A_14)
      "tpu.region"() ({
        %run_scoped3A = tpu.sem_alloc : memref<!tpu.dma_semaphore, #tpu.memory_space<semaphore_mem>>
        %dma_start3A = arith.constant 0 : i32
        %dma_start3A_15 = tpu.memref_slice %arg6[%mul3A_0, %dma_start3A] : memref<10240x128xf32, #tpu.memory_space<hbm>> -> memref<640x128xf32, #tpu.memory_space<hbm>>
        %dma_start3A_16 = arith.constant 0 : i32
        %dma_start3A_17 = tpu.memref_slice %arg12[%mul3A_0, %dma_start3A_16] : memref<10240x128xf32, #tpu.memory_space<vmem_shared>> -> memref<640x128xf32, #tpu.memory_space<vmem_shared>>
        tpu.enqueue_dma source(%dma_start3A_17 : memref<640x128xf32, #tpu.memory_space<vmem_shared>>) target(%dma_start3A_15 : memref<640x128xf32, #tpu.memory_space<hbm>>) target_semaphore(%run_scoped3A : memref<!tpu.dma_semaphore, #tpu.memory_space<semaphore_mem>>)
        %dma_wait3A = arith.constant 0 : i32
        %dma_wait3A_18 = tpu.memref_slice %arg6[%mul3A_0, %dma_wait3A] : memref<10240x128xf32, #tpu.memory_space<hbm>> -> memref<640x128xf32, #tpu.memory_space<hbm>>
        %dma_wait3A_19 = arith.constant 0 : i32
        %dma_wait3A_20 = tpu.memref_slice %arg12[%mul3A_0, %dma_wait3A_19] : memref<10240x128xf32, #tpu.memory_space<vmem_shared>> -> memref<640x128xf32, #tpu.memory_space<vmem_shared>>
        tpu.wait_dma2 semaphore(%run_scoped3A : memref<!tpu.dma_semaphore, #tpu.memory_space<semaphore_mem>>) src(%dma_wait3A_20 : memref<640x128xf32, #tpu.memory_space<vmem_shared>>) dst(%dma_wait3A_18 : memref<640x128xf32, #tpu.memory_space<hbm>>)
        tpu.yield
      }) : () -> ()
    } else {
    }
    %eq3A_5 = arith.constant 1 : i32
    %eq3A_6 = arith.cmpi eq, %arg0, %eq3A_5 : i32
    %convert_element_type3A_7 = arith.extui %eq3A_6 : i1 to i32
    %cond3A_8 = arith.constant 0 : i32
    %cond3A_9 = arith.cmpi ne, %convert_element_type3A_7, %cond3A_8 : i32
    scf.if %cond3A_9 {
      "tpu.region"() ({
        %run_scoped3A = tpu.sem_alloc : memref<!tpu.dma_semaphore, #tpu.memory_space<semaphore_mem>>
        %dma_start3A = arith.constant 0 : i32
        %dma_start3A_15 = tpu.memref_slice %arg12[%mul3A_0, %dma_start3A] : memref<10240x128xf32, #tpu.memory_space<vmem_shared>> -> memref<640x128xf32, #tpu.memory_space<vmem_shared>>
        %dma_start3A_16 = arith.constant 0 : i32
        %dma_start3A_17 = tpu.memref_slice %arg3[%mul3A_0, %dma_start3A_16] : memref<10240x128xf32, #tpu.memory_space<hbm>> -> memref<640x128xf32, #tpu.memory_space<hbm>>
        tpu.enqueue_dma source(%dma_start3A_17 : memref<640x128xf32, #tpu.memory_space<hbm>>) target(%dma_start3A_15 : memref<640x128xf32, #tpu.memory_space<vmem_shared>>) target_semaphore(%run_scoped3A : memref<!tpu.dma_semaphore, #tpu.memory_space<semaphore_mem>>)
        %dma_wait3A = arith.constant 0 : i32
        %dma_wait3A_18 = tpu.memref_slice %arg12[%mul3A_0, %dma_wait3A] : memref<10240x128xf32, #tpu.memory_space<vmem_shared>> -> memref<640x128xf32, #tpu.memory_space<vmem_shared>>
        %dma_wait3A_19 = arith.constant 0 : i32
        %dma_wait3A_20 = tpu.memref_slice %arg3[%mul3A_0, %dma_wait3A_19] : memref<10240x128xf32, #tpu.memory_space<hbm>> -> memref<640x128xf32, #tpu.memory_space<hbm>>
        tpu.wait_dma2 semaphore(%run_scoped3A : memref<!tpu.dma_semaphore, #tpu.memory_space<semaphore_mem>>) src(%dma_wait3A_20 : memref<640x128xf32, #tpu.memory_space<hbm>>) dst(%dma_wait3A_18 : memref<640x128xf32, #tpu.memory_space<vmem_shared>>)
        tpu.yield
      }) : () -> ()
      %barrier3A = arith.constant 0 : index
      tpu.barrier barrier_id(%barrier3A)
      %scan3A = arith.constant 0 : i32
      %scan3A_10 = arith.constant 2 : i32
      %scan3A_11 = arith.addi %scan3A, %scan3A_10 : i32
      %scan3A_12 = arith.constant 1 : i32
      scf.for %scan3A_15 = %scan3A to %scan3A_11 step %scan3A_12  : i32 {
        %mul3A_16 = arith.constant 1 : i32
        %mul3A_17 = arith.muli %scan3A_15, %mul3A_16 : i32
        %add3A = arith.constant 0 : i32
        %add3A_18 = arith.addi %add3A, %mul3A_17 : i32
        %mul3A_19 = arith.constant 40 : i32
        %mul3A_20 = arith.muli %add3A_18, %mul3A_19 : i32
        %add3A_21 = arith.addi %mul3A_2, %mul3A_20 : i32
        "tpu.region"() ({
          %run_scoped3A = tpu.sem_alloc : memref<!tpu.dma_semaphore, #tpu.memory_space<semaphore_mem>>
          %dma_start3A_36 = arith.constant 0 : i32
          %dma_start3A_37 = tpu.memref_slice %arg4[%add3A_21, %dma_start3A_36] : memref<1280x128xi32, #tpu.memory_space<hbm>> -> memref<40x128xi32, #tpu.memory_space<hbm>>
          %dma_start3A_38 = arith.constant 0 : i32
          %dma_start3A_39 = tpu.memref_slice %arg4[%add3A_21, %dma_start3A_38] : memref<1280x128xi32, #tpu.memory_space<hbm>> -> memref<40x128xi32, #tpu.memory_space<hbm>>
          tpu.enqueue_dma source(%dma_start3A_39 : memref<40x128xi32, #tpu.memory_space<hbm>>) target(%arg8 : memref<40x128xi32, #tpu.memory_space<vmem>>) target_semaphore(%run_scoped3A : memref<!tpu.dma_semaphore, #tpu.memory_space<semaphore_mem>>)
          %dma_wait3A = arith.constant 0 : i32
          %dma_wait3A_40 = tpu.memref_slice %arg4[%add3A_21, %dma_wait3A] : memref<1280x128xi32, #tpu.memory_space<hbm>> -> memref<40x128xi32, #tpu.memory_space<hbm>>
          %dma_wait3A_41 = arith.constant 0 : i32
          %dma_wait3A_42 = tpu.memref_slice %arg4[%add3A_21, %dma_wait3A_41] : memref<1280x128xi32, #tpu.memory_space<hbm>> -> memref<40x128xi32, #tpu.memory_space<hbm>>
          tpu.wait_dma2 semaphore(%run_scoped3A : memref<!tpu.dma_semaphore, #tpu.memory_space<semaphore_mem>>) src(%dma_wait3A_42 : memref<40x128xi32, #tpu.memory_space<hbm>>) dst(%arg8 : memref<40x128xi32, #tpu.memory_space<vmem>>)
          tpu.yield
        }) : () -> ()
        %mul3A_22 = arith.constant 40 : i32
        %mul3A_23 = arith.muli %add3A_18, %mul3A_22 : i32
        %add3A_24 = arith.addi %mul3A_2, %mul3A_23 : i32
        "tpu.region"() ({
          %run_scoped3A = tpu.sem_alloc : memref<!tpu.dma_semaphore, #tpu.memory_space<semaphore_mem>>
          %dma_start3A_36 = arith.constant 0 : i32
          %dma_start3A_37 = tpu.memref_slice %arg5[%add3A_24, %dma_start3A_36] : memref<1280x128xi32, #tpu.memory_space<hbm>> -> memref<40x128xi32, #tpu.memory_space<hbm>>
          %dma_start3A_38 = arith.constant 0 : i32
          %dma_start3A_39 = tpu.memref_slice %arg5[%add3A_24, %dma_start3A_38] : memref<1280x128xi32, #tpu.memory_space<hbm>> -> memref<40x128xi32, #tpu.memory_space<hbm>>
          tpu.enqueue_dma source(%dma_start3A_39 : memref<40x128xi32, #tpu.memory_space<hbm>>) target(%arg9 : memref<40x128xi32, #tpu.memory_space<vmem>>) target_semaphore(%run_scoped3A : memref<!tpu.dma_semaphore, #tpu.memory_space<semaphore_mem>>)
          %dma_wait3A = arith.constant 0 : i32
          %dma_wait3A_40 = tpu.memref_slice %arg5[%add3A_24, %dma_wait3A] : memref<1280x128xi32, #tpu.memory_space<hbm>> -> memref<40x128xi32, #tpu.memory_space<hbm>>
          %dma_wait3A_41 = arith.constant 0 : i32
          %dma_wait3A_42 = tpu.memref_slice %arg5[%add3A_24, %dma_wait3A_41] : memref<1280x128xi32, #tpu.memory_space<hbm>> -> memref<40x128xi32, #tpu.memory_space<hbm>>
          tpu.wait_dma2 semaphore(%run_scoped3A : memref<!tpu.dma_semaphore, #tpu.memory_space<semaphore_mem>>) src(%dma_wait3A_42 : memref<40x128xi32, #tpu.memory_space<hbm>>) dst(%arg9 : memref<40x128xi32, #tpu.memory_space<vmem>>)
          tpu.yield
        }) : () -> ()
        %dma_start3A = arith.constant 0 : i32
        %dma_start3A_25 = arith.constant 0 : i32
        %dma_start3A_26 = tpu.memref_slice %arg8[%dma_start3A, %dma_start3A_25] : memref<40x128xi32, #tpu.memory_space<vmem>> -> memref<1x128xi32, #tpu.memory_space<vmem>>
        %dma_start3A_27 = tpu.memref_squeeze %dma_start3A_26 : memref<1x128xi32, #tpu.memory_space<vmem>> -> memref<128xi32, #tpu.memory_space<vmem>>
        %dma_start3A_28 = arith.constant 0 : i32
        %dma_start3A_29 = arith.constant 0 : i32
        %dma_start3A_30 = tpu.memref_slice %arg3[%dma_start3A_28, %dma_start3A_29] : memref<10240x128xf32, #tpu.memory_space<hbm>> -> memref<10240x128xf32, #tpu.memory_space<hbm>>
        tpu.enqueue_indirect_dma source(%dma_start3A_30 : memref<10240x128xf32, #tpu.memory_space<hbm>>) target(%arg10 : memref<128x128xf32, #tpu.memory_space<vmem>>) offsets(%dma_start3A_27 : memref<128xi32, #tpu.memory_space<vmem>>) semaphore(%arg13 : memref<!tpu.dma_semaphore, #tpu.memory_space<semaphore_mem>>)
        %scan3A_31 = arith.constant 0 : i32
        %scan3A_32 = arith.constant 20 : i32
        %scan3A_33 = arith.addi %scan3A_31, %scan3A_32 : i32
        %scan3A_34 = arith.constant 1 : i32
        scf.for %scan3A_36 = %scan3A_31 to %scan3A_33 step %scan3A_34  : i32 {
          %mul3A_37 = arith.constant 2 : i32
          %mul3A_38 = arith.muli %scan3A_36, %mul3A_37 : i32
          %add3A_39 = arith.constant 0 : i32
          %add3A_40 = arith.addi %add3A_39, %mul3A_38 : i32
          %add3A_41 = arith.constant 1 : i32
          %add3A_42 = arith.addi %add3A_40, %add3A_41 : i32
          %dma_start3A_43 = arith.constant 0 : i32
          %dma_start3A_44 = tpu.memref_slice %arg8[%add3A_42, %dma_start3A_43] : memref<40x128xi32, #tpu.memory_space<vmem>> -> memref<1x128xi32, #tpu.memory_space<vmem>>
          %dma_start3A_45 = tpu.memref_squeeze %dma_start3A_44 : memref<1x128xi32, #tpu.memory_space<vmem>> -> memref<128xi32, #tpu.memory_space<vmem>>
          %dma_start3A_46 = arith.constant 0 : i32
          %dma_start3A_47 = arith.constant 0 : i32
          %dma_start3A_48 = tpu.memref_slice %arg3[%dma_start3A_46, %dma_start3A_47] : memref<10240x128xf32, #tpu.memory_space<hbm>> -> memref<10240x128xf32, #tpu.memory_space<hbm>>
          tpu.enqueue_indirect_dma source(%dma_start3A_48 : memref<10240x128xf32, #tpu.memory_space<hbm>>) target(%arg11 : memref<128x128xf32, #tpu.memory_space<vmem>>) offsets(%dma_start3A_45 : memref<128xi32, #tpu.memory_space<vmem>>) semaphore(%arg14 : memref<!tpu.dma_semaphore, #tpu.memory_space<semaphore_mem>>)
          %dma_wait3A = arith.constant 0 : i32
          %dma_wait3A_49 = tpu.memref_slice %arg8[%add3A_40, %dma_wait3A] : memref<40x128xi32, #tpu.memory_space<vmem>> -> memref<1x128xi32, #tpu.memory_space<vmem>>
          %dma_wait3A_50 = tpu.memref_squeeze %dma_wait3A_49 : memref<1x128xi32, #tpu.memory_space<vmem>> -> memref<128xi32, #tpu.memory_space<vmem>>
          %dma_wait3A_51 = arith.constant 0 : i32
          %dma_wait3A_52 = arith.constant 0 : i32
          %dma_wait3A_53 = tpu.memref_slice %arg3[%dma_wait3A_51, %dma_wait3A_52] : memref<10240x128xf32, #tpu.memory_space<hbm>> -> memref<10240x128xf32, #tpu.memory_space<hbm>>
          tpu.wait_indirect_dma semaphore(%arg13 : memref<!tpu.dma_semaphore, #tpu.memory_space<semaphore_mem>>) src(%dma_wait3A_53 : memref<10240x128xf32, #tpu.memory_space<hbm>>) dst(%arg10 : memref<128x128xf32, #tpu.memory_space<vmem>>)
          "tpu.region"() ({
            %run_scoped3A = tpu.sem_alloc : memref<!tpu.dma_semaphore, #tpu.memory_space<semaphore_mem>>
            %dma_start3A_70 = arith.constant 0 : i32
            %dma_start3A_71 = tpu.memref_slice %arg9[%add3A_40, %dma_start3A_70] : memref<40x128xi32, #tpu.memory_space<vmem>> -> memref<1x128xi32, #tpu.memory_space<vmem>>
            %dma_start3A_72 = tpu.memref_squeeze %dma_start3A_71 : memref<1x128xi32, #tpu.memory_space<vmem>> -> memref<128xi32, #tpu.memory_space<vmem>>
            %dma_start3A_73 = arith.constant 0 : i32
            %dma_start3A_74 = arith.constant 0 : i32
            %dma_start3A_75 = tpu.memref_slice %arg12[%dma_start3A_73, %dma_start3A_74] : memref<10240x128xf32, #tpu.memory_space<vmem_shared>> -> memref<10240x128xf32, #tpu.memory_space<vmem_shared>>
            tpu.enqueue_indirect_dma source(%arg10 : memref<128x128xf32, #tpu.memory_space<vmem>>) target(%dma_start3A_75 : memref<10240x128xf32, #tpu.memory_space<vmem_shared>>) offsets(%dma_start3A_72 : memref<128xi32, #tpu.memory_space<vmem>>) semaphore(%run_scoped3A : memref<!tpu.dma_semaphore, #tpu.memory_space<semaphore_mem>>) {add = true}
            %dma_wait3A_76 = arith.constant 0 : i32
            %dma_wait3A_77 = tpu.memref_slice %arg9[%add3A_40, %dma_wait3A_76] : memref<40x128xi32, #tpu.memory_space<vmem>> -> memref<1x128xi32, #tpu.memory_space<vmem>>
            %dma_wait3A_78 = tpu.memref_squeeze %dma_wait3A_77 : memref<1x128xi32, #tpu.memory_space<vmem>> -> memref<128xi32, #tpu.memory_space<vmem>>
            %dma_wait3A_79 = arith.constant 0 : i32
            %dma_wait3A_80 = arith.constant 0 : i32
            %dma_wait3A_81 = tpu.memref_slice %arg12[%dma_wait3A_79, %dma_wait3A_80] : memref<10240x128xf32, #tpu.memory_space<vmem_shared>> -> memref<10240x128xf32, #tpu.memory_space<vmem_shared>>
            tpu.wait_indirect_dma semaphore(%run_scoped3A : memref<!tpu.dma_semaphore, #tpu.memory_space<semaphore_mem>>) src(%arg10 : memref<128x128xf32, #tpu.memory_space<vmem>>) dst(%dma_wait3A_81 : memref<10240x128xf32, #tpu.memory_space<vmem_shared>>)
            tpu.yield
          }) : () -> ()
          %add3A_54 = arith.constant 2 : i32
          %add3A_55 = arith.addi %add3A_40, %add3A_54 : i32
          %lt3A = arith.constant 40 : i32
          %lt3A_56 = arith.cmpi slt, %add3A_55, %lt3A : i32
          %convert_element_type3A_57 = arith.extui %lt3A_56 : i1 to i32
          %cond3A_58 = arith.constant 0 : i32
          %cond3A_59 = arith.cmpi ne, %convert_element_type3A_57, %cond3A_58 : i32
          scf.if %cond3A_59 {
            %add3A_70 = arith.constant 2 : i32
            %add3A_71 = arith.addi %add3A_40, %add3A_70 : i32
            %dma_start3A_72 = arith.constant 0 : i32
            %dma_start3A_73 = tpu.memref_slice %arg8[%add3A_71, %dma_start3A_72] : memref<40x128xi32, #tpu.memory_space<vmem>> -> memref<1x128xi32, #tpu.memory_space<vmem>>
            %dma_start3A_74 = tpu.memref_squeeze %dma_start3A_73 : memref<1x128xi32, #tpu.memory_space<vmem>> -> memref<128xi32, #tpu.memory_space<vmem>>
            %dma_start3A_75 = arith.constant 0 : i32
            %dma_start3A_76 = arith.constant 0 : i32
            %dma_start3A_77 = tpu.memref_slice %arg3[%dma_start3A_75, %dma_start3A_76] : memref<10240x128xf32, #tpu.memory_space<hbm>> -> memref<10240x128xf32, #tpu.memory_space<hbm>>
            tpu.enqueue_indirect_dma source(%dma_start3A_77 : memref<10240x128xf32, #tpu.memory_space<hbm>>) target(%arg10 : memref<128x128xf32, #tpu.memory_space<vmem>>) offsets(%dma_start3A_74 : memref<128xi32, #tpu.memory_space<vmem>>) semaphore(%arg13 : memref<!tpu.dma_semaphore, #tpu.memory_space<semaphore_mem>>)
          } else {
          }
          %add3A_60 = arith.constant 1 : i32
          %add3A_61 = arith.addi %add3A_40, %add3A_60 : i32
          %dma_wait3A_62 = arith.constant 0 : i32
          %dma_wait3A_63 = tpu.memref_slice %arg8[%add3A_61, %dma_wait3A_62] : memref<40x128xi32, #tpu.memory_space<vmem>> -> memref<1x128xi32, #tpu.memory_space<vmem>>
          %dma_wait3A_64 = tpu.memref_squeeze %dma_wait3A_63 : memref<1x128xi32, #tpu.memory_space<vmem>> -> memref<128xi32, #tpu.memory_space<vmem>>
          %dma_wait3A_65 = arith.constant 0 : i32
          %dma_wait3A_66 = arith.constant 0 : i32
          %dma_wait3A_67 = tpu.memref_slice %arg3[%dma_wait3A_65, %dma_wait3A_66] : memref<10240x128xf32, #tpu.memory_space<hbm>> -> memref<10240x128xf32, #tpu.memory_space<hbm>>
          tpu.wait_indirect_dma semaphore(%arg14 : memref<!tpu.dma_semaphore, #tpu.memory_space<semaphore_mem>>) src(%dma_wait3A_67 : memref<10240x128xf32, #tpu.memory_space<hbm>>) dst(%arg11 : memref<128x128xf32, #tpu.memory_space<vmem>>)
          %add3A_68 = arith.constant 1 : i32
          %add3A_69 = arith.addi %add3A_40, %add3A_68 : i32
          "tpu.region"() ({
            %run_scoped3A = tpu.sem_alloc : memref<!tpu.dma_semaphore, #tpu.memory_space<semaphore_mem>>
            %dma_start3A_70 = arith.constant 0 : i32
            %dma_start3A_71 = tpu.memref_slice %arg9[%add3A_69, %dma_start3A_70] : memref<40x128xi32, #tpu.memory_space<vmem>> -> memref<1x128xi32, #tpu.memory_space<vmem>>
            %dma_start3A_72 = tpu.memref_squeeze %dma_start3A_71 : memref<1x128xi32, #tpu.memory_space<vmem>> -> memref<128xi32, #tpu.memory_space<vmem>>
            %dma_start3A_73 = arith.constant 0 : i32
            %dma_start3A_74 = arith.constant 0 : i32
            %dma_start3A_75 = tpu.memref_slice %arg12[%dma_start3A_73, %dma_start3A_74] : memref<10240x128xf32, #tpu.memory_space<vmem_shared>> -> memref<10240x128xf32, #tpu.memory_space<vmem_shared>>
            tpu.enqueue_indirect_dma source(%arg11 : memref<128x128xf32, #tpu.memory_space<vmem>>) target(%dma_start3A_75 : memref<10240x128xf32, #tpu.memory_space<vmem_shared>>) offsets(%dma_start3A_72 : memref<128xi32, #tpu.memory_space<vmem>>) semaphore(%run_scoped3A : memref<!tpu.dma_semaphore, #tpu.memory_space<semaphore_mem>>) {add = true}
            %dma_wait3A_76 = arith.constant 0 : i32
            %dma_wait3A_77 = tpu.memref_slice %arg9[%add3A_69, %dma_wait3A_76] : memref<40x128xi32, #tpu.memory_space<vmem>> -> memref<1x128xi32, #tpu.memory_space<vmem>>
            %dma_wait3A_78 = tpu.memref_squeeze %dma_wait3A_77 : memref<1x128xi32, #tpu.memory_space<vmem>> -> memref<128xi32, #tpu.memory_space<vmem>>
            %dma_wait3A_79 = arith.constant 0 : i32
            %dma_wait3A_80 = arith.constant 0 : i32
            %dma_wait3A_81 = tpu.memref_slice %arg12[%dma_wait3A_79, %dma_wait3A_80] : memref<10240x128xf32, #tpu.memory_space<vmem_shared>> -> memref<10240x128xf32, #tpu.memory_space<vmem_shared>>
            tpu.wait_indirect_dma semaphore(%run_scoped3A : memref<!tpu.dma_semaphore, #tpu.memory_space<semaphore_mem>>) src(%arg11 : memref<128x128xf32, #tpu.memory_space<vmem>>) dst(%dma_wait3A_81 : memref<10240x128xf32, #tpu.memory_space<vmem_shared>>)
            tpu.yield
          }) : () -> ()
        }
        %scan3A_35 = arith.constant 20 : i32
      }
      %scan3A_13 = arith.constant 2 : i32
      %barrier3A_14 = arith.constant 0 : index
      tpu.barrier barrier_id(%barrier3A_14)
      "tpu.region"() ({
        %run_scoped3A = tpu.sem_alloc : memref<!tpu.dma_semaphore, #tpu.memory_space<semaphore_mem>>
        %dma_start3A = arith.constant 0 : i32
        %dma_start3A_15 = tpu.memref_slice %arg7[%mul3A_0, %dma_start3A] : memref<10240x128xf32, #tpu.memory_space<hbm>> -> memref<640x128xf32, #tpu.memory_space<hbm>>
        %dma_start3A_16 = arith.constant 0 : i32
        %dma_start3A_17 = tpu.memref_slice %arg12[%mul3A_0, %dma_start3A_16] : memref<10240x128xf32, #tpu.memory_space<vmem_shared>> -> memref<640x128xf32, #tpu.memory_space<vmem_shared>>
        tpu.enqueue_dma source(%dma_start3A_17 : memref<640x128xf32, #tpu.memory_space<vmem_shared>>) target(%dma_start3A_15 : memref<640x128xf32, #tpu.memory_space<hbm>>) target_semaphore(%run_scoped3A : memref<!tpu.dma_semaphore, #tpu.memory_space<semaphore_mem>>)
        %dma_wait3A = arith.constant 0 : i32
        %dma_wait3A_18 = tpu.memref_slice %arg7[%mul3A_0, %dma_wait3A] : memref<10240x128xf32, #tpu.memory_space<hbm>> -> memref<640x128xf32, #tpu.memory_space<hbm>>
        %dma_wait3A_19 = arith.constant 0 : i32
        %dma_wait3A_20 = tpu.memref_slice %arg12[%mul3A_0, %dma_wait3A_19] : memref<10240x128xf32, #tpu.memory_space<vmem_shared>> -> memref<640x128xf32, #tpu.memory_space<vmem_shared>>
        tpu.wait_dma2 semaphore(%run_scoped3A : memref<!tpu.dma_semaphore, #tpu.memory_space<semaphore_mem>>) src(%dma_wait3A_20 : memref<640x128xf32, #tpu.memory_space<vmem_shared>>) dst(%dma_wait3A_18 : memref<640x128xf32, #tpu.memory_space<hbm>>)
        tpu.yield
      }) : () -> ()
    } else {
    }
    return
  }
}

module attributes {stable_mosaic.version = 14 : i64} {
  func.func @_tc_first_body(%arg0: i32, %arg1: memref<1024x256xf32, #tpu.memory_space<vmem>>, %arg2: memref<256x256xf32, #tpu.memory_space<vmem>>, %arg3: memref<1024x1xf32, #tpu.memory_space<vmem>>, %arg4: memref<1024x1xf32, #tpu.memory_space<vmem>>, %arg5: memref<1024x128xf32, #tpu.memory_space<vmem>>, %arg6: memref<1024x128xf32, #tpu.memory_space<vmem>>) attributes {dimension_semantics = [#tpu.dimension_semantics<arbitrary>], iteration_bounds = array<i64: 10>, scalar_prefetch = 0 : i64, scratch_operands = 0 : i64, tpu.core_type = #tpu.core_type<tc>, window_params = [{transform_indices = @transform_0, window_bounds = array<i64: 1024, 256>}, {pipeline_mode = #tpu.pipeline_mode<synchronous>, transform_indices = @transform_1, window_bounds = array<i64: 256, 256>}, {transform_indices = @transform_2, window_bounds = array<i64: 1024, 1>}, {transform_indices = @transform_3, window_bounds = array<i64: 1024, 1>}, {transform_indices = @transform_4, window_bounds = array<i64: 1024, 128>}, {transform_indices = @transform_5, window_bounds = array<i64: 1024, 128>}]} {
    %get3A = arith.constant 0 : index
    %get3A_0 = arith.constant 0 : index
    %get3A_1 = vector.load %arg3[%get3A, %get3A_0] : memref<1024x1xf32, #tpu.memory_space<vmem>>, vector<1024x1xf32>
    %add3A = arith.constant 1.000000e+00 : f32
    %add3A_2 = vector.broadcast %add3A : f32 to vector<1024x1xf32>
    %add3A_3 = arith.addf %add3A_2, %get3A_1 : vector<1024x1xf32>
    %get3A_4 = arith.constant 0 : index
    %get3A_5 = arith.constant 0 : index
    %get3A_6 = vector.load %arg4[%get3A_4, %get3A_5] : memref<1024x1xf32, #tpu.memory_space<vmem>>, vector<1024x1xf32>
    %add3A_7 = arith.addf %add3A_3, %get3A_6 : vector<1024x1xf32>
    %rsqrt3A = math.rsqrt %add3A_7 : vector<1024x1xf32>
    %get3A_8 = arith.constant 0 : index
    %get3A_9 = arith.constant 0 : index
    %get3A_10 = vector.load %arg1[%get3A_8, %get3A_9] : memref<1024x256xf32, #tpu.memory_space<vmem>>, vector<1024x256xf32>
    %get3A_11 = arith.constant 0 : index
    %get3A_12 = arith.constant 0 : index
    %get3A_13 = vector.load %arg2[%get3A_11, %get3A_12] : memref<256x256xf32, #tpu.memory_space<vmem>>, vector<256x256xf32>
    %dot_general3A = arith.constant dense<0.000000e+00> : vector<1024x256xf32>
    %dot_general3A_14 = tpu.matmul %get3A_10, %get3A_13, %dot_general3A {dimension_numbers = #tpu.dot_dimension_numbers<[1], [0], [0], [1], [0, 0, 1, 1], [], []>, transpose_lhs_hint = false} : vector<1024x256xf32>, vector<256x256xf32>, vector<1024x256xf32> -> vector<1024x256xf32>
    %mul3A = vector.broadcast %rsqrt3A : vector<1024x1xf32> to vector<1024x256xf32>
    %mul3A_15 = arith.mulf %dot_general3A_14, %mul3A : vector<1024x256xf32>
    %slice3A = vector.extract_strided_slice %mul3A_15 {offsets = [0, 0], sizes = [1024, 128], strides = [1, 1]} : vector<1024x256xf32> to vector<1024x128xf32>
    %swap3A = arith.constant 0 : index
    %swap3A_16 = arith.constant 0 : index
    %swap3A_17 = vector.load %arg5[%swap3A, %swap3A_16] : memref<1024x128xf32, #tpu.memory_space<vmem>>, vector<1024x128xf32>
    tpu.vector_store %arg5[%swap3A, %swap3A_16], %slice3A {strides = array<i32>} : memref<1024x128xf32, #tpu.memory_space<vmem>>, vector<1024x128xf32>,
    %slice3A_18 = vector.extract_strided_slice %mul3A_15 {offsets = [0, 128], sizes = [1024, 128], strides = [1, 1]} : vector<1024x256xf32> to vector<1024x128xf32>
    %swap3A_19 = arith.constant 0 : index
    %swap3A_20 = arith.constant 0 : index
    %swap3A_21 = vector.load %arg6[%swap3A_19, %swap3A_20] : memref<1024x128xf32, #tpu.memory_space<vmem>>, vector<1024x128xf32>
    tpu.vector_store %arg6[%swap3A_19, %swap3A_20], %slice3A_18 {strides = array<i32>} : memref<1024x128xf32, #tpu.memory_space<vmem>>, vector<1024x128xf32>,
    return
  }
  func.func @transform_0(%arg0: i32) -> (i32, i32) {
    %c0_i32 = arith.constant 0 : i32
    %c0_i32_0 = arith.constant 0 : i32
    return %arg0, %c0_i32 : i32, i32
  }
  func.func @transform_1(%arg0: i32) -> (i32, i32) {
    %c0_i32 = arith.constant 0 : i32
    %c0_i32_0 = arith.constant 0 : i32
    %c0_i32_1 = arith.constant 0 : i32
    return %c0_i32, %c0_i32_0 : i32, i32
  }
  func.func @transform_2(%arg0: i32) -> (i32, i32) {
    %c0_i32 = arith.constant 0 : i32
    %c0_i32_0 = arith.constant 0 : i32
    return %arg0, %c0_i32 : i32, i32
  }
  func.func @transform_3(%arg0: i32) -> (i32, i32) {
    %c0_i32 = arith.constant 0 : i32
    %c0_i32_0 = arith.constant 0 : i32
    return %arg0, %c0_i32 : i32, i32
  }
  func.func @transform_4(%arg0: i32) -> (i32, i32) {
    %c0_i32 = arith.constant 0 : i32
    %c0_i32_0 = arith.constant 0 : i32
    return %arg0, %c0_i32 : i32, i32
  }
  func.func @transform_5(%arg0: i32) -> (i32, i32) {
    %c0_i32 = arith.constant 0 : i32
    %c0_i32_0 = arith.constant 0 : i32
    return %arg0, %c0_i32 : i32, i32
  }
}

module attributes {stable_mosaic.version = 14 : i64} {
  func.func @_tc_mid_body(%arg0: i32, %arg1: memref<1024x128xf32, #tpu.memory_space<vmem>>, %arg2: memref<1024x128xf32, #tpu.memory_space<vmem>>, %arg3: memref<1024x1xf32, #tpu.memory_space<vmem>>, %arg4: memref<1024x1xf32, #tpu.memory_space<vmem>>, %arg5: memref<1x256xf32, #tpu.memory_space<vmem>>, %arg6: memref<256x256xf32, #tpu.memory_space<vmem>>, %arg7: memref<1024x128xf32, #tpu.memory_space<vmem>>, %arg8: memref<1024x128xf32, #tpu.memory_space<vmem>>) attributes {dimension_semantics = [#tpu.dimension_semantics<arbitrary>], iteration_bounds = array<i64: 10>, scalar_prefetch = 0 : i64, scratch_operands = 0 : i64, tpu.core_type = #tpu.core_type<tc>, window_params = [{transform_indices = @transform_0, window_bounds = array<i64: 1024, 128>}, {transform_indices = @transform_1, window_bounds = array<i64: 1024, 128>}, {transform_indices = @transform_2, window_bounds = array<i64: 1024, 1>}, {transform_indices = @transform_3, window_bounds = array<i64: 1024, 1>}, {pipeline_mode = #tpu.pipeline_mode<synchronous>, transform_indices = @transform_4, window_bounds = array<i64: 1, 256>}, {pipeline_mode = #tpu.pipeline_mode<synchronous>, transform_indices = @transform_5, window_bounds = array<i64: 256, 256>}, {transform_indices = @transform_6, window_bounds = array<i64: 1024, 128>}, {transform_indices = @transform_7, window_bounds = array<i64: 1024, 128>}]} {
    %get3A = arith.constant 0 : index
    %get3A_0 = arith.constant 0 : index
    %get3A_1 = vector.load %arg3[%get3A, %get3A_0] : memref<1024x1xf32, #tpu.memory_space<vmem>>, vector<1024x1xf32>
    %add3A = arith.constant 1.000000e+00 : f32
    %add3A_2 = vector.broadcast %add3A : f32 to vector<1024x1xf32>
    %add3A_3 = arith.addf %add3A_2, %get3A_1 : vector<1024x1xf32>
    %get3A_4 = arith.constant 0 : index
    %get3A_5 = arith.constant 0 : index
    %get3A_6 = vector.load %arg4[%get3A_4, %get3A_5] : memref<1024x1xf32, #tpu.memory_space<vmem>>, vector<1024x1xf32>
    %add3A_7 = arith.addf %add3A_3, %get3A_6 : vector<1024x1xf32>
    %rsqrt3A = math.rsqrt %add3A_7 : vector<1024x1xf32>
    %get3A_8 = arith.constant 0 : index
    %get3A_9 = arith.constant 0 : index
    %get3A_10 = vector.load %arg1[%get3A_8, %get3A_9] : memref<1024x128xf32, #tpu.memory_space<vmem>>, vector<1024x128xf32>
    %get3A_11 = arith.constant 0 : index
    %get3A_12 = arith.constant 0 : index
    %get3A_13 = vector.load %arg2[%get3A_11, %get3A_12] : memref<1024x128xf32, #tpu.memory_space<vmem>>, vector<1024x128xf32>
    %concatenate3A = tpu.concatenate %get3A_10, %get3A_13 in 1 : vector<1024x128xf32>, vector<1024x128xf32> -> vector<1024x256xf32>
    %mul3A = vector.broadcast %rsqrt3A : vector<1024x1xf32> to vector<1024x256xf32>
    %mul3A_14 = arith.mulf %concatenate3A, %mul3A : vector<1024x256xf32>
    %get3A_15 = arith.constant 0 : index
    %get3A_16 = arith.constant 0 : index
    %get3A_17 = vector.load %arg5[%get3A_15, %get3A_16] : memref<1x256xf32, #tpu.memory_space<vmem>>, vector<1x256xf32>
    %add3A_18 = vector.broadcast %get3A_17 : vector<1x256xf32> to vector<1024x256xf32>
    %add3A_19 = arith.addf %mul3A_14, %add3A_18 : vector<1024x256xf32>
    %max3A = arith.constant 0.000000e+00 : f32
    %max3A_20 = vector.broadcast %max3A : f32 to vector<1024x256xf32>
    %max3A_21 = arith.maximumf %add3A_19, %max3A_20 : vector<1024x256xf32>
    %get3A_22 = arith.constant 0 : index
    %get3A_23 = arith.constant 0 : index
    %get3A_24 = vector.load %arg6[%get3A_22, %get3A_23] : memref<256x256xf32, #tpu.memory_space<vmem>>, vector<256x256xf32>
    %dot_general3A = arith.constant dense<0.000000e+00> : vector<1024x256xf32>
    %dot_general3A_25 = tpu.matmul %max3A_21, %get3A_24, %dot_general3A {dimension_numbers = #tpu.dot_dimension_numbers<[1], [0], [0], [1], [0, 0, 1, 1], [], []>, transpose_lhs_hint = false} : vector<1024x256xf32>, vector<256x256xf32>, vector<1024x256xf32> -> vector<1024x256xf32>
    %mul3A_26 = vector.broadcast %rsqrt3A : vector<1024x1xf32> to vector<1024x256xf32>
    %mul3A_27 = arith.mulf %dot_general3A_25, %mul3A_26 : vector<1024x256xf32>
    %slice3A = vector.extract_strided_slice %mul3A_27 {offsets = [0, 0], sizes = [1024, 128], strides = [1, 1]} : vector<1024x256xf32> to vector<1024x128xf32>
    %swap3A = arith.constant 0 : index
    %swap3A_28 = arith.constant 0 : index
    %swap3A_29 = vector.load %arg7[%swap3A, %swap3A_28] : memref<1024x128xf32, #tpu.memory_space<vmem>>, vector<1024x128xf32>
    tpu.vector_store %arg7[%swap3A, %swap3A_28], %slice3A {strides = array<i32>} : memref<1024x128xf32, #tpu.memory_space<vmem>>, vector<1024x128xf32>,
    %slice3A_30 = vector.extract_strided_slice %mul3A_27 {offsets = [0, 128], sizes = [1024, 128], strides = [1, 1]} : vector<1024x256xf32> to vector<1024x128xf32>
    %swap3A_31 = arith.constant 0 : index
    %swap3A_32 = arith.constant 0 : index
    %swap3A_33 = vector.load %arg8[%swap3A_31, %swap3A_32] : memref<1024x128xf32, #tpu.memory_space<vmem>>, vector<1024x128xf32>
    tpu.vector_store %arg8[%swap3A_31, %swap3A_32], %slice3A_30 {strides = array<i32>} : memref<1024x128xf32, #tpu.memory_space<vmem>>, vector<1024x128xf32>,
    return
  }
  func.func @transform_0(%arg0: i32) -> (i32, i32) {
    %c0_i32 = arith.constant 0 : i32
    %c0_i32_0 = arith.constant 0 : i32
    return %arg0, %c0_i32 : i32, i32
  }
  func.func @transform_1(%arg0: i32) -> (i32, i32) {
    %c0_i32 = arith.constant 0 : i32
    %c0_i32_0 = arith.constant 0 : i32
    return %arg0, %c0_i32 : i32, i32
  }
  func.func @transform_2(%arg0: i32) -> (i32, i32) {
    %c0_i32 = arith.constant 0 : i32
    %c0_i32_0 = arith.constant 0 : i32
    return %arg0, %c0_i32 : i32, i32
  }
  func.func @transform_3(%arg0: i32) -> (i32, i32) {
    %c0_i32 = arith.constant 0 : i32
    %c0_i32_0 = arith.constant 0 : i32
    return %arg0, %c0_i32 : i32, i32
  }
  func.func @transform_4(%arg0: i32) -> (i32, i32) {
    %c0_i32 = arith.constant 0 : i32
    %c0_i32_0 = arith.constant 0 : i32
    %c0_i32_1 = arith.constant 0 : i32
    return %c0_i32, %c0_i32_0 : i32, i32
  }
  func.func @transform_5(%arg0: i32) -> (i32, i32) {
    %c0_i32 = arith.constant 0 : i32
    %c0_i32_0 = arith.constant 0 : i32
    %c0_i32_1 = arith.constant 0 : i32
    return %c0_i32, %c0_i32_0 : i32, i32
  }
  func.func @transform_6(%arg0: i32) -> (i32, i32) {
    %c0_i32 = arith.constant 0 : i32
    %c0_i32_0 = arith.constant 0 : i32
    return %arg0, %c0_i32 : i32, i32
  }
  func.func @transform_7(%arg0: i32) -> (i32, i32) {
    %c0_i32 = arith.constant 0 : i32
    %c0_i32_0 = arith.constant 0 : i32
    return %arg0, %c0_i32 : i32, i32
  }
}

module attributes {stable_mosaic.version = 14 : i64} {
  func.func @_tc_final_body(%arg0: i32, %arg1: memref<1000x128xf32, #tpu.memory_space<vmem>>, %arg2: memref<1000x128xf32, #tpu.memory_space<vmem>>, %arg3: memref<1000x1xf32, #tpu.memory_space<vmem>>, %arg4: memref<1000x1xf32, #tpu.memory_space<vmem>>, %arg5: memref<1x256xf32, #tpu.memory_space<vmem>>, %arg6: memref<1000x256xf32, #tpu.memory_space<vmem>>) attributes {dimension_semantics = [#tpu.dimension_semantics<arbitrary>], iteration_bounds = array<i64: 10>, scalar_prefetch = 0 : i64, scratch_operands = 0 : i64, tpu.core_type = #tpu.core_type<tc>, window_params = [{transform_indices = @transform_0, window_bounds = array<i64: 1000, 128>}, {transform_indices = @transform_1, window_bounds = array<i64: 1000, 128>}, {transform_indices = @transform_2, window_bounds = array<i64: 1000, 1>}, {transform_indices = @transform_3, window_bounds = array<i64: 1000, 1>}, {pipeline_mode = #tpu.pipeline_mode<synchronous>, transform_indices = @transform_4, window_bounds = array<i64: 1, 256>}, {transform_indices = @transform_5, window_bounds = array<i64: 1000, 256>}]} {
    %get3A = arith.constant 0 : index
    %get3A_0 = arith.constant 0 : index
    %get3A_1 = vector.load %arg3[%get3A, %get3A_0] : memref<1000x1xf32, #tpu.memory_space<vmem>>, vector<1000x1xf32>
    %add3A = arith.constant 1.000000e+00 : f32
    %add3A_2 = vector.broadcast %add3A : f32 to vector<1000x1xf32>
    %add3A_3 = arith.addf %add3A_2, %get3A_1 : vector<1000x1xf32>
    %get3A_4 = arith.constant 0 : index
    %get3A_5 = arith.constant 0 : index
    %get3A_6 = vector.load %arg4[%get3A_4, %get3A_5] : memref<1000x1xf32, #tpu.memory_space<vmem>>, vector<1000x1xf32>
    %add3A_7 = arith.addf %add3A_3, %get3A_6 : vector<1000x1xf32>
    %rsqrt3A = math.rsqrt %add3A_7 : vector<1000x1xf32>
    %get3A_8 = arith.constant 0 : index
    %get3A_9 = arith.constant 0 : index
    %get3A_10 = vector.load %arg1[%get3A_8, %get3A_9] : memref<1000x128xf32, #tpu.memory_space<vmem>>, vector<1000x128xf32>
    %get3A_11 = arith.constant 0 : index
    %get3A_12 = arith.constant 0 : index
    %get3A_13 = vector.load %arg2[%get3A_11, %get3A_12] : memref<1000x128xf32, #tpu.memory_space<vmem>>, vector<1000x128xf32>
    %concatenate3A = tpu.concatenate %get3A_10, %get3A_13 in 1 : vector<1000x128xf32>, vector<1000x128xf32> -> vector<1000x256xf32>
    %mul3A = vector.broadcast %rsqrt3A : vector<1000x1xf32> to vector<1000x256xf32>
    %mul3A_14 = arith.mulf %concatenate3A, %mul3A : vector<1000x256xf32>
    %get3A_15 = arith.constant 0 : index
    %get3A_16 = arith.constant 0 : index
    %get3A_17 = vector.load %arg5[%get3A_15, %get3A_16] : memref<1x256xf32, #tpu.memory_space<vmem>>, vector<1x256xf32>
    %add3A_18 = vector.broadcast %get3A_17 : vector<1x256xf32> to vector<1000x256xf32>
    %add3A_19 = arith.addf %mul3A_14, %add3A_18 : vector<1000x256xf32>
    %max3A = arith.constant 0.000000e+00 : f32
    %max3A_20 = vector.broadcast %max3A : f32 to vector<1000x256xf32>
    %max3A_21 = arith.maximumf %add3A_19, %max3A_20 : vector<1000x256xf32>
    %swap3A = arith.constant 0 : index
    %swap3A_22 = arith.constant 0 : index
    %swap3A_23 = vector.load %arg6[%swap3A, %swap3A_22] : memref<1000x256xf32, #tpu.memory_space<vmem>>, vector<1000x256xf32>
    tpu.vector_store %arg6[%swap3A, %swap3A_22], %max3A_21 {strides = array<i32>} : memref<1000x256xf32, #tpu.memory_space<vmem>>, vector<1000x256xf32>,
    return
  }
  func.func @transform_0(%arg0: i32) -> (i32, i32) {
    %c0_i32 = arith.constant 0 : i32
    %c0_i32_0 = arith.constant 0 : i32
    return %arg0, %c0_i32 : i32, i32
  }
  func.func @transform_1(%arg0: i32) -> (i32, i32) {
    %c0_i32 = arith.constant 0 : i32
    %c0_i32_0 = arith.constant 0 : i32
    return %arg0, %c0_i32 : i32, i32
  }
  func.func @transform_2(%arg0: i32) -> (i32, i32) {
    %c0_i32 = arith.constant 0 : i32
    %c0_i32_0 = arith.constant 0 : i32
    return %arg0, %c0_i32 : i32, i32
  }
  func.func @transform_3(%arg0: i32) -> (i32, i32) {
    %c0_i32 = arith.constant 0 : i32
    %c0_i32_0 = arith.constant 0 : i32
    return %arg0, %c0_i32 : i32, i32
  }
  func.func @transform_4(%arg0: i32) -> (i32, i32) {
    %c0_i32 = arith.constant 0 : i32
    %c0_i32_0 = arith.constant 0 : i32
    %c0_i32_1 = arith.constant 0 : i32
    return %c0_i32, %c0_i32_0 : i32, i32
  }
  func.func @transform_5(%arg0: i32) -> (i32, i32) {
    %c0_i32 = arith.constant 0 : i32
    %c0_i32_0 = arith.constant 0 : i32
    return %arg0, %c0_i32 : i32, i32
  }
}

</mosaic_0001>

<sc_bundles>
// kernel: kernel.11.cloned.1.call-start
scs
__scs_entry_jumppad:
0x0: {  	(pc) =	sbr.rel $0x88, $3  }
0x1: {  	(tag) =	ssettag $0x0;
	lr =	simm.s32 $0x1  }
0x2: {  	[smem:$0x3F9B] =	sst lr;
	_ =	strace $0xD0000000  }
0x3: {  	_ = 	snop  }
0x4: {  	_ = 	snop  }
0x5: {  	_ = 	snop  }
0x6: {  	_ = 	snop  }
0x7: {  	_ = 	snop  }
__scs_overlays_trampoline_lowered:
0x8: {  	[smem:$0x3FAA] =	sst s0  }
0x9: {  	[smem:$0x3FAB] =	sst s1  }
0xa: {  	[smem:$0x3FAC] =	sst s2  }
0xb: {  	[smem:$0x3FAD] =	sst s3  }
0xc: {  	[smem:$0x3FAE] =	sst s4  }
0xd: {  	[smem:$0x3FAF] =	sst s5  }
0xe: {  	[smem:$0x3FB0] =	sst s6  }
0xf: {  	[smem:$0x3FB1] =	sst s7  }
0x10: {  	[smem:$0x3FB2] =	sst s8  }
0x11: {  	[smem:$0x3FB3] =	sst s9;
	s0 =	simm.s32 @!p0 $0x0  }
0x12: {  	s1 =	sld [smem:$0x3F99];
	s0 =	simm.s32 @p0 $0x1  }
0x13: {  	[smem:$0x3FB4] =	sst s0;
	s0 =	simm.s32 @!p1 $0x0  }
0x14: {  	s2 =	sld [smem:$0x3F98];
	s0 =	simm.s32 @p1 $0x1  }
0x15: {  	[smem:$0x3FB5] =	sst s0;
	s0 =	simm.s32 @!p2 $0x0  }
0x16: {  	s3 =	sld [smem:$0x3FDB];
	s0 =	simm.s32 @p2 $0x1  }
0x17: {  	s4 =	simm.s32 $0x1BF5;
	[smem:$0x3FB7] =	sst s0  }
0x18: {  	s0 =	sld [smem:$0x3F9A];
	_ =	swait.ge [sflag:s4], $0x0  }
0x19: {  	s7 =	sld [smem:$0x3F9B]  }
0x1a: {  	s8 =	sadd.s32 $0xFFFFE003, lr  }
0x1b: {  	s9 =	sadd.s32 $0xFFFFFEF7, lr;
	s5 =	simm.s32 $0xFFFFFFFF;
	p2 =	slt.u32 s8, $0xFFFFF086  }
0x1c: {  	p1 =	slt.u32 s9, $0xF7A;
	s5 =	simm.s32 @!p2 $0x0  }
0x1d: {  	s5 =	simm.s32 @p1 $0x1;
	p0 =	seq.s32 s7, s2  }
0x1e: {  	s7 =	smul.u32 @!p0 $0xF7A, s2;
	p2 =	seq.s32 @!p0 s5, $0x0  }
0x1f: {  	s9 =	smul.u32 $0xF7A, s1;
	s8 =	simm.s32 @!p0 $0x1BF5;
	p2 =	por !p2, p0  }
0x20: {  	[sflag:s8] =	ssyncset.s32 @!p0 $0xFFFFF086;
	s6 =	sadd.s32 @!p0 s3, s7;
	s7 =	simm.s32 @!p0 $0x108  }
0x21: {  	s3 =	sadd.s32 s3, s9;
	s6 =	sadd.s32 @!p0 $0x88, s6;
	s7 =	simm.s32 @p2 $0x1082  }
0x22: {  	[simem:s7], [sflag:s8] =	dma.local @!p0 [hbm:s6], $0xF7A  }
0x23: {  	s9 =	sor.u32 $0xD0000000, s2;
	s6 =	simm.s32 $0x108;
	_ =	swait.ge @!p0 [sflag:s8], $0x0  }
0x24: {  	s3 =	sadd.s32 $0x88, s3;
	s6 =	simm.s32 @!p1 $0x1082;
	[sflag:s4] =	ssyncset.s32 $0xFFFFF086  }
0x25: {  	[simem:s6], [sflag:s4] =	dma.local [hbm:s3], $0xF7A  }
0x26: {  	[smem:$0x3F9B] =	sst s1;
	(tag) =	ssettag s2;
	_ =	strace s9  }
0x27: {  	s1 =	sld [smem:$0x3FAB]  }
0x28: {  	s2 =	sld [smem:$0x3FAC]  }
0x29: {  	s4 =	sld [smem:$0x3FAE]  }
0x2a: {  	p0 =	seq.s32 s5, $0x0;
	s5 =	sld [smem:$0x3FAF]  }
0x2b: {  	s6 =	sld [smem:$0x3FB0]  }
0x2c: {  	s7 =	sld [smem:$0x3FB1]  }
0x2d: {  	s3 =	simm.s32 $0x108;
	s8 =	sld [smem:$0x3FB2]  }
0x2e: {  	s3 =	simm.s32 @!p0 $0x1082;
	s9 =	sld [smem:$0x3FB3]  }
0x2f: {  	lr =	sadd.s32 s0, s3;
	s0 =	sld [smem:$0x3FAA]  }
0x30: {  	s3 =	sld [smem:$0x3FAD]  }
0x31: {  	[smem:$0x3FB6] =	sst s10  }
0x32: {  	s10 =	sld [smem:$0x3FB4];
	_ =	sdelay $0x3  }
0x33: {  	p0 =	seq.s32 s10, $0x1;
	s10 =	sld [smem:$0x3FB6];
	_ =	sdelay $0x3  }
0x34: {  	[smem:$0x3FB6] =	sst s10  }
0x35: {  	s10 =	sld [smem:$0x3FB5];
	_ =	sdelay $0x3  }
0x36: {  	p1 =	seq.s32 s10, $0x1;
	s10 =	sld [smem:$0x3FB6];
	_ =	sdelay $0x3  }
0x37: {  	[smem:$0x3FB6] =	sst s10  }
0x38: {  	s10 =	sld [smem:$0x3FB7]  }
0x39: {  	_ = 	snop;
	(pc) =	sbr.ind lr, $3  }
0x3a: {  	_ = 	snop  }
0x3b: {  	_ = 	snop  }
0x3c: {  	p2 =	seq.s32 s10, $0x1;
	s10 =	sld [smem:$0x3FB6]  }
0x3d: {  	_ =	shalt  }
0x3e: {  	_ =	shalt  }
0x3f: {  	_ =	shalt  }
0x40: {  	_ =	shalt  }
0x41: {  	_ =	shalt  }
0x42: {  	_ =	shalt  }
0x43: {  	_ =	shalt  }
0x44: {  	_ =	shalt  }
0x45: {  	_ =	shalt  }
0x46: {  	_ =	shalt  }
0x47: {  	_ =	shalt  }
0x48: {  	_ =	shalt  }
0x49: {  	_ =	shalt  }
0x4a: {  	_ =	shalt  }
0x4b: {  	_ =	shalt  }
0x4c: {  	_ =	shalt  }
0x4d: {  	_ =	shalt  }
0x4e: {  	_ =	shalt  }
0x4f: {  	_ =	shalt  }
0x50: {  	_ =	shalt  }
0x51: {  	_ =	shalt  }
0x52: {  	_ =	shalt  }
0x53: {  	_ =	shalt  }
0x54: {  	_ =	shalt  }
0x55: {  	_ =	shalt  }
0x56: {  	_ =	shalt  }
0x57: {  	_ =	shalt  }
0x58: {  	_ =	shalt  }
0x59: {  	_ =	shalt  }
0x5a: {  	_ =	shalt  }
0x5b: {  	_ =	shalt  }
0x5c: {  	_ =	shalt  }
0x5d: {  	_ =	shalt  }
0x5e: {  	_ =	shalt  }
0x5f: {  	_ =	shalt  }
0x60: {  	_ =	shalt  }
0x61: {  	_ =	shalt  }
0x62: {  	_ =	shalt  }
0x63: {  	_ =	shalt  }
0x64: {  	_ =	shalt  }
0x65: {  	_ =	shalt  }
0x66: {  	_ =	shalt  }
0x67: {  	_ =	shalt  }
0x68: {  	_ =	shalt  }
0x69: {  	_ =	shalt  }
0x6a: {  	_ =	shalt  }
0x6b: {  	_ =	shalt  }
0x6c: {  	_ =	shalt  }
0x6d: {  	_ =	shalt  }
0x6e: {  	_ =	shalt  }
0x6f: {  	_ =	shalt  }
0x70: {  	_ =	shalt  }
0x71: {  	_ =	shalt  }
0x72: {  	_ =	shalt  }
0x73: {  	_ =	shalt  }
0x74: {  	_ =	shalt  }
0x75: {  	_ =	shalt  }
0x76: {  	_ =	shalt  }
0x77: {  	_ =	shalt  }
0x78: {  	_ =	shalt  }
0x79: {  	_ =	shalt  }
0x7a: {  	_ =	shalt  }
0x7b: {  	_ =	shalt  }
0x7c: {  	_ =	shalt  }
0x7d: {  	_ =	shalt  }
0x7e: {  	_ =	shalt  }
0x7f: {  	_ =	shalt  }
0x80: {  	_ =	shalt  }
0x81: {  	_ =	shalt  }
0x82: {  	_ =	shalt  }
0x83: {  	_ =	shalt  }
0x84: {  	_ =	shalt  }
0x85: {  	_ =	shalt  }
0x86: {  	_ =	shalt  }
0x87: {  	_ =	shalt  }
.Lfunc_end0:
.L_simem_size_0:
called_computation.1_lowered:
.L_overlay_start_0:
0x88: {  	s2 =	sld [smem:$0x3FD9]  }
0x89: {  	s3 =	sld [smem:$0x3FFE];
	_ =	sdelay $0x1  }
0x8a: {  	s1 =	srdreg.scid  }
0x8b: {  	s0 =	sand.u32 $0x1, s1  }
0x8c: {  	s17 =	sshll.u32 s0, $0xA;
	s2 =	sadd.s32 s3, s2  }
0x8d: {  	s2 =	sadd.s32 s2, s17  }
0x8e: {  	[smem:$0x3FC2] =	sst s2  }
0x8f: {  	_ = 	snop  }
0x90: {  	s2 =	sld [smem:$0x3FD0];
	(tm) =	ssettm $0x1  }
0x91: {  	s18 =	sld [smem:$0x3FFB];
	_ =	sdelay $0x3  }
0x92: {  	_ =	strace s18  }
0x93: {  	s3 =	sld [smem:$0x3FFC];
	_ =	sdelay $0x3  }
0x94: {  	_ =	strace s3  }
0x95: {  	s3 =	sld [smem:$0x3FFD];
	_ =	sdelay $0x3  }
0x96: {  	_ =	strace s3  }
0x97: {  	_ =	strace $0x8FFFFFFF  }
0x98: {  	s19 =	sld [smem:$0x3FDB];
	_ =	sdelay $0x1  }
0x99: {  	s4 =	simm.s32 $_scs_section_size  }
0x9a: {  	s5 =	simm.s32 $_size__tile_overlayer_lowered;
	s6 =	simm.s32 $_tile_overlayer_lowered  }
0x9b: {  	s22 =	simm.s32 $0x1BFF;
	s21 =	sshll.u32 s6, $0x1;
	s3 =	sadd.s32 s4, s19  }
0x9c: {  	s7 =	simm.s32 $0x0;
	s20 =	sshll.u32 s5, $0x1;
	s5 =	sadd.s32 s21, s3  }
0x9d: {  	[timem:s7], [sflag:s22] =	dma.local [hbm:s5], s20  }
0x9e: {  	_ =	swait.ge [sflag:s22], s20  }
0x9f: {  	s4 =	ssub.s32 $0x0, s20;
	[sflag:s22] =	ssyncset.done $0x0  }
0xa0: {  	[sflag:s22] =	ssyncadd.s32 s4;
	_ =	sdelay $0x1  }
0xa1: {  	s23 =	simm.s32 $0x1B8B  }
0xa2: {  	_ =	swait.ge [sflag:s23], $0x1  }
0xa3: {  	[sflag:s23] =	ssyncset.done $0x0  }
0xa4: {  	s25 =	simm.s32 $0x1B8E;
	s24 =	sld [smem:$0x3FFE];
	[sflag:s23] =	ssyncadd.s32 $0xFFFFFFFF  }
0xa5: {  	s26 =	simm.s32 $execute0_lowered;
	[smem:$0x3FD2] =	sst s25  }
0xa6: {  	s5 =	sshll.u32 s26, $0x1;
	_ =	strace $0x80000049;
	[dreg:$0x1] =	wrdreg $0xFFFFFFFF  }
0xa7: {  	s28 =	simm.s32 $_size_execute0_lowered;
	s3 =	sadd.s32 s3, s5;
	[dreg:$0x0] =	wrdreg $0x0  }
0xa8: {  	s5 =	sshll.u32 s28, $0x1;
	[dreg:$0x2] =	wrdreg s3  }
0xa9: {  	[dreg:$0x3] =	wrdreg s5  }
0xaa: {  	[dreg:$0x4] =	wrdreg $0xC0  }
0xab: {  	_ =	task [dreg:s7], $0x5FFFF  }
0xac: {  	[dreg:$0x1] =	wrdreg $0xFFFFFFFF  }
0xad: {  	[dreg:$0x0] =	wrdreg $0x60  }
0xae: {  	[dreg:$0x2] =	wrdreg s2  }
0xaf: {  	[dreg:$0x3] =	wrdreg s24  }
0xb0: {  	[dreg:$0x4] =	wrdreg $0xA8000  }
0xb1: {  	[dreg:$0x5] =	wrdreg $0x9  }
0xb2: {  	_ =	task.clear_ibuf [dreg:s7], $0x6FFFF;
	_ =	strace $0x90000049  }
0xb3: {  	s29 =	simm.s32 $0x9;
	_ =	strace $0x8000004B  }
0xb4: {  	_ =	swait.ge [sflag:s29], $0x1  }
0xb5: {  	[sflag:s29] =	ssyncadd.s32 $0xFFFFFFFF  }
0xb6: {  	_ =	strace $0x9000004B  }
0xb7: {  	_ =	sfence  }
0xb8: {  	s30 =	sld [smem:$0x0];
	_ =	sdelay $0x2  }
0xb9: {  	s31 =	sshll.u32 s1, $0xD;
	s1 =	sshrl.u32 s1, $0x2  }
0xba: {  	s3 =	sand.u32 $0x4000, s31;
	s1 =	sadd.s32 s1, s30  }
0xbb: {  	s0 =	sor.u32 s3, s0;
	s1 =	sshll.u32 s1, $0x11  }
0xbc: {  	s0 =	sor.u32 s1, s0  }
0xbd: {  	s0 =	sadd.s32 $0x8F2B, s0  }
0xbe: {  	[sflag:s0] =	ssyncadd.remote.s32 $0x1  }
0xbf: {  	_ =	sfence.sel $0xFFFF  }
0xc0: {  	[dreg:$0x0] =	wrdreg $0xFFFFFFFF;
	(pc) =	sbr.abs _section_cstart, $3  }
0xc1: {  	[dreg:$0x1] =	wrdreg $0xFFFFFFFF  }
0xc2: {  	_ =	task.clear_ibuf [dreg:s7], $0x2FFFF;
	_ =	strace $0x9FFFFFFF  }
0xc3: {  	(tm) =	ssettm $0x7FFFFFFF  }
tec
execute0_lowered:
.L_overlay_start_1:
0x0: {  	(tag) =	ssettag $0x1  }
0x1: {  	s1 =	rddreg [dreg:$0x0]  }
0x2: {  	s0 =	rddreg [dreg:$0x1]  }
0x3: {  	s2 =	rddreg [dreg:$0x2];
	s3 =	simm.s32 $0x0;
	s6 =	srdreg.scid  }
0x4: {  	s4 =	stileid.u32;
	s19 =	simm.s32 $0x3;
	s20 =	simm.s32 $0x1400  }
0x5: {  	s21 =	simm.s32 $0x80;
	s22 =	simm.s32 $0x2800;
	s23 =	simm.s32 $0x6800  }
0x6: {  	s24 =	simm.s32 $0x1;
	s25 =	simm.s32 $0x2;
	s28 =	simm.s32 $0x2700  }
0x7: {  	s29 =	simm.s32 $0x2780;
	[smem:$0x7FF] =	sst s3;
	s5 =	sadd.s32 $0xE600, s0  }
0x8: {  	s14 =	sadd.s32 $0x9600, s0;
	s9 =	sand.u32 $0x1, s6;
	s15 =	sadd.s32 $0x4000, s0  }
0x9: {  	s10 =	smul.u32 $0x50000, s4;
	s26 =	sadd.s32 $0x36600, s0;
	s0 =	sadd.s32 $0xAE600, s0  }
0xa: {  	s16 =	smul.u32 $0x500, s4;
	_ =	strace $0x8000004A;
	[dreg:$0x4] =	wrdreg s26  }
0xb: {  	s8 =	ssub.s32 $0x2, s9;
	[dreg:$0x5] =	wrdreg s0;
	p0 =	seq.s32 s9, $0x1  }
0xc: {  	s26 =	simm.s32 $0x1380;
	s30 =	sshrl.u32 s8, $0x1;
	s10 =	sshrl.u32 s10, $0x2  }
.Ltmp0:
0xd: {  	s12 =	sadd.s32 s14, s16;
	s13 =	sadd.s32 s15, s16;
	(pc) =	sbr.rel .LBB2_1-.Ltmp0, $4  }
0xe: {  	s31 =	sadd.s32 $0x280, s16;
	s16 =	sshll.u32 s4, $0x6;
	s0 =	ssub.s32 s8, s30  }
0xf: {  	s8 =	smul.u32 $0x2800, s4;
	s18 =	sadd.s32 s10, s2;
	s14 =	sadd.s32 s14, s31  }
0x10: {  	s15 =	sadd.s32 s15, s31;
	s17 =	sor.u32 $0x1C03, s16;
	s11 =	smax.u32 s0, $0x1  }
0x11: {  	s18 =	sshrl.u32 s18, $0x3;
	s9 =	sadd.s32 s1, s8;
	s10 =	sadd.s32 s5, s8  }
.LBB2_11:
0x12: {  	s0 =	sadd.s32 $0x80, s30;
	[sflag:s19] =	ssyncadd.s32 $0xFFFFC000  }
0x13: {  	[tilespmem:s23], [sflag:$0x2] =	stream.indirect.gather [hbm4b:s5+s21], $0x80, s0, s21, $0xb8;
	[tilespmem:$0x1E800] =	vst v63  }
0x14: {  	_ =	swait.ge [sflag:s24], $0x4000  }
0x15: {  	[sflag:s24] =	ssyncset.done $0x0  }
0x16: {  	s6 =	sadd.s32 $0x1400, s30;
	[sflag:s24] =	ssyncadd.s32 $0xFFFFC000  }
0x17: {  	[spmem:s2] =	stream.indirect.scatter.add.f32 [tilespmem:s22], [sflag:$0x3], $0x80, s6, s21, $0xb8;
	[tilespmem:$0x1E800] =	vst v63  }
0x18: {  	_ =	swait.ge [sflag:s19], $0x4000  }
0x19: {  	[sflag:s19] =	ssyncset.done $0x0  }
0x1a: {  	s7 =	sadd.s32 $0x100, s30;
	[sflag:s19] =	ssyncadd.s32 $0xFFFFC000  }
0x1b: {  	[tilespmem:s22], [sflag:$0x1] =	stream.indirect.gather [hbm4b:s5+s21], $0x80, s7, s21, $0xb8;
	[tilespmem:$0x1E800] =	vst v63  }
0x1c: {  	_ =	swait.ge [sflag:s25], $0x4000  }
0x1d: {  	[sflag:s25] =	ssyncset.done $0x0  }
0x1e: {  	s31 =	sadd.s32 $0x1480, s30;
	[sflag:s25] =	ssyncadd.s32 $0xFFFFC000  }
0x1f: {  	[spmem:s2] =	stream.indirect.scatter.add.f32 [tilespmem:s23], [sflag:$0x3], $0x80, s31, s21, $0xb8;
	[tilespmem:$0x1E800] =	vst v63  }
0x20: {  	_ =	swait.ge [sflag:s19], $0x4000  }
0x21: {  	[sflag:s19] =	ssyncset.done $0x0  }
0x22: {  	[sflag:s19] =	ssyncadd.s32 $0xFFFFC000  }
0x23: {  	[tilespmem:s23], [sflag:$0x2] =	stream.indirect.gather [hbm4b:s5+s21], $0x80, s26, s21, $0xb8;
	[tilespmem:$0x1E800] =	vst v63  }
0x24: {  	_ =	swait.ge [sflag:s24], $0x4000  }
0x25: {  	[sflag:s24] =	ssyncset.done $0x0  }
0x26: {  	[sflag:s24] =	ssyncadd.s32 $0xFFFFC000  }
0x27: {  	[spmem:s2] =	stream.indirect.scatter.add.f32 [tilespmem:s22], [sflag:$0x3], $0x80, s28, s21, $0xb8;
	[tilespmem:$0x1E800] =	vst v63  }
0x28: {  	_ =	swait.ge [sflag:s19], $0x4000  }
0x29: {  	[sflag:s19] =	ssyncset.done $0x0  }
0x2a: {  	[sflag:s19] =	ssyncadd.s32 $0xFFFFC000  }
0x2b: {  	_ =	swait.ge [sflag:s25], $0x4000  }
0x2c: {  	[sflag:s25] =	ssyncset.done $0x0  }
0x2d: {  	[sflag:s25] =	ssyncadd.s32 $0xFFFFC000  }
0x2e: {  	[spmem:s2] =	stream.indirect.scatter.add.f32 [tilespmem:s23], [sflag:$0x3], $0x80, s29, s21, $0xb8;
	[tilespmem:$0x1E800] =	vst v63  }
0x2f: {  	_ =	swait.ge [sflag:s19], $0x4000  }
0x30: {  	[sflag:s19] =	ssyncset.done $0x0  }
0x31: {  	s30 =	smov.u32 s17;
	s0 =	rddreg [dreg:$0x5];
	[sflag:s19] =	ssyncadd.s32 $0xFFFFC000  }
.LBB2_12:
0x32: {  	s3 =	sadd.s32 $0x1, s3  }
0x33: {  	p1 =	sne.s32 s3, s11  }
.Ltmp1:
0x34: {  	s0 =	sadd.s32 s0, s8;
	[bflag:$0x0] =	sbarrier.arrive $0xFFFF;
	(pc) =	sbr.rel @!p1 .LBB2_13-.Ltmp1, $4  }
0x35: {  	[hbm:s0], [sflag:s30] =	dma.local [spmem:s18], $0x2800  }
0x36: {  	_ =	swait.ge [sflag:s19], $0x2800  }
0x37: {  	[sflag:s19] =	ssyncset.done $0x0  }
0x38: {  	[sflag:s19] =	ssyncadd.s32 $0xFFFFD800  }
.LBB2_1:
.Ltmp2:
0x39: {  	(pc) =	sbr.rel @!p0 .LBB2_2-.Ltmp2, $1  }
0x3a: {  	_ =	sdelay $0x3  }
0x3b: {  	[spmem:s18], [sflag:s17] =	dma.local [hbm:s10], $0x2800  }
0x3c: {  	_ =	swait.ge [sflag:s19], $0x2800  }
0x3d: {  	[sflag:s19] =	ssyncset.done $0x0  }
0x3e: {  	[sflag:s19] =	ssyncadd.s32 $0xFFFFD800  }
0x3f: {  	s0 =	simm.s32 $0x0;
	[bflag:$0x0] =	sbarrier.arrive $0xFFFF  }
0x40: {  	[tilespmem:s0], [sflag:$0x3] =	stream.linear.gather [hbm4b:s12+s0], $0x1400, $0x38;
	[tilespmem:$0x1E800] =	vst v63  }
0x41: {  	_ =	swait.ge [sflag:s19], $0x1400  }
0x42: {  	[sflag:s19] =	ssyncset.done $0x0  }
0x43: {  	[sflag:s19] =	ssyncadd.s32 $0xFFFFEC00  }
0x44: {  	[tilespmem:s20], [sflag:$0x3] =	stream.linear.gather [hbm4b:s13+s0], $0x1400, $0x38;
	[tilespmem:$0x1E800] =	vst v63  }
0x45: {  	_ =	swait.ge [sflag:s19], $0x1400  }
0x46: {  	[sflag:s19] =	ssyncset.done $0x0  }
0x47: {  	[sflag:s19] =	ssyncadd.s32 $0xFFFFEC00  }
0x48: {  	[tilespmem:s22], [sflag:$0x1] =	stream.indirect.gather [hbm4b:s5+s21], $0x80, s0, s21, $0xb8;
	[tilespmem:$0x1E800] =	vst v63  }
0x49: {  	s4 =	simm.s32 $0x80  }
0x4a: {  	[tilespmem:s23], [sflag:$0x2] =	stream.indirect.gather [hbm4b:s5+s21], $0x80, s4, s21, $0xb8;
	[tilespmem:$0x1E800] =	vst v63  }
0x4b: {  	_ =	swait.ge [sflag:s24], $0x4000  }
0x4c: {  	[sflag:s24] =	ssyncset.done $0x0  }
0x4d: {  	s6 =	simm.s32 $0x1400;
	[sflag:s24] =	ssyncadd.s32 $0xFFFFC000  }
0x4e: {  	[spmem:s2] =	stream.indirect.scatter.add.f32 [tilespmem:s22], [sflag:$0x3], $0x80, s6, s21, $0xb8;
	[tilespmem:$0x1E800] =	vst v63  }
0x4f: {  	_ =	swait.ge [sflag:s19], $0x4000  }
0x50: {  	[sflag:s19] =	ssyncset.done $0x0  }
0x51: {  	s7 =	simm.s32 $0x100;
	[sflag:s19] =	ssyncadd.s32 $0xFFFFC000  }
0x52: {  	[tilespmem:s22], [sflag:$0x1] =	stream.indirect.gather [hbm4b:s5+s21], $0x80, s7, s21, $0xb8;
	[tilespmem:$0x1E800] =	vst v63  }
0x53: {  	_ =	swait.ge [sflag:s25], $0x4000  }
0x54: {  	[sflag:s25] =	ssyncset.done $0x0  }
0x55: {  	s31 =	simm.s32 $0x1480;
	[sflag:s25] =	ssyncadd.s32 $0xFFFFC000  }
0x56: {  	[spmem:s2] =	stream.indirect.scatter.add.f32 [tilespmem:s23], [sflag:$0x3], $0x80, s31, s21, $0xb8;
	[tilespmem:$0x1E800] =	vst v63  }
0x57: {  	_ =	swait.ge [sflag:s19], $0x4000  }
0x58: {  	s30 =	simm.s32 $0x100;
	s0 =	simm.s32 $0x800;
	[sflag:s19] =	ssyncset.done $0x0  }
.LBB2_8:
0x59: {  	s4 =	sadd.s32 $0x80, s30  }
0x5a: {  	[sflag:s19] =	ssyncadd.s32 $0xFFFFC000;
	s6 =	smov.u32 s0;
	s7 =	sadd.s32 $0x400, s0  }
0x5b: {  	[tilespmem:s23], [sflag:$0x2] =	stream.indirect.gather [hbm4b:s5+s21], $0x80, s4, s21, $0xb8;
	[tilespmem:$0x1E800] =	vst v63  }
0x5c: {  	p1 =	sne.s32 s0, $0x4800;
	_ =	swait.ge [sflag:s24], $0x4000  }
0x5d: {  	[sflag:s24] =	ssyncset.done $0x0  }
0x5e: {  	s0 =	sadd.s32 $0x1400, s30;
	[sflag:s24] =	ssyncadd.s32 $0xFFFFC000  }
0x5f: {  	[spmem:s2] =	stream.indirect.scatter.add.f32 [tilespmem:s22], [sflag:$0x3], $0x80, s0, s21, $0xb8;
	[tilespmem:$0x1E800] =	vst v63  }
0x60: {  	_ =	swait.ge [sflag:s19], $0x4000  }
0x61: {  	[sflag:s19] =	ssyncset.done $0x0  }
0x62: {  	s0 =	sadd.s32 $0x100, s30;
	[sflag:s19] =	ssyncadd.s32 $0xFFFFC000  }
0x63: {  	[tilespmem:s22], [sflag:$0x1] =	stream.indirect.gather [hbm4b:s5+s21], $0x80, s0, s21, $0xb8;
	[tilespmem:$0x1E800] =	vst v63  }
0x64: {  	_ =	swait.ge [sflag:s25], $0x4000  }
.Ltmp3:
0x65: {  	[sflag:s25] =	ssyncset.done $0x0;
	(pc) =	sbr.rel @p1 .LBB2_8-.Ltmp3, $4  }
0x66: {  	s0 =	sadd.s32 $0x1480, s30;
	[sflag:s25] =	ssyncadd.s32 $0xFFFFC000  }
0x67: {  	[spmem:s2] =	stream.indirect.scatter.add.f32 [tilespmem:s23], [sflag:$0x3], $0x80, s0, s21, $0xb8;
	[tilespmem:$0x1E800] =	vst v63  }
0x68: {  	_ =	swait.ge [sflag:s19], $0x4000  }
0x69: {  	s30 =	sshra.s32 s6, $0x2;
	s0 =	smov.u32 s7;
	[sflag:s19] =	ssyncset.done $0x0  }
0x6a: {  	s0 =	sadd.s32 $0x80, s30;
	[sflag:s19] =	ssyncadd.s32 $0xFFFFC000  }
0x6b: {  	[tilespmem:s23], [sflag:$0x2] =	stream.indirect.gather [hbm4b:s5+s21], $0x80, s0, s21, $0xb8;
	[tilespmem:$0x1E800] =	vst v63  }
0x6c: {  	_ =	swait.ge [sflag:s24], $0x4000  }
0x6d: {  	[sflag:s24] =	ssyncset.done $0x0  }
0x6e: {  	s4 =	sadd.s32 $0x1400, s30;
	[sflag:s24] =	ssyncadd.s32 $0xFFFFC000  }
0x6f: {  	[spmem:s2] =	stream.indirect.scatter.add.f32 [tilespmem:s22], [sflag:$0x3], $0x80, s4, s21, $0xb8;
	[tilespmem:$0x1E800] =	vst v63  }
0x70: {  	_ =	swait.ge [sflag:s19], $0x4000  }
0x71: {  	[sflag:s19] =	ssyncset.done $0x0  }
0x72: {  	s6 =	sadd.s32 $0x100, s30;
	[sflag:s19] =	ssyncadd.s32 $0xFFFFC000  }
0x73: {  	[tilespmem:s22], [sflag:$0x1] =	stream.indirect.gather [hbm4b:s5+s21], $0x80, s6, s21, $0xb8;
	[tilespmem:$0x1E800] =	vst v63  }
0x74: {  	_ =	swait.ge [sflag:s25], $0x4000  }
0x75: {  	[sflag:s25] =	ssyncset.done $0x0  }
0x76: {  	s7 =	sadd.s32 $0x1480, s30;
	[sflag:s25] =	ssyncadd.s32 $0xFFFFC000  }
0x77: {  	[spmem:s2] =	stream.indirect.scatter.add.f32 [tilespmem:s23], [sflag:$0x3], $0x80, s7, s21, $0xb8;
	[tilespmem:$0x1E800] =	vst v63  }
0x78: {  	_ =	swait.ge [sflag:s19], $0x4000  }
0x79: {  	[sflag:s19] =	ssyncset.done $0x0  }
0x7a: {  	[sflag:s19] =	ssyncadd.s32 $0xFFFFC000  }
0x7b: {  	[tilespmem:s23], [sflag:$0x2] =	stream.indirect.gather [hbm4b:s5+s21], $0x80, s26, s21, $0xb8;
	[tilespmem:$0x1E800] =	vst v63  }
0x7c: {  	_ =	swait.ge [sflag:s24], $0x4000  }
0x7d: {  	[sflag:s24] =	ssyncset.done $0x0  }
0x7e: {  	[sflag:s24] =	ssyncadd.s32 $0xFFFFC000  }
0x7f: {  	[spmem:s2] =	stream.indirect.scatter.add.f32 [tilespmem:s22], [sflag:$0x3], $0x80, s28, s21, $0xb8;
	[tilespmem:$0x1E800] =	vst v63  }
0x80: {  	_ =	swait.ge [sflag:s19], $0x4000  }
0x81: {  	[sflag:s19] =	ssyncset.done $0x0  }
0x82: {  	[sflag:s19] =	ssyncadd.s32 $0xFFFFC000  }
0x83: {  	_ =	swait.ge [sflag:s25], $0x4000  }
0x84: {  	[sflag:s25] =	ssyncset.done $0x0  }
0x85: {  	[sflag:s25] =	ssyncadd.s32 $0xFFFFC000  }
0x86: {  	[spmem:s2] =	stream.indirect.scatter.add.f32 [tilespmem:s23], [sflag:$0x3], $0x80, s29, s21, $0xb8;
	[tilespmem:$0x1E800] =	vst v63  }
0x87: {  	_ =	swait.ge [sflag:s19], $0x4000  }
0x88: {  	[sflag:s19] =	ssyncset.done $0x0  }
0x89: {  	s31 =	simm.s32 $0x0;
	[sflag:s19] =	ssyncadd.s32 $0xFFFFC000  }
0x8a: {  	[tilespmem:s31], [sflag:$0x3] =	stream.linear.gather [hbm4b:s14+s31], $0x1400, $0x38;
	[tilespmem:$0x1E800] =	vst v63  }
0x8b: {  	_ =	swait.ge [sflag:s19], $0x1400  }
0x8c: {  	[sflag:s19] =	ssyncset.done $0x0  }
0x8d: {  	[sflag:s19] =	ssyncadd.s32 $0xFFFFEC00  }
0x8e: {  	[tilespmem:s20], [sflag:$0x3] =	stream.linear.gather [hbm4b:s15+s31], $0x1400, $0x38;
	[tilespmem:$0x1E800] =	vst v63  }
0x8f: {  	_ =	swait.ge [sflag:s19], $0x1400  }
0x90: {  	[sflag:s19] =	ssyncset.done $0x0  }
0x91: {  	[sflag:s19] =	ssyncadd.s32 $0xFFFFEC00  }
0x92: {  	[tilespmem:s22], [sflag:$0x1] =	stream.indirect.gather [hbm4b:s5+s21], $0x80, s31, s21, $0xb8;
	[tilespmem:$0x1E800] =	vst v63  }
0x93: {  	s4 =	simm.s32 $0x80  }
0x94: {  	[tilespmem:s23], [sflag:$0x2] =	stream.indirect.gather [hbm4b:s5+s21], $0x80, s4, s21, $0xb8;
	[tilespmem:$0x1E800] =	vst v63  }
0x95: {  	_ =	swait.ge [sflag:s24], $0x4000  }
0x96: {  	[sflag:s24] =	ssyncset.done $0x0  }
0x97: {  	s6 =	simm.s32 $0x1400;
	[sflag:s24] =	ssyncadd.s32 $0xFFFFC000  }
0x98: {  	[spmem:s2] =	stream.indirect.scatter.add.f32 [tilespmem:s22], [sflag:$0x3], $0x80, s6, s21, $0xb8;
	[tilespmem:$0x1E800] =	vst v63  }
0x99: {  	_ =	swait.ge [sflag:s19], $0x4000  }
0x9a: {  	[sflag:s19] =	ssyncset.done $0x0  }
0x9b: {  	s7 =	simm.s32 $0x100;
	[sflag:s19] =	ssyncadd.s32 $0xFFFFC000  }
0x9c: {  	[tilespmem:s22], [sflag:$0x1] =	stream.indirect.gather [hbm4b:s5+s21], $0x80, s7, s21, $0xb8;
	[tilespmem:$0x1E800] =	vst v63  }
0x9d: {  	_ =	swait.ge [sflag:s25], $0x4000  }
0x9e: {  	[sflag:s25] =	ssyncset.done $0x0  }
0x9f: {  	s31 =	simm.s32 $0x1480;
	[sflag:s25] =	ssyncadd.s32 $0xFFFFC000  }
0xa0: {  	[spmem:s2] =	stream.indirect.scatter.add.f32 [tilespmem:s23], [sflag:$0x3], $0x80, s31, s21, $0xb8;
	[tilespmem:$0x1E800] =	vst v63  }
0xa1: {  	_ =	swait.ge [sflag:s19], $0x4000  }
0xa2: {  	s30 =	simm.s32 $0x100;
	s0 =	simm.s32 $0x800;
	[sflag:s19] =	ssyncset.done $0x0  }
.LBB2_10:
0xa3: {  	s4 =	sadd.s32 $0x80, s30  }
0xa4: {  	[sflag:s19] =	ssyncadd.s32 $0xFFFFC000;
	s6 =	smov.u32 s0;
	s7 =	sadd.s32 $0x400, s0  }
0xa5: {  	[tilespmem:s23], [sflag:$0x2] =	stream.indirect.gather [hbm4b:s5+s21], $0x80, s4, s21, $0xb8;
	[tilespmem:$0x1E800] =	vst v63  }
0xa6: {  	p1 =	sne.s32 s0, $0x4800;
	_ =	swait.ge [sflag:s24], $0x4000  }
0xa7: {  	[sflag:s24] =	ssyncset.done $0x0  }
0xa8: {  	s0 =	sadd.s32 $0x1400, s30;
	[sflag:s24] =	ssyncadd.s32 $0xFFFFC000  }
0xa9: {  	[spmem:s2] =	stream.indirect.scatter.add.f32 [tilespmem:s22], [sflag:$0x3], $0x80, s0, s21, $0xb8;
	[tilespmem:$0x1E800] =	vst v63  }
0xaa: {  	_ =	swait.ge [sflag:s19], $0x4000  }
0xab: {  	[sflag:s19] =	ssyncset.done $0x0  }
0xac: {  	s0 =	sadd.s32 $0x100, s30;
	[sflag:s19] =	ssyncadd.s32 $0xFFFFC000  }
0xad: {  	[tilespmem:s22], [sflag:$0x1] =	stream.indirect.gather [hbm4b:s5+s21], $0x80, s0, s21, $0xb8;
	[tilespmem:$0x1E800] =	vst v63  }
0xae: {  	_ =	swait.ge [sflag:s25], $0x4000  }
.Ltmp4:
0xaf: {  	[sflag:s25] =	ssyncset.done $0x0;
	(pc) =	sbr.rel @p1 .LBB2_10-.Ltmp4, $4  }
0xb0: {  	s0 =	sadd.s32 $0x1480, s30;
	[sflag:s25] =	ssyncadd.s32 $0xFFFFC000  }
0xb1: {  	[spmem:s2] =	stream.indirect.scatter.add.f32 [tilespmem:s23], [sflag:$0x3], $0x80, s0, s21, $0xb8;
	[tilespmem:$0x1E800] =	vst v63  }
0xb2: {  	_ =	swait.ge [sflag:s19], $0x4000  }
0xb3: {  	s30 =	sshra.s32 s6, $0x2;
	s0 =	smov.u32 s7;
	[sflag:s19] =	ssyncset.done $0x0  }
.Ltmp5:
0xb4: {  	_ = 	snop;
	(pc) =	sbr.rel .LBB2_11-.Ltmp5, $1  }
0xb5: {  	_ =	sdelay $0x3  }
.LBB2_2:
0xb6: {  	s30 =	sor.u32 $0x1C03, s16  }
0xb7: {  	[spmem:s18], [sflag:s30] =	dma.local [hbm:s9], $0x2800  }
0xb8: {  	_ =	swait.ge [sflag:s19], $0x2800  }
0xb9: {  	[sflag:s19] =	ssyncset.done $0x0  }
0xba: {  	[sflag:s19] =	ssyncadd.s32 $0xFFFFD800  }
0xbb: {  	s0 =	simm.s32 $0x0;
	[bflag:$0x0] =	sbarrier.arrive $0xFFFF  }
0xbc: {  	[tilespmem:s0], [sflag:$0x3] =	stream.linear.gather [hbm4b:s12+s0], $0x1400, $0x38;
	[tilespmem:$0x1E800] =	vst v63  }
0xbd: {  	_ =	swait.ge [sflag:s19], $0x1400  }
0xbe: {  	[sflag:s19] =	ssyncset.done $0x0  }
0xbf: {  	[sflag:s19] =	ssyncadd.s32 $0xFFFFEC00  }
0xc0: {  	[tilespmem:s20], [sflag:$0x3] =	stream.linear.gather [hbm4b:s13+s0], $0x1400, $0x38;
	[tilespmem:$0x1E800] =	vst v63  }
0xc1: {  	_ =	swait.ge [sflag:s19], $0x1400  }
0xc2: {  	[sflag:s19] =	ssyncset.done $0x0  }
0xc3: {  	[sflag:s19] =	ssyncadd.s32 $0xFFFFEC00  }
0xc4: {  	[tilespmem:s22], [sflag:$0x1] =	stream.indirect.gather [hbm4b:s1+s21], $0x80, s0, s21, $0xb8;
	[tilespmem:$0x1E800] =	vst v63  }
0xc5: {  	s7 =	simm.s32 $0x80  }
0xc6: {  	[tilespmem:s23], [sflag:$0x2] =	stream.indirect.gather [hbm4b:s1+s21], $0x80, s7, s21, $0xb8;
	[tilespmem:$0x1E800] =	vst v63  }
0xc7: {  	_ =	swait.ge [sflag:s24], $0x4000  }
0xc8: {  	[sflag:s24] =	ssyncset.done $0x0  }
0xc9: {  	s4 =	simm.s32 $0x1400;
	[sflag:s24] =	ssyncadd.s32 $0xFFFFC000  }
0xca: {  	[spmem:s2] =	stream.indirect.scatter.add.f32 [tilespmem:s22], [sflag:$0x3], $0x80, s4, s21, $0xb8;
	[tilespmem:$0x1E800] =	vst v63  }
0xcb: {  	_ =	swait.ge [sflag:s19], $0x4000  }
0xcc: {  	[sflag:s19] =	ssyncset.done $0x0  }
0xcd: {  	s6 =	simm.s32 $0x100;
	[sflag:s19] =	ssyncadd.s32 $0xFFFFC000  }
0xce: {  	[tilespmem:s22], [sflag:$0x1] =	stream.indirect.gather [hbm4b:s1+s21], $0x80, s6, s21, $0xb8;
	[tilespmem:$0x1E800] =	vst v63  }
0xcf: {  	_ =	swait.ge [sflag:s25], $0x4000  }
0xd0: {  	[sflag:s25] =	ssyncset.done $0x0  }
0xd1: {  	s7 =	simm.s32 $0x1480;
	[sflag:s25] =	ssyncadd.s32 $0xFFFFC000  }
0xd2: {  	[spmem:s2] =	stream.indirect.scatter.add.f32 [tilespmem:s23], [sflag:$0x3], $0x80, s7, s21, $0xb8;
	[tilespmem:$0x1E800] =	vst v63  }
0xd3: {  	_ =	swait.ge [sflag:s19], $0x4000  }
0xd4: {  	s31 =	simm.s32 $0x100;
	s0 =	simm.s32 $0x800;
	[sflag:s19] =	ssyncset.done $0x0  }
.LBB2_3:
0xd5: {  	s4 =	sadd.s32 $0x80, s31  }
0xd6: {  	[sflag:s19] =	ssyncadd.s32 $0xFFFFC000;
	s6 =	smov.u32 s0;
	s7 =	sadd.s32 $0x400, s0  }
0xd7: {  	[tilespmem:s23], [sflag:$0x2] =	stream.indirect.gather [hbm4b:s1+s21], $0x80, s4, s21, $0xb8;
	[tilespmem:$0x1E800] =	vst v63  }
0xd8: {  	p1 =	sne.s32 s0, $0x4800;
	_ =	swait.ge [sflag:s24], $0x4000  }
0xd9: {  	[sflag:s24] =	ssyncset.done $0x0  }
0xda: {  	s0 =	sadd.s32 $0x1400, s31;
	[sflag:s24] =	ssyncadd.s32 $0xFFFFC000  }
0xdb: {  	[spmem:s2] =	stream.indirect.scatter.add.f32 [tilespmem:s22], [sflag:$0x3], $0x80, s0, s21, $0xb8;
	[tilespmem:$0x1E800] =	vst v63  }
0xdc: {  	_ =	swait.ge [sflag:s19], $0x4000  }
0xdd: {  	[sflag:s19] =	ssyncset.done $0x0  }
0xde: {  	s0 =	sadd.s32 $0x100, s31;
	[sflag:s19] =	ssyncadd.s32 $0xFFFFC000  }
0xdf: {  	[tilespmem:s22], [sflag:$0x1] =	stream.indirect.gather [hbm4b:s1+s21], $0x80, s0, s21, $0xb8;
	[tilespmem:$0x1E800] =	vst v63  }
0xe0: {  	_ =	swait.ge [sflag:s25], $0x4000  }
.Ltmp6:
0xe1: {  	[sflag:s25] =	ssyncset.done $0x0;
	(pc) =	sbr.rel @p1 .LBB2_3-.Ltmp6, $4  }
0xe2: {  	s0 =	sadd.s32 $0x1480, s31;
	[sflag:s25] =	ssyncadd.s32 $0xFFFFC000  }
0xe3: {  	[spmem:s2] =	stream.indirect.scatter.add.f32 [tilespmem:s23], [sflag:$0x3], $0x80, s0, s21, $0xb8;
	[tilespmem:$0x1E800] =	vst v63  }
0xe4: {  	_ =	swait.ge [sflag:s19], $0x4000  }
0xe5: {  	s31 =	sshra.s32 s6, $0x2;
	s0 =	smov.u32 s7;
	[sflag:s19] =	ssyncset.done $0x0  }
0xe6: {  	s0 =	sadd.s32 $0x80, s31;
	[sflag:s19] =	ssyncadd.s32 $0xFFFFC000  }
0xe7: {  	[tilespmem:s23], [sflag:$0x2] =	stream.indirect.gather [hbm4b:s1+s21], $0x80, s0, s21, $0xb8;
	[tilespmem:$0x1E800] =	vst v63  }
0xe8: {  	_ =	swait.ge [sflag:s24], $0x4000  }
0xe9: {  	[sflag:s24] =	ssyncset.done $0x0  }
0xea: {  	s6 =	sadd.s32 $0x1400, s31;
	[sflag:s24] =	ssyncadd.s32 $0xFFFFC000  }
0xeb: {  	[spmem:s2] =	stream.indirect.scatter.add.f32 [tilespmem:s22], [sflag:$0x3], $0x80, s6, s21, $0xb8;
	[tilespmem:$0x1E800] =	vst v63  }
0xec: {  	_ =	swait.ge [sflag:s19], $0x4000  }
0xed: {  	[sflag:s19] =	ssyncset.done $0x0  }
0xee: {  	s7 =	sadd.s32 $0x100, s31;
	[sflag:s19] =	ssyncadd.s32 $0xFFFFC000  }
0xef: {  	[tilespmem:s22], [sflag:$0x1] =	stream.indirect.gather [hbm4b:s1+s21], $0x80, s7, s21, $0xb8;
	[tilespmem:$0x1E800] =	vst v63  }
0xf0: {  	_ =	swait.ge [sflag:s25], $0x4000  }
0xf1: {  	[sflag:s25] =	ssyncset.done $0x0  }
0xf2: {  	s4 =	sadd.s32 $0x1480, s31;
	[sflag:s25] =	ssyncadd.s32 $0xFFFFC000  }
0xf3: {  	[spmem:s2] =	stream.indirect.scatter.add.f32 [tilespmem:s23], [sflag:$0x3], $0x80, s4, s21, $0xb8;
	[tilespmem:$0x1E800] =	vst v63  }
0xf4: {  	_ =	swait.ge [sflag:s19], $0x4000  }
0xf5: {  	[sflag:s19] =	ssyncset.done $0x0  }
0xf6: {  	[sflag:s19] =	ssyncadd.s32 $0xFFFFC000  }
0xf7: {  	[tilespmem:s23], [sflag:$0x2] =	stream.indirect.gather [hbm4b:s1+s21], $0x80, s26, s21, $0xb8;
	[tilespmem:$0x1E800] =	vst v63  }
0xf8: {  	_ =	swait.ge [sflag:s24], $0x4000  }
0xf9: {  	[sflag:s24] =	ssyncset.done $0x0  }
0xfa: {  	[sflag:s24] =	ssyncadd.s32 $0xFFFFC000  }
0xfb: {  	[spmem:s2] =	stream.indirect.scatter.add.f32 [tilespmem:s22], [sflag:$0x3], $0x80, s28, s21, $0xb8;
	[tilespmem:$0x1E800] =	vst v63  }
0xfc: {  	_ =	swait.ge [sflag:s19], $0x4000  }
0xfd: {  	[sflag:s19] =	ssyncset.done $0x0  }
0xfe: {  	[sflag:s19] =	ssyncadd.s32 $0xFFFFC000  }
0xff: {  	_ =	swait.ge [sflag:s25], $0x4000  }
0x100: {  	[sflag:s25] =	ssyncset.done $0x0  }
0x101: {  	[sflag:s25] =	ssyncadd.s32 $0xFFFFC000  }
0x102: {  	[spmem:s2] =	stream.indirect.scatter.add.f32 [tilespmem:s23], [sflag:$0x3], $0x80, s29, s21, $0xb8;
	[tilespmem:$0x1E800] =	vst v63  }
0x103: {  	_ =	swait.ge [sflag:s19], $0x4000  }
0x104: {  	[sflag:s19] =	ssyncset.done $0x0  }
0x105: {  	s6 =	simm.s32 $0x0;
	[sflag:s19] =	ssyncadd.s32 $0xFFFFC000  }
0x106: {  	[tilespmem:s6], [sflag:$0x3] =	stream.linear.gather [hbm4b:s14+s6], $0x1400, $0x38;
	[tilespmem:$0x1E800] =	vst v63  }
0x107: {  	_ =	swait.ge [sflag:s19], $0x1400  }
0x108: {  	[sflag:s19] =	ssyncset.done $0x0  }
0x109: {  	[sflag:s19] =	ssyncadd.s32 $0xFFFFEC00  }
0x10a: {  	[tilespmem:s20], [sflag:$0x3] =	stream.linear.gather [hbm4b:s15+s6], $0x1400, $0x38;
	[tilespmem:$0x1E800] =	vst v63  }
0x10b: {  	_ =	swait.ge [sflag:s19], $0x1400  }
0x10c: {  	[sflag:s19] =	ssyncset.done $0x0  }
0x10d: {  	[sflag:s19] =	ssyncadd.s32 $0xFFFFEC00  }
0x10e: {  	[tilespmem:s22], [sflag:$0x1] =	stream.indirect.gather [hbm4b:s1+s21], $0x80, s6, s21, $0xb8;
	[tilespmem:$0x1E800] =	vst v63  }
0x10f: {  	s7 =	simm.s32 $0x80  }
0x110: {  	[tilespmem:s23], [sflag:$0x2] =	stream.indirect.gather [hbm4b:s1+s21], $0x80, s7, s21, $0xb8;
	[tilespmem:$0x1E800] =	vst v63  }
0x111: {  	_ =	swait.ge [sflag:s24], $0x4000  }
0x112: {  	[sflag:s24] =	ssyncset.done $0x0  }
0x113: {  	s4 =	simm.s32 $0x1400;
	[sflag:s24] =	ssyncadd.s32 $0xFFFFC000  }
0x114: {  	[spmem:s2] =	stream.indirect.scatter.add.f32 [tilespmem:s22], [sflag:$0x3], $0x80, s4, s21, $0xb8;
	[tilespmem:$0x1E800] =	vst v63  }
0x115: {  	_ =	swait.ge [sflag:s19], $0x4000  }
0x116: {  	[sflag:s19] =	ssyncset.done $0x0  }
0x117: {  	s6 =	simm.s32 $0x100;
	[sflag:s19] =	ssyncadd.s32 $0xFFFFC000  }
0x118: {  	[tilespmem:s22], [sflag:$0x1] =	stream.indirect.gather [hbm4b:s1+s21], $0x80, s6, s21, $0xb8;
	[tilespmem:$0x1E800] =	vst v63  }
0x119: {  	_ =	swait.ge [sflag:s25], $0x4000  }
0x11a: {  	[sflag:s25] =	ssyncset.done $0x0  }
0x11b: {  	s7 =	simm.s32 $0x1480;
	[sflag:s25] =	ssyncadd.s32 $0xFFFFC000  }
0x11c: {  	[spmem:s2] =	stream.indirect.scatter.add.f32 [tilespmem:s23], [sflag:$0x3], $0x80, s7, s21, $0xb8;
	[tilespmem:$0x1E800] =	vst v63  }
0x11d: {  	_ =	swait.ge [sflag:s19], $0x4000  }
0x11e: {  	s31 =	simm.s32 $0x100;
	s0 =	simm.s32 $0x800;
	[sflag:s19] =	ssyncset.done $0x0  }
.LBB2_5:
0x11f: {  	s4 =	sadd.s32 $0x80, s31  }
0x120: {  	[sflag:s19] =	ssyncadd.s32 $0xFFFFC000;
	s6 =	smov.u32 s0;
	s7 =	sadd.s32 $0x400, s0  }
0x121: {  	[tilespmem:s23], [sflag:$0x2] =	stream.indirect.gather [hbm4b:s1+s21], $0x80, s4, s21, $0xb8;
	[tilespmem:$0x1E800] =	vst v63  }
0x122: {  	p1 =	sne.s32 s0, $0x4800;
	_ =	swait.ge [sflag:s24], $0x4000  }
0x123: {  	[sflag:s24] =	ssyncset.done $0x0  }
0x124: {  	s0 =	sadd.s32 $0x1400, s31;
	[sflag:s24] =	ssyncadd.s32 $0xFFFFC000  }
0x125: {  	[spmem:s2] =	stream.indirect.scatter.add.f32 [tilespmem:s22], [sflag:$0x3], $0x80, s0, s21, $0xb8;
	[tilespmem:$0x1E800] =	vst v63  }
0x126: {  	_ =	swait.ge [sflag:s19], $0x4000  }
0x127: {  	[sflag:s19] =	ssyncset.done $0x0  }
0x128: {  	s0 =	sadd.s32 $0x100, s31;
	[sflag:s19] =	ssyncadd.s32 $0xFFFFC000  }
0x129: {  	[tilespmem:s22], [sflag:$0x1] =	stream.indirect.gather [hbm4b:s1+s21], $0x80, s0, s21, $0xb8;
	[tilespmem:$0x1E800] =	vst v63  }
0x12a: {  	_ =	swait.ge [sflag:s25], $0x4000  }
.Ltmp7:
0x12b: {  	[sflag:s25] =	ssyncset.done $0x0;
	(pc) =	sbr.rel @p1 .LBB2_5-.Ltmp7, $4  }
0x12c: {  	s0 =	sadd.s32 $0x1480, s31;
	[sflag:s25] =	ssyncadd.s32 $0xFFFFC000  }
0x12d: {  	[spmem:s2] =	stream.indirect.scatter.add.f32 [tilespmem:s23], [sflag:$0x3], $0x80, s0, s21, $0xb8;
	[tilespmem:$0x1E800] =	vst v63  }
0x12e: {  	_ =	swait.ge [sflag:s19], $0x4000  }
0x12f: {  	s31 =	sshra.s32 s6, $0x2;
	s0 =	smov.u32 s7;
	[sflag:s19] =	ssyncset.done $0x0  }
0x130: {  	s0 =	sadd.s32 $0x80, s31;
	[sflag:s19] =	ssyncadd.s32 $0xFFFFC000  }
0x131: {  	[tilespmem:s23], [sflag:$0x2] =	stream.indirect.gather [hbm4b:s1+s21], $0x80, s0, s21, $0xb8;
	[tilespmem:$0x1E800] =	vst v63  }
0x132: {  	_ =	swait.ge [sflag:s24], $0x4000  }
0x133: {  	[sflag:s24] =	ssyncset.done $0x0  }
0x134: {  	s6 =	sadd.s32 $0x1400, s31;
	[sflag:s24] =	ssyncadd.s32 $0xFFFFC000  }
0x135: {  	[spmem:s2] =	stream.indirect.scatter.add.f32 [tilespmem:s22], [sflag:$0x3], $0x80, s6, s21, $0xb8;
	[tilespmem:$0x1E800] =	vst v63  }
0x136: {  	_ =	swait.ge [sflag:s19], $0x4000  }
0x137: {  	[sflag:s19] =	ssyncset.done $0x0  }
0x138: {  	s7 =	sadd.s32 $0x100, s31;
	[sflag:s19] =	ssyncadd.s32 $0xFFFFC000  }
0x139: {  	[tilespmem:s22], [sflag:$0x1] =	stream.indirect.gather [hbm4b:s1+s21], $0x80, s7, s21, $0xb8;
	[tilespmem:$0x1E800] =	vst v63  }
0x13a: {  	_ =	swait.ge [sflag:s25], $0x4000  }
0x13b: {  	[sflag:s25] =	ssyncset.done $0x0  }
0x13c: {  	s31 =	sadd.s32 $0x1480, s31;
	[sflag:s25] =	ssyncadd.s32 $0xFFFFC000  }
0x13d: {  	[spmem:s2] =	stream.indirect.scatter.add.f32 [tilespmem:s23], [sflag:$0x3], $0x80, s31, s21, $0xb8;
	[tilespmem:$0x1E800] =	vst v63  }
0x13e: {  	_ =	swait.ge [sflag:s19], $0x4000  }
0x13f: {  	[sflag:s19] =	ssyncset.done $0x0  }
0x140: {  	[sflag:s19] =	ssyncadd.s32 $0xFFFFC000  }
0x141: {  	[tilespmem:s23], [sflag:$0x2] =	stream.indirect.gather [hbm4b:s1+s21], $0x80, s26, s21, $0xb8;
	[tilespmem:$0x1E800] =	vst v63  }
0x142: {  	_ =	swait.ge [sflag:s24], $0x4000  }
0x143: {  	[sflag:s24] =	ssyncset.done $0x0  }
0x144: {  	[sflag:s24] =	ssyncadd.s32 $0xFFFFC000  }
0x145: {  	[spmem:s2] =	stream.indirect.scatter.add.f32 [tilespmem:s22], [sflag:$0x3], $0x80, s28, s21, $0xb8;
	[tilespmem:$0x1E800] =	vst v63  }
0x146: {  	_ =	swait.ge [sflag:s19], $0x4000  }
0x147: {  	[sflag:s19] =	ssyncset.done $0x0  }
0x148: {  	[sflag:s19] =	ssyncadd.s32 $0xFFFFC000  }
0x149: {  	_ =	swait.ge [sflag:s25], $0x4000  }
0x14a: {  	[sflag:s25] =	ssyncset.done $0x0  }
.Ltmp8:
0x14b: {  	[sflag:s25] =	ssyncadd.s32 $0xFFFFC000;
	(pc) =	sbr.rel .LBB2_12-.Ltmp8, $4  }
0x14c: {  	[spmem:s2] =	stream.indirect.scatter.add.f32 [tilespmem:s23], [sflag:$0x3], $0x80, s29, s21, $0xb8;
	[tilespmem:$0x1E800] =	vst v63  }
0x14d: {  	_ =	swait.ge [sflag:s19], $0x4000  }
0x14e: {  	[sflag:s19] =	ssyncset.done $0x0  }
0x14f: {  	s0 =	rddreg [dreg:$0x4];
	[sflag:s19] =	ssyncadd.s32 $0xFFFFC000  }
.LBB2_13:
0x150: {  	_ =	sfence.sel $0x180000  }
0x151: {  	[bflag:$0x0] =	sbarrier.arrive $0xFFFF  }
0x152: {  	_ =	strace $0x9000004A  }
0x153: {  	s0 =	stileid.u32;
	[bflag:$0x2] =	sbarrier.arrive $0xFFFF  }
0x154: {  	p0 =	sne.s32 s0, $0x0;
	s0 =	rddreg [dreg:$0x3]  }
0x155: {  	s0 =	sadd.s32 @!p0 $0x100000, s0  }
0x156: {  	[sflag:s0] =	ssyncadd.tile.s32 @!p0 $0x1;
	_ =	shalt  }
.Lfunc_end2:
_tile_overlayer_lowered:
.L_overlay_start_2:
0x157: {  	(tag) =	ssettag $0x2  }
0x158: {  	s0 =	rddreg [dreg:$0x0];
	s2 =	stileid.u32  }
0x159: {  	s1 =	rddreg [dreg:$0x1];
	p0 =	sne.s32 s2, $0x0  }
0x15a: {  	s3 =	rddreg [dreg:$0x2];
	[bflag:$0x3] =	sbarrier.arrive $0xFFFF;
	s2 =	simm.s32 @!p0 $0x1C03  }
0x15b: {  	[timem:s3], [sflag:s2] =	dma.local @!p0 [hbm:s0], s1  }
0x15c: {  	s0 =	simm.s32 @!p0 $0x3  }
0x15d: {  	_ =	swait.ge @!p0 [sflag:s0], s1  }
0x15e: {  	s1 =	ssub.s32 @!p0 $0x0, s1;
	[sflag:s0] =	ssyncset.done @!p0 $0x0  }
0x15f: {  	[sflag:s0] =	ssyncadd.s32 @!p0 s1  }
0x160: {  	[bflag:$0x3] =	sbarrier.arrive $0xFFFF  }
0x161: {  	_ =	shalt  }

// kernel: kernel.14.cloned.1.call-start
scs
__scs_entry_jumppad:
0x0: {  	(pc) =	sbr.rel $0x88, $3  }
0x1: {  	(tag) =	ssettag $0x0;
	lr =	simm.s32 $0x1  }
0x2: {  	[smem:$0x3F9B] =	sst lr;
	_ =	strace $0xD0000000  }
0x3: {  	_ = 	snop  }
0x4: {  	_ = 	snop  }
0x5: {  	_ = 	snop  }
0x6: {  	_ = 	snop  }
0x7: {  	_ = 	snop  }
__scs_overlays_trampoline_lowered:
0x8: {  	[smem:$0x3FAA] =	sst s0  }
0x9: {  	[smem:$0x3FAB] =	sst s1  }
0xa: {  	[smem:$0x3FAC] =	sst s2  }
0xb: {  	[smem:$0x3FAD] =	sst s3  }
0xc: {  	[smem:$0x3FAE] =	sst s4  }
0xd: {  	[smem:$0x3FAF] =	sst s5  }
0xe: {  	[smem:$0x3FB0] =	sst s6  }
0xf: {  	[smem:$0x3FB1] =	sst s7  }
0x10: {  	[smem:$0x3FB2] =	sst s8  }
0x11: {  	[smem:$0x3FB3] =	sst s9;
	s0 =	simm.s32 @!p0 $0x0  }
0x12: {  	s1 =	sld [smem:$0x3F99];
	s0 =	simm.s32 @p0 $0x1  }
0x13: {  	[smem:$0x3FB4] =	sst s0;
	s0 =	simm.s32 @!p1 $0x0  }
0x14: {  	s2 =	sld [smem:$0x3F98];
	s0 =	simm.s32 @p1 $0x1  }
0x15: {  	[smem:$0x3FB5] =	sst s0;
	s0 =	simm.s32 @!p2 $0x0  }
0x16: {  	s3 =	sld [smem:$0x3FDB];
	s0 =	simm.s32 @p2 $0x1  }
0x17: {  	s4 =	simm.s32 $0x1BF5;
	[smem:$0x3FB7] =	sst s0  }
0x18: {  	s0 =	sld [smem:$0x3F9A];
	_ =	swait.ge [sflag:s4], $0x0  }
0x19: {  	s7 =	sld [smem:$0x3F9B]  }
0x1a: {  	s8 =	sadd.s32 $0xFFFFE003, lr  }
0x1b: {  	s9 =	sadd.s32 $0xFFFFFEF7, lr;
	s5 =	simm.s32 $0xFFFFFFFF;
	p2 =	slt.u32 s8, $0xFFFFF086  }
0x1c: {  	p1 =	slt.u32 s9, $0xF7A;
	s5 =	simm.s32 @!p2 $0x0  }
0x1d: {  	s5 =	simm.s32 @p1 $0x1;
	p0 =	seq.s32 s7, s2  }
0x1e: {  	s7 =	smul.u32 @!p0 $0xF7A, s2;
	p2 =	seq.s32 @!p0 s5, $0x0  }
0x1f: {  	s9 =	smul.u32 $0xF7A, s1;
	s8 =	simm.s32 @!p0 $0x1BF5;
	p2 =	por !p2, p0  }
0x20: {  	[sflag:s8] =	ssyncset.s32 @!p0 $0xFFFFF086;
	s6 =	sadd.s32 @!p0 s3, s7;
	s7 =	simm.s32 @!p0 $0x108  }
0x21: {  	s3 =	sadd.s32 s3, s9;
	s6 =	sadd.s32 @!p0 $0x88, s6;
	s7 =	simm.s32 @p2 $0x1082  }
0x22: {  	[simem:s7], [sflag:s8] =	dma.local @!p0 [hbm:s6], $0xF7A  }
0x23: {  	s9 =	sor.u32 $0xD0000000, s2;
	s6 =	simm.s32 $0x108;
	_ =	swait.ge @!p0 [sflag:s8], $0x0  }
0x24: {  	s3 =	sadd.s32 $0x88, s3;
	s6 =	simm.s32 @!p1 $0x1082;
	[sflag:s4] =	ssyncset.s32 $0xFFFFF086  }
0x25: {  	[simem:s6], [sflag:s4] =	dma.local [hbm:s3], $0xF7A  }
0x26: {  	[smem:$0x3F9B] =	sst s1;
	(tag) =	ssettag s2;
	_ =	strace s9  }
0x27: {  	s1 =	sld [smem:$0x3FAB]  }
0x28: {  	s2 =	sld [smem:$0x3FAC]  }
0x29: {  	s4 =	sld [smem:$0x3FAE]  }
0x2a: {  	p0 =	seq.s32 s5, $0x0;
	s5 =	sld [smem:$0x3FAF]  }
0x2b: {  	s6 =	sld [smem:$0x3FB0]  }
0x2c: {  	s7 =	sld [smem:$0x3FB1]  }
0x2d: {  	s3 =	simm.s32 $0x108;
	s8 =	sld [smem:$0x3FB2]  }
0x2e: {  	s3 =	simm.s32 @!p0 $0x1082;
	s9 =	sld [smem:$0x3FB3]  }
0x2f: {  	lr =	sadd.s32 s0, s3;
	s0 =	sld [smem:$0x3FAA]  }
0x30: {  	s3 =	sld [smem:$0x3FAD]  }
0x31: {  	[smem:$0x3FB6] =	sst s10  }
0x32: {  	s10 =	sld [smem:$0x3FB4];
	_ =	sdelay $0x3  }
0x33: {  	p0 =	seq.s32 s10, $0x1;
	s10 =	sld [smem:$0x3FB6];
	_ =	sdelay $0x3  }
0x34: {  	[smem:$0x3FB6] =	sst s10  }
0x35: {  	s10 =	sld [smem:$0x3FB5];
	_ =	sdelay $0x3  }
0x36: {  	p1 =	seq.s32 s10, $0x1;
	s10 =	sld [smem:$0x3FB6];
	_ =	sdelay $0x3  }
0x37: {  	[smem:$0x3FB6] =	sst s10  }
0x38: {  	s10 =	sld [smem:$0x3FB7]  }
0x39: {  	_ = 	snop;
	(pc) =	sbr.ind lr, $3  }
0x3a: {  	_ = 	snop  }
0x3b: {  	_ = 	snop  }
0x3c: {  	p2 =	seq.s32 s10, $0x1;
	s10 =	sld [smem:$0x3FB6]  }
0x3d: {  	_ =	shalt  }
0x3e: {  	_ =	shalt  }
0x3f: {  	_ =	shalt  }
0x40: {  	_ =	shalt  }
0x41: {  	_ =	shalt  }
0x42: {  	_ =	shalt  }
0x43: {  	_ =	shalt  }
0x44: {  	_ =	shalt  }
0x45: {  	_ =	shalt  }
0x46: {  	_ =	shalt  }
0x47: {  	_ =	shalt  }
0x48: {  	_ =	shalt  }
0x49: {  	_ =	shalt  }
0x4a: {  	_ =	shalt  }
0x4b: {  	_ =	shalt  }
0x4c: {  	_ =	shalt  }
0x4d: {  	_ =	shalt  }
0x4e: {  	_ =	shalt  }
0x4f: {  	_ =	shalt  }
0x50: {  	_ =	shalt  }
0x51: {  	_ =	shalt  }
0x52: {  	_ =	shalt  }
0x53: {  	_ =	shalt  }
0x54: {  	_ =	shalt  }
0x55: {  	_ =	shalt  }
0x56: {  	_ =	shalt  }
0x57: {  	_ =	shalt  }
0x58: {  	_ =	shalt  }
0x59: {  	_ =	shalt  }
0x5a: {  	_ =	shalt  }
0x5b: {  	_ =	shalt  }
0x5c: {  	_ =	shalt  }
0x5d: {  	_ =	shalt  }
0x5e: {  	_ =	shalt  }
0x5f: {  	_ =	shalt  }
0x60: {  	_ =	shalt  }
0x61: {  	_ =	shalt  }
0x62: {  	_ =	shalt  }
0x63: {  	_ =	shalt  }
0x64: {  	_ =	shalt  }
0x65: {  	_ =	shalt  }
0x66: {  	_ =	shalt  }
0x67: {  	_ =	shalt  }
0x68: {  	_ =	shalt  }
0x69: {  	_ =	shalt  }
0x6a: {  	_ =	shalt  }
0x6b: {  	_ =	shalt  }
0x6c: {  	_ =	shalt  }
0x6d: {  	_ =	shalt  }
0x6e: {  	_ =	shalt  }
0x6f: {  	_ =	shalt  }
0x70: {  	_ =	shalt  }
0x71: {  	_ =	shalt  }
0x72: {  	_ =	shalt  }
0x73: {  	_ =	shalt  }
0x74: {  	_ =	shalt  }
0x75: {  	_ =	shalt  }
0x76: {  	_ =	shalt  }
0x77: {  	_ =	shalt  }
0x78: {  	_ =	shalt  }
0x79: {  	_ =	shalt  }
0x7a: {  	_ =	shalt  }
0x7b: {  	_ =	shalt  }
0x7c: {  	_ =	shalt  }
0x7d: {  	_ =	shalt  }
0x7e: {  	_ =	shalt  }
0x7f: {  	_ =	shalt  }
0x80: {  	_ =	shalt  }
0x81: {  	_ =	shalt  }
0x82: {  	_ =	shalt  }
0x83: {  	_ =	shalt  }
0x84: {  	_ =	shalt  }
0x85: {  	_ =	shalt  }
0x86: {  	_ =	shalt  }
0x87: {  	_ =	shalt  }
.Lfunc_end0:
.L_simem_size_0:
called_computation.2_lowered:
.L_overlay_start_0:
0x88: {  	s2 =	sld [smem:$0x3FD9]  }
0x89: {  	s3 =	sld [smem:$0x3FFE];
	_ =	sdelay $0x1  }
0x8a: {  	s1 =	srdreg.scid  }
0x8b: {  	s0 =	sand.u32 $0x1, s1  }
0x8c: {  	s17 =	sshll.u32 s0, $0xA;
	s2 =	sadd.s32 s3, s2  }
0x8d: {  	s2 =	sadd.s32 s2, s17  }
0x8e: {  	[smem:$0x3FC2] =	sst s2  }
0x8f: {  	_ = 	snop  }
0x90: {  	s2 =	sld [smem:$0x3FD0];
	(tm) =	ssettm $0x1  }
0x91: {  	s18 =	sld [smem:$0x3FFB];
	_ =	sdelay $0x3  }
0x92: {  	_ =	strace s18  }
0x93: {  	s3 =	sld [smem:$0x3FFC];
	_ =	sdelay $0x3  }
0x94: {  	_ =	strace s3  }
0x95: {  	s3 =	sld [smem:$0x3FFD];
	_ =	sdelay $0x3  }
0x96: {  	_ =	strace s3  }
0x97: {  	_ =	strace $0x8FFFFFFF  }
0x98: {  	s19 =	sld [smem:$0x3FDB];
	_ =	sdelay $0x1  }
0x99: {  	s4 =	simm.s32 $_scs_section_size  }
0x9a: {  	s5 =	simm.s32 $_size__tile_overlayer_lowered;
	s6 =	simm.s32 $_tile_overlayer_lowered  }
0x9b: {  	s22 =	simm.s32 $0x1BFF;
	s21 =	sshll.u32 s6, $0x1;
	s3 =	sadd.s32 s4, s19  }
0x9c: {  	s7 =	simm.s32 $0x0;
	s20 =	sshll.u32 s5, $0x1;
	s5 =	sadd.s32 s21, s3  }
0x9d: {  	[timem:s7], [sflag:s22] =	dma.local [hbm:s5], s20  }
0x9e: {  	_ =	swait.ge [sflag:s22], s20  }
0x9f: {  	s4 =	ssub.s32 $0x0, s20;
	[sflag:s22] =	ssyncset.done $0x0  }
0xa0: {  	[sflag:s22] =	ssyncadd.s32 s4;
	_ =	sdelay $0x1  }
0xa1: {  	s23 =	simm.s32 $0x1B8B  }
0xa2: {  	_ =	swait.ge [sflag:s23], $0x1  }
0xa3: {  	[sflag:s23] =	ssyncset.done $0x0  }
0xa4: {  	s25 =	simm.s32 $0x1B8E;
	s24 =	sld [smem:$0x3FFE];
	[sflag:s23] =	ssyncadd.s32 $0xFFFFFFFF  }
0xa5: {  	s26 =	simm.s32 $execute0_lowered;
	[smem:$0x3FD2] =	sst s25  }
0xa6: {  	s5 =	sshll.u32 s26, $0x1;
	_ =	strace $0x8000004C;
	[dreg:$0x1] =	wrdreg $0xFFFFFFFF  }
0xa7: {  	s28 =	simm.s32 $_size_execute0_lowered;
	s3 =	sadd.s32 s3, s5;
	[dreg:$0x0] =	wrdreg $0x0  }
0xa8: {  	s5 =	sshll.u32 s28, $0x1;
	[dreg:$0x2] =	wrdreg s3  }
0xa9: {  	[dreg:$0x3] =	wrdreg s5  }
0xaa: {  	[dreg:$0x4] =	wrdreg $0xC0  }
0xab: {  	_ =	task [dreg:s7], $0x5FFFF  }
0xac: {  	[dreg:$0x1] =	wrdreg $0xFFFFFFFF  }
0xad: {  	[dreg:$0x0] =	wrdreg $0x60  }
0xae: {  	[dreg:$0x2] =	wrdreg s2  }
0xaf: {  	[dreg:$0x3] =	wrdreg s24  }
0xb0: {  	[dreg:$0x4] =	wrdreg $0xA8000  }
0xb1: {  	[dreg:$0x5] =	wrdreg $0x9  }
0xb2: {  	_ =	task.clear_ibuf [dreg:s7], $0x6FFFF;
	_ =	strace $0x9000004C  }
0xb3: {  	s29 =	simm.s32 $0x9;
	_ =	strace $0x8000004E  }
0xb4: {  	_ =	swait.ge [sflag:s29], $0x1  }
0xb5: {  	[sflag:s29] =	ssyncadd.s32 $0xFFFFFFFF  }
0xb6: {  	_ =	strace $0x9000004E  }
0xb7: {  	_ =	sfence  }
0xb8: {  	s30 =	sld [smem:$0x0];
	_ =	sdelay $0x2  }
0xb9: {  	s31 =	sshll.u32 s1, $0xD;
	s1 =	sshrl.u32 s1, $0x2  }
0xba: {  	s3 =	sand.u32 $0x4000, s31;
	s1 =	sadd.s32 s1, s30  }
0xbb: {  	s0 =	sor.u32 s3, s0;
	s1 =	sshll.u32 s1, $0x11  }
0xbc: {  	s0 =	sor.u32 s1, s0  }
0xbd: {  	s0 =	sadd.s32 $0x8F2B, s0  }
0xbe: {  	[sflag:s0] =	ssyncadd.remote.s32 $0x1  }
0xbf: {  	_ =	sfence.sel $0xFFFF  }
0xc0: {  	[dreg:$0x0] =	wrdreg $0xFFFFFFFF;
	(pc) =	sbr.abs _section_cstart, $3  }
0xc1: {  	[dreg:$0x1] =	wrdreg $0xFFFFFFFF  }
0xc2: {  	_ =	task.clear_ibuf [dreg:s7], $0x2FFFF;
	_ =	strace $0x9FFFFFFF  }
0xc3: {  	(tm) =	ssettm $0x7FFFFFFF  }
tec
execute0_lowered:
.L_overlay_start_1:
0x0: {  	(tag) =	ssettag $0x1  }
0x1: {  	s1 =	rddreg [dreg:$0x0]  }
0x2: {  	s0 =	rddreg [dreg:$0x1]  }
0x3: {  	s2 =	rddreg [dreg:$0x2];
	s3 =	simm.s32 $0x0;
	s6 =	srdreg.scid  }
0x4: {  	s4 =	stileid.u32;
	s19 =	simm.s32 $0x3;
	s20 =	simm.s32 $0x1400  }
0x5: {  	s21 =	simm.s32 $0x80;
	s22 =	simm.s32 $0x2800;
	s23 =	simm.s32 $0x6800  }
0x6: {  	s24 =	simm.s32 $0x1;
	s25 =	simm.s32 $0x2;
	s28 =	simm.s32 $0x2700  }
0x7: {  	s29 =	simm.s32 $0x2780;
	[smem:$0x7FF] =	sst s3;
	s5 =	sadd.s32 $0xE600, s0  }
0x8: {  	s14 =	sadd.s32 $0x9600, s0;
	s9 =	sand.u32 $0x1, s6;
	s15 =	sadd.s32 $0x4000, s0  }
0x9: {  	s10 =	smul.u32 $0x50000, s4;
	s26 =	sadd.s32 $0x36600, s0;
	s0 =	sadd.s32 $0xAE600, s0  }
0xa: {  	s16 =	smul.u32 $0x500, s4;
	_ =	strace $0x8000004D;
	[dreg:$0x4] =	wrdreg s26  }
0xb: {  	s8 =	ssub.s32 $0x2, s9;
	[dreg:$0x5] =	wrdreg s0;
	p0 =	seq.s32 s9, $0x1  }
0xc: {  	s26 =	simm.s32 $0x1380;
	s30 =	sshrl.u32 s8, $0x1;
	s10 =	sshrl.u32 s10, $0x2  }
.Ltmp0:
0xd: {  	s12 =	sadd.s32 s14, s16;
	s13 =	sadd.s32 s15, s16;
	(pc) =	sbr.rel .LBB2_1-.Ltmp0, $4  }
0xe: {  	s31 =	sadd.s32 $0x280, s16;
	s16 =	sshll.u32 s4, $0x6;
	s0 =	ssub.s32 s8, s30  }
0xf: {  	s8 =	smul.u32 $0x2800, s4;
	s18 =	sadd.s32 s10, s2;
	s14 =	sadd.s32 s14, s31  }
0x10: {  	s15 =	sadd.s32 s15, s31;
	s17 =	sor.u32 $0x1C03, s16;
	s11 =	smax.u32 s0, $0x1  }
0x11: {  	s18 =	sshrl.u32 s18, $0x3;
	s9 =	sadd.s32 s1, s8;
	s10 =	sadd.s32 s5, s8  }
.LBB2_11:
0x12: {  	s0 =	sadd.s32 $0x80, s30;
	[sflag:s19] =	ssyncadd.s32 $0xFFFFC000  }
0x13: {  	[tilespmem:s23], [sflag:$0x2] =	stream.indirect.gather [hbm4b:s5+s21], $0x80, s0, s21, $0xb8;
	[tilespmem:$0x1E800] =	vst v63  }
0x14: {  	_ =	swait.ge [sflag:s24], $0x4000  }
0x15: {  	[sflag:s24] =	ssyncset.done $0x0  }
0x16: {  	s6 =	sadd.s32 $0x1400, s30;
	[sflag:s24] =	ssyncadd.s32 $0xFFFFC000  }
0x17: {  	[spmem:s2] =	stream.indirect.scatter.add.f32 [tilespmem:s22], [sflag:$0x3], $0x80, s6, s21, $0xb8;
	[tilespmem:$0x1E800] =	vst v63  }
0x18: {  	_ =	swait.ge [sflag:s19], $0x4000  }
0x19: {  	[sflag:s19] =	ssyncset.done $0x0  }
0x1a: {  	s7 =	sadd.s32 $0x100, s30;
	[sflag:s19] =	ssyncadd.s32 $0xFFFFC000  }
0x1b: {  	[tilespmem:s22], [sflag:$0x1] =	stream.indirect.gather [hbm4b:s5+s21], $0x80, s7, s21, $0xb8;
	[tilespmem:$0x1E800] =	vst v63  }
0x1c: {  	_ =	swait.ge [sflag:s25], $0x4000  }
0x1d: {  	[sflag:s25] =	ssyncset.done $0x0  }
0x1e: {  	s31 =	sadd.s32 $0x1480, s30;
	[sflag:s25] =	ssyncadd.s32 $0xFFFFC000  }
0x1f: {  	[spmem:s2] =	stream.indirect.scatter.add.f32 [tilespmem:s23], [sflag:$0x3], $0x80, s31, s21, $0xb8;
	[tilespmem:$0x1E800] =	vst v63  }
0x20: {  	_ =	swait.ge [sflag:s19], $0x4000  }
0x21: {  	[sflag:s19] =	ssyncset.done $0x0  }
0x22: {  	[sflag:s19] =	ssyncadd.s32 $0xFFFFC000  }
0x23: {  	[tilespmem:s23], [sflag:$0x2] =	stream.indirect.gather [hbm4b:s5+s21], $0x80, s26, s21, $0xb8;
	[tilespmem:$0x1E800] =	vst v63  }
0x24: {  	_ =	swait.ge [sflag:s24], $0x4000  }
0x25: {  	[sflag:s24] =	ssyncset.done $0x0  }
0x26: {  	[sflag:s24] =	ssyncadd.s32 $0xFFFFC000  }
0x27: {  	[spmem:s2] =	stream.indirect.scatter.add.f32 [tilespmem:s22], [sflag:$0x3], $0x80, s28, s21, $0xb8;
	[tilespmem:$0x1E800] =	vst v63  }
0x28: {  	_ =	swait.ge [sflag:s19], $0x4000  }
0x29: {  	[sflag:s19] =	ssyncset.done $0x0  }
0x2a: {  	[sflag:s19] =	ssyncadd.s32 $0xFFFFC000  }
0x2b: {  	_ =	swait.ge [sflag:s25], $0x4000  }
0x2c: {  	[sflag:s25] =	ssyncset.done $0x0  }
0x2d: {  	[sflag:s25] =	ssyncadd.s32 $0xFFFFC000  }
0x2e: {  	[spmem:s2] =	stream.indirect.scatter.add.f32 [tilespmem:s23], [sflag:$0x3], $0x80, s29, s21, $0xb8;
	[tilespmem:$0x1E800] =	vst v63  }
0x2f: {  	_ =	swait.ge [sflag:s19], $0x4000  }
0x30: {  	[sflag:s19] =	ssyncset.done $0x0  }
0x31: {  	s30 =	smov.u32 s17;
	s0 =	rddreg [dreg:$0x5];
	[sflag:s19] =	ssyncadd.s32 $0xFFFFC000  }
.LBB2_12:
0x32: {  	s3 =	sadd.s32 $0x1, s3  }
0x33: {  	p1 =	sne.s32 s3, s11  }
.Ltmp1:
0x34: {  	s0 =	sadd.s32 s0, s8;
	[bflag:$0x0] =	sbarrier.arrive $0xFFFF;
	(pc) =	sbr.rel @!p1 .LBB2_13-.Ltmp1, $4  }
0x35: {  	[hbm:s0], [sflag:s30] =	dma.local [spmem:s18], $0x2800  }
0x36: {  	_ =	swait.ge [sflag:s19], $0x2800  }
0x37: {  	[sflag:s19] =	ssyncset.done $0x0  }
0x38: {  	[sflag:s19] =	ssyncadd.s32 $0xFFFFD800  }
.LBB2_1:
.Ltmp2:
0x39: {  	(pc) =	sbr.rel @!p0 .LBB2_2-.Ltmp2, $1  }
0x3a: {  	_ =	sdelay $0x3  }
0x3b: {  	[spmem:s18], [sflag:s17] =	dma.local [hbm:s10], $0x2800  }
0x3c: {  	_ =	swait.ge [sflag:s19], $0x2800  }
0x3d: {  	[sflag:s19] =	ssyncset.done $0x0  }
0x3e: {  	[sflag:s19] =	ssyncadd.s32 $0xFFFFD800  }
0x3f: {  	s0 =	simm.s32 $0x0;
	[bflag:$0x0] =	sbarrier.arrive $0xFFFF  }
0x40: {  	[tilespmem:s0], [sflag:$0x3] =	stream.linear.gather [hbm4b:s12+s0], $0x1400, $0x38;
	[tilespmem:$0x1E800] =	vst v63  }
0x41: {  	_ =	swait.ge [sflag:s19], $0x1400  }
0x42: {  	[sflag:s19] =	ssyncset.done $0x0  }
0x43: {  	[sflag:s19] =	ssyncadd.s32 $0xFFFFEC00  }
0x44: {  	[tilespmem:s20], [sflag:$0x3] =	stream.linear.gather [hbm4b:s13+s0], $0x1400, $0x38;
	[tilespmem:$0x1E800] =	vst v63  }
0x45: {  	_ =	swait.ge [sflag:s19], $0x1400  }
0x46: {  	[sflag:s19] =	ssyncset.done $0x0  }
0x47: {  	[sflag:s19] =	ssyncadd.s32 $0xFFFFEC00  }
0x48: {  	[tilespmem:s22], [sflag:$0x1] =	stream.indirect.gather [hbm4b:s5+s21], $0x80, s0, s21, $0xb8;
	[tilespmem:$0x1E800] =	vst v63  }
0x49: {  	s4 =	simm.s32 $0x80  }
0x4a: {  	[tilespmem:s23], [sflag:$0x2] =	stream.indirect.gather [hbm4b:s5+s21], $0x80, s4, s21, $0xb8;
	[tilespmem:$0x1E800] =	vst v63  }
0x4b: {  	_ =	swait.ge [sflag:s24], $0x4000  }
0x4c: {  	[sflag:s24] =	ssyncset.done $0x0  }
0x4d: {  	s6 =	simm.s32 $0x1400;
	[sflag:s24] =	ssyncadd.s32 $0xFFFFC000  }
0x4e: {  	[spmem:s2] =	stream.indirect.scatter.add.f32 [tilespmem:s22], [sflag:$0x3], $0x80, s6, s21, $0xb8;
	[tilespmem:$0x1E800] =	vst v63  }
0x4f: {  	_ =	swait.ge [sflag:s19], $0x4000  }
0x50: {  	[sflag:s19] =	ssyncset.done $0x0  }
0x51: {  	s7 =	simm.s32 $0x100;
	[sflag:s19] =	ssyncadd.s32 $0xFFFFC000  }
0x52: {  	[tilespmem:s22], [sflag:$0x1] =	stream.indirect.gather [hbm4b:s5+s21], $0x80, s7, s21, $0xb8;
	[tilespmem:$0x1E800] =	vst v63  }
0x53: {  	_ =	swait.ge [sflag:s25], $0x4000  }
0x54: {  	[sflag:s25] =	ssyncset.done $0x0  }
0x55: {  	s31 =	simm.s32 $0x1480;
	[sflag:s25] =	ssyncadd.s32 $0xFFFFC000  }
0x56: {  	[spmem:s2] =	stream.indirect.scatter.add.f32 [tilespmem:s23], [sflag:$0x3], $0x80, s31, s21, $0xb8;
	[tilespmem:$0x1E800] =	vst v63  }
0x57: {  	_ =	swait.ge [sflag:s19], $0x4000  }
0x58: {  	s30 =	simm.s32 $0x100;
	s0 =	simm.s32 $0x800;
	[sflag:s19] =	ssyncset.done $0x0  }
.LBB2_8:
0x59: {  	s4 =	sadd.s32 $0x80, s30  }
0x5a: {  	[sflag:s19] =	ssyncadd.s32 $0xFFFFC000;
	s6 =	smov.u32 s0;
	s7 =	sadd.s32 $0x400, s0  }
0x5b: {  	[tilespmem:s23], [sflag:$0x2] =	stream.indirect.gather [hbm4b:s5+s21], $0x80, s4, s21, $0xb8;
	[tilespmem:$0x1E800] =	vst v63  }
0x5c: {  	p1 =	sne.s32 s0, $0x4800;
	_ =	swait.ge [sflag:s24], $0x4000  }
0x5d: {  	[sflag:s24] =	ssyncset.done $0x0  }
0x5e: {  	s0 =	sadd.s32 $0x1400, s30;
	[sflag:s24] =	ssyncadd.s32 $0xFFFFC000  }
0x5f: {  	[spmem:s2] =	stream.indirect.scatter.add.f32 [tilespmem:s22], [sflag:$0x3], $0x80, s0, s21, $0xb8;
	[tilespmem:$0x1E800] =	vst v63  }
0x60: {  	_ =	swait.ge [sflag:s19], $0x4000  }
0x61: {  	[sflag:s19] =	ssyncset.done $0x0  }
0x62: {  	s0 =	sadd.s32 $0x100, s30;
	[sflag:s19] =	ssyncadd.s32 $0xFFFFC000  }
0x63: {  	[tilespmem:s22], [sflag:$0x1] =	stream.indirect.gather [hbm4b:s5+s21], $0x80, s0, s21, $0xb8;
	[tilespmem:$0x1E800] =	vst v63  }
0x64: {  	_ =	swait.ge [sflag:s25], $0x4000  }
.Ltmp3:
0x65: {  	[sflag:s25] =	ssyncset.done $0x0;
	(pc) =	sbr.rel @p1 .LBB2_8-.Ltmp3, $4  }
0x66: {  	s0 =	sadd.s32 $0x1480, s30;
	[sflag:s25] =	ssyncadd.s32 $0xFFFFC000  }
0x67: {  	[spmem:s2] =	stream.indirect.scatter.add.f32 [tilespmem:s23], [sflag:$0x3], $0x80, s0, s21, $0xb8;
	[tilespmem:$0x1E800] =	vst v63  }
0x68: {  	_ =	swait.ge [sflag:s19], $0x4000  }
0x69: {  	s30 =	sshra.s32 s6, $0x2;
	s0 =	smov.u32 s7;
	[sflag:s19] =	ssyncset.done $0x0  }
0x6a: {  	s0 =	sadd.s32 $0x80, s30;
	[sflag:s19] =	ssyncadd.s32 $0xFFFFC000  }
0x6b: {  	[tilespmem:s23], [sflag:$0x2] =	stream.indirect.gather [hbm4b:s5+s21], $0x80, s0, s21, $0xb8;
	[tilespmem:$0x1E800] =	vst v63  }
0x6c: {  	_ =	swait.ge [sflag:s24], $0x4000  }
0x6d: {  	[sflag:s24] =	ssyncset.done $0x0  }
0x6e: {  	s4 =	sadd.s32 $0x1400, s30;
	[sflag:s24] =	ssyncadd.s32 $0xFFFFC000  }
0x6f: {  	[spmem:s2] =	stream.indirect.scatter.add.f32 [tilespmem:s22], [sflag:$0x3], $0x80, s4, s21, $0xb8;
	[tilespmem:$0x1E800] =	vst v63  }
0x70: {  	_ =	swait.ge [sflag:s19], $0x4000  }
0x71: {  	[sflag:s19] =	ssyncset.done $0x0  }
0x72: {  	s6 =	sadd.s32 $0x100, s30;
	[sflag:s19] =	ssyncadd.s32 $0xFFFFC000  }
0x73: {  	[tilespmem:s22], [sflag:$0x1] =	stream.indirect.gather [hbm4b:s5+s21], $0x80, s6, s21, $0xb8;
	[tilespmem:$0x1E800] =	vst v63  }
0x74: {  	_ =	swait.ge [sflag:s25], $0x4000  }
0x75: {  	[sflag:s25] =	ssyncset.done $0x0  }
0x76: {  	s7 =	sadd.s32 $0x1480, s30;
	[sflag:s25] =	ssyncadd.s32 $0xFFFFC000  }
0x77: {  	[spmem:s2] =	stream.indirect.scatter.add.f32 [tilespmem:s23], [sflag:$0x3], $0x80, s7, s21, $0xb8;
	[tilespmem:$0x1E800] =	vst v63  }
0x78: {  	_ =	swait.ge [sflag:s19], $0x4000  }
0x79: {  	[sflag:s19] =	ssyncset.done $0x0  }
0x7a: {  	[sflag:s19] =	ssyncadd.s32 $0xFFFFC000  }
0x7b: {  	[tilespmem:s23], [sflag:$0x2] =	stream.indirect.gather [hbm4b:s5+s21], $0x80, s26, s21, $0xb8;
	[tilespmem:$0x1E800] =	vst v63  }
0x7c: {  	_ =	swait.ge [sflag:s24], $0x4000  }
0x7d: {  	[sflag:s24] =	ssyncset.done $0x0  }
0x7e: {  	[sflag:s24] =	ssyncadd.s32 $0xFFFFC000  }
0x7f: {  	[spmem:s2] =	stream.indirect.scatter.add.f32 [tilespmem:s22], [sflag:$0x3], $0x80, s28, s21, $0xb8;
	[tilespmem:$0x1E800] =	vst v63  }
0x80: {  	_ =	swait.ge [sflag:s19], $0x4000  }
0x81: {  	[sflag:s19] =	ssyncset.done $0x0  }
0x82: {  	[sflag:s19] =	ssyncadd.s32 $0xFFFFC000  }
0x83: {  	_ =	swait.ge [sflag:s25], $0x4000  }
0x84: {  	[sflag:s25] =	ssyncset.done $0x0  }
0x85: {  	[sflag:s25] =	ssyncadd.s32 $0xFFFFC000  }
0x86: {  	[spmem:s2] =	stream.indirect.scatter.add.f32 [tilespmem:s23], [sflag:$0x3], $0x80, s29, s21, $0xb8;
	[tilespmem:$0x1E800] =	vst v63  }
0x87: {  	_ =	swait.ge [sflag:s19], $0x4000  }
0x88: {  	[sflag:s19] =	ssyncset.done $0x0  }
0x89: {  	s31 =	simm.s32 $0x0;
	[sflag:s19] =	ssyncadd.s32 $0xFFFFC000  }
0x8a: {  	[tilespmem:s31], [sflag:$0x3] =	stream.linear.gather [hbm4b:s14+s31], $0x1400, $0x38;
	[tilespmem:$0x1E800] =	vst v63  }
0x8b: {  	_ =	swait.ge [sflag:s19], $0x1400  }
0x8c: {  	[sflag:s19] =	ssyncset.done $0x0  }
0x8d: {  	[sflag:s19] =	ssyncadd.s32 $0xFFFFEC00  }
0x8e: {  	[tilespmem:s20], [sflag:$0x3] =	stream.linear.gather [hbm4b:s15+s31], $0x1400, $0x38;
	[tilespmem:$0x1E800] =	vst v63  }
0x8f: {  	_ =	swait.ge [sflag:s19], $0x1400  }
0x90: {  	[sflag:s19] =	ssyncset.done $0x0  }
0x91: {  	[sflag:s19] =	ssyncadd.s32 $0xFFFFEC00  }
0x92: {  	[tilespmem:s22], [sflag:$0x1] =	stream.indirect.gather [hbm4b:s5+s21], $0x80, s31, s21, $0xb8;
	[tilespmem:$0x1E800] =	vst v63  }
0x93: {  	s4 =	simm.s32 $0x80  }
0x94: {  	[tilespmem:s23], [sflag:$0x2] =	stream.indirect.gather [hbm4b:s5+s21], $0x80, s4, s21, $0xb8;
	[tilespmem:$0x1E800] =	vst v63  }
0x95: {  	_ =	swait.ge [sflag:s24], $0x4000  }
0x96: {  	[sflag:s24] =	ssyncset.done $0x0  }
0x97: {  	s6 =	simm.s32 $0x1400;
	[sflag:s24] =	ssyncadd.s32 $0xFFFFC000  }
0x98: {  	[spmem:s2] =	stream.indirect.scatter.add.f32 [tilespmem:s22], [sflag:$0x3], $0x80, s6, s21, $0xb8;
	[tilespmem:$0x1E800] =	vst v63  }
0x99: {  	_ =	swait.ge [sflag:s19], $0x4000  }
0x9a: {  	[sflag:s19] =	ssyncset.done $0x0  }
0x9b: {  	s7 =	simm.s32 $0x100;
	[sflag:s19] =	ssyncadd.s32 $0xFFFFC000  }
0x9c: {  	[tilespmem:s22], [sflag:$0x1] =	stream.indirect.gather [hbm4b:s5+s21], $0x80, s7, s21, $0xb8;
	[tilespmem:$0x1E800] =	vst v63  }
0x9d: {  	_ =	swait.ge [sflag:s25], $0x4000  }
0x9e: {  	[sflag:s25] =	ssyncset.done $0x0  }
0x9f: {  	s31 =	simm.s32 $0x1480;
	[sflag:s25] =	ssyncadd.s32 $0xFFFFC000  }
0xa0: {  	[spmem:s2] =	stream.indirect.scatter.add.f32 [tilespmem:s23], [sflag:$0x3], $0x80, s31, s21, $0xb8;
	[tilespmem:$0x1E800] =	vst v63  }
0xa1: {  	_ =	swait.ge [sflag:s19], $0x4000  }
0xa2: {  	s30 =	simm.s32 $0x100;
	s0 =	simm.s32 $0x800;
	[sflag:s19] =	ssyncset.done $0x0  }
.LBB2_10:
0xa3: {  	s4 =	sadd.s32 $0x80, s30  }
0xa4: {  	[sflag:s19] =	ssyncadd.s32 $0xFFFFC000;
	s6 =	smov.u32 s0;
	s7 =	sadd.s32 $0x400, s0  }
0xa5: {  	[tilespmem:s23], [sflag:$0x2] =	stream.indirect.gather [hbm4b:s5+s21], $0x80, s4, s21, $0xb8;
	[tilespmem:$0x1E800] =	vst v63  }
0xa6: {  	p1 =	sne.s32 s0, $0x4800;
	_ =	swait.ge [sflag:s24], $0x4000  }
0xa7: {  	[sflag:s24] =	ssyncset.done $0x0  }
0xa8: {  	s0 =	sadd.s32 $0x1400, s30;
	[sflag:s24] =	ssyncadd.s32 $0xFFFFC000  }
0xa9: {  	[spmem:s2] =	stream.indirect.scatter.add.f32 [tilespmem:s22], [sflag:$0x3], $0x80, s0, s21, $0xb8;
	[tilespmem:$0x1E800] =	vst v63  }
0xaa: {  	_ =	swait.ge [sflag:s19], $0x4000  }
0xab: {  	[sflag:s19] =	ssyncset.done $0x0  }
0xac: {  	s0 =	sadd.s32 $0x100, s30;
	[sflag:s19] =	ssyncadd.s32 $0xFFFFC000  }
0xad: {  	[tilespmem:s22], [sflag:$0x1] =	stream.indirect.gather [hbm4b:s5+s21], $0x80, s0, s21, $0xb8;
	[tilespmem:$0x1E800] =	vst v63  }
0xae: {  	_ =	swait.ge [sflag:s25], $0x4000  }
.Ltmp4:
0xaf: {  	[sflag:s25] =	ssyncset.done $0x0;
	(pc) =	sbr.rel @p1 .LBB2_10-.Ltmp4, $4  }
0xb0: {  	s0 =	sadd.s32 $0x1480, s30;
	[sflag:s25] =	ssyncadd.s32 $0xFFFFC000  }
0xb1: {  	[spmem:s2] =	stream.indirect.scatter.add.f32 [tilespmem:s23], [sflag:$0x3], $0x80, s0, s21, $0xb8;
	[tilespmem:$0x1E800] =	vst v63  }
0xb2: {  	_ =	swait.ge [sflag:s19], $0x4000  }
0xb3: {  	s30 =	sshra.s32 s6, $0x2;
	s0 =	smov.u32 s7;
	[sflag:s19] =	ssyncset.done $0x0  }
.Ltmp5:
0xb4: {  	_ = 	snop;
	(pc) =	sbr.rel .LBB2_11-.Ltmp5, $1  }
0xb5: {  	_ =	sdelay $0x3  }
.LBB2_2:
0xb6: {  	s30 =	sor.u32 $0x1C03, s16  }
0xb7: {  	[spmem:s18], [sflag:s30] =	dma.local [hbm:s9], $0x2800  }
0xb8: {  	_ =	swait.ge [sflag:s19], $0x2800  }
0xb9: {  	[sflag:s19] =	ssyncset.done $0x0  }
0xba: {  	[sflag:s19] =	ssyncadd.s32 $0xFFFFD800  }
0xbb: {  	s0 =	simm.s32 $0x0;
	[bflag:$0x0] =	sbarrier.arrive $0xFFFF  }
0xbc: {  	[tilespmem:s0], [sflag:$0x3] =	stream.linear.gather [hbm4b:s12+s0], $0x1400, $0x38;
	[tilespmem:$0x1E800] =	vst v63  }
0xbd: {  	_ =	swait.ge [sflag:s19], $0x1400  }
0xbe: {  	[sflag:s19] =	ssyncset.done $0x0  }
0xbf: {  	[sflag:s19] =	ssyncadd.s32 $0xFFFFEC00  }
0xc0: {  	[tilespmem:s20], [sflag:$0x3] =	stream.linear.gather [hbm4b:s13+s0], $0x1400, $0x38;
	[tilespmem:$0x1E800] =	vst v63  }
0xc1: {  	_ =	swait.ge [sflag:s19], $0x1400  }
0xc2: {  	[sflag:s19] =	ssyncset.done $0x0  }
0xc3: {  	[sflag:s19] =	ssyncadd.s32 $0xFFFFEC00  }
0xc4: {  	[tilespmem:s22], [sflag:$0x1] =	stream.indirect.gather [hbm4b:s1+s21], $0x80, s0, s21, $0xb8;
	[tilespmem:$0x1E800] =	vst v63  }
0xc5: {  	s7 =	simm.s32 $0x80  }
0xc6: {  	[tilespmem:s23], [sflag:$0x2] =	stream.indirect.gather [hbm4b:s1+s21], $0x80, s7, s21, $0xb8;
	[tilespmem:$0x1E800] =	vst v63  }
0xc7: {  	_ =	swait.ge [sflag:s24], $0x4000  }
0xc8: {  	[sflag:s24] =	ssyncset.done $0x0  }
0xc9: {  	s4 =	simm.s32 $0x1400;
	[sflag:s24] =	ssyncadd.s32 $0xFFFFC000  }
0xca: {  	[spmem:s2] =	stream.indirect.scatter.add.f32 [tilespmem:s22], [sflag:$0x3], $0x80, s4, s21, $0xb8;
	[tilespmem:$0x1E800] =	vst v63  }
0xcb: {  	_ =	swait.ge [sflag:s19], $0x4000  }
0xcc: {  	[sflag:s19] =	ssyncset.done $0x0  }
0xcd: {  	s6 =	simm.s32 $0x100;
	[sflag:s19] =	ssyncadd.s32 $0xFFFFC000  }
0xce: {  	[tilespmem:s22], [sflag:$0x1] =	stream.indirect.gather [hbm4b:s1+s21], $0x80, s6, s21, $0xb8;
	[tilespmem:$0x1E800] =	vst v63  }
0xcf: {  	_ =	swait.ge [sflag:s25], $0x4000  }
0xd0: {  	[sflag:s25] =	ssyncset.done $0x0  }
0xd1: {  	s7 =	simm.s32 $0x1480;
	[sflag:s25] =	ssyncadd.s32 $0xFFFFC000  }
0xd2: {  	[spmem:s2] =	stream.indirect.scatter.add.f32 [tilespmem:s23], [sflag:$0x3], $0x80, s7, s21, $0xb8;
	[tilespmem:$0x1E800] =	vst v63  }
0xd3: {  	_ =	swait.ge [sflag:s19], $0x4000  }
0xd4: {  	s31 =	simm.s32 $0x100;
	s0 =	simm.s32 $0x800;
	[sflag:s19] =	ssyncset.done $0x0  }
.LBB2_3:
0xd5: {  	s4 =	sadd.s32 $0x80, s31  }
0xd6: {  	[sflag:s19] =	ssyncadd.s32 $0xFFFFC000;
	s6 =	smov.u32 s0;
	s7 =	sadd.s32 $0x400, s0  }
0xd7: {  	[tilespmem:s23], [sflag:$0x2] =	stream.indirect.gather [hbm4b:s1+s21], $0x80, s4, s21, $0xb8;
	[tilespmem:$0x1E800] =	vst v63  }
0xd8: {  	p1 =	sne.s32 s0, $0x4800;
	_ =	swait.ge [sflag:s24], $0x4000  }
0xd9: {  	[sflag:s24] =	ssyncset.done $0x0  }
0xda: {  	s0 =	sadd.s32 $0x1400, s31;
	[sflag:s24] =	ssyncadd.s32 $0xFFFFC000  }
0xdb: {  	[spmem:s2] =	stream.indirect.scatter.add.f32 [tilespmem:s22], [sflag:$0x3], $0x80, s0, s21, $0xb8;
	[tilespmem:$0x1E800] =	vst v63  }
0xdc: {  	_ =	swait.ge [sflag:s19], $0x4000  }
0xdd: {  	[sflag:s19] =	ssyncset.done $0x0  }
0xde: {  	s0 =	sadd.s32 $0x100, s31;
	[sflag:s19] =	ssyncadd.s32 $0xFFFFC000  }
0xdf: {  	[tilespmem:s22], [sflag:$0x1] =	stream.indirect.gather [hbm4b:s1+s21], $0x80, s0, s21, $0xb8;
	[tilespmem:$0x1E800] =	vst v63  }
0xe0: {  	_ =	swait.ge [sflag:s25], $0x4000  }
.Ltmp6:
0xe1: {  	[sflag:s25] =	ssyncset.done $0x0;
	(pc) =	sbr.rel @p1 .LBB2_3-.Ltmp6, $4  }
0xe2: {  	s0 =	sadd.s32 $0x1480, s31;
	[sflag:s25] =	ssyncadd.s32 $0xFFFFC000  }
0xe3: {  	[spmem:s2] =	stream.indirect.scatter.add.f32 [tilespmem:s23], [sflag:$0x3], $0x80, s0, s21, $0xb8;
	[tilespmem:$0x1E800] =	vst v63  }
0xe4: {  	_ =	swait.ge [sflag:s19], $0x4000  }
0xe5: {  	s31 =	sshra.s32 s6, $0x2;
	s0 =	smov.u32 s7;
	[sflag:s19] =	ssyncset.done $0x0  }
0xe6: {  	s0 =	sadd.s32 $0x80, s31;
	[sflag:s19] =	ssyncadd.s32 $0xFFFFC000  }
0xe7: {  	[tilespmem:s23], [sflag:$0x2] =	stream.indirect.gather [hbm4b:s1+s21], $0x80, s0, s21, $0xb8;
	[tilespmem:$0x1E800] =	vst v63  }
0xe8: {  	_ =	swait.ge [sflag:s24], $0x4000  }
0xe9: {  	[sflag:s24] =	ssyncset.done $0x0  }
0xea: {  	s6 =	sadd.s32 $0x1400, s31;
	[sflag:s24] =	ssyncadd.s32 $0xFFFFC000  }
0xeb: {  	[spmem:s2] =	stream.indirect.scatter.add.f32 [tilespmem:s22], [sflag:$0x3], $0x80, s6, s21, $0xb8;
	[tilespmem:$0x1E800] =	vst v63  }
0xec: {  	_ =	swait.ge [sflag:s19], $0x4000  }
0xed: {  	[sflag:s19] =	ssyncset.done $0x0  }
0xee: {  	s7 =	sadd.s32 $0x100, s31;
	[sflag:s19] =	ssyncadd.s32 $0xFFFFC000  }
0xef: {  	[tilespmem:s22], [sflag:$0x1] =	stream.indirect.gather [hbm4b:s1+s21], $0x80, s7, s21, $0xb8;
	[tilespmem:$0x1E800] =	vst v63  }
0xf0: {  	_ =	swait.ge [sflag:s25], $0x4000  }
0xf1: {  	[sflag:s25] =	ssyncset.done $0x0  }
0xf2: {  	s4 =	sadd.s32 $0x1480, s31;
	[sflag:s25] =	ssyncadd.s32 $0xFFFFC000  }
0xf3: {  	[spmem:s2] =	stream.indirect.scatter.add.f32 [tilespmem:s23], [sflag:$0x3], $0x80, s4, s21, $0xb8;
	[tilespmem:$0x1E800] =	vst v63  }
0xf4: {  	_ =	swait.ge [sflag:s19], $0x4000  }
0xf5: {  	[sflag:s19] =	ssyncset.done $0x0  }
0xf6: {  	[sflag:s19] =	ssyncadd.s32 $0xFFFFC000  }
0xf7: {  	[tilespmem:s23], [sflag:$0x2] =	stream.indirect.gather [hbm4b:s1+s21], $0x80, s26, s21, $0xb8;
	[tilespmem:$0x1E800] =	vst v63  }
0xf8: {  	_ =	swait.ge [sflag:s24], $0x4000  }
0xf9: {  	[sflag:s24] =	ssyncset.done $0x0  }
0xfa: {  	[sflag:s24] =	ssyncadd.s32 $0xFFFFC000  }
0xfb: {  	[spmem:s2] =	stream.indirect.scatter.add.f32 [tilespmem:s22], [sflag:$0x3], $0x80, s28, s21, $0xb8;
	[tilespmem:$0x1E800] =	vst v63  }
0xfc: {  	_ =	swait.ge [sflag:s19], $0x4000  }
0xfd: {  	[sflag:s19] =	ssyncset.done $0x0  }
0xfe: {  	[sflag:s19] =	ssyncadd.s32 $0xFFFFC000  }
0xff: {  	_ =	swait.ge [sflag:s25], $0x4000  }
0x100: {  	[sflag:s25] =	ssyncset.done $0x0  }
0x101: {  	[sflag:s25] =	ssyncadd.s32 $0xFFFFC000  }
0x102: {  	[spmem:s2] =	stream.indirect.scatter.add.f32 [tilespmem:s23], [sflag:$0x3], $0x80, s29, s21, $0xb8;
	[tilespmem:$0x1E800] =	vst v63  }
0x103: {  	_ =	swait.ge [sflag:s19], $0x4000  }
0x104: {  	[sflag:s19] =	ssyncset.done $0x0  }
0x105: {  	s6 =	simm.s32 $0x0;
	[sflag:s19] =	ssyncadd.s32 $0xFFFFC000  }
0x106: {  	[tilespmem:s6], [sflag:$0x3] =	stream.linear.gather [hbm4b:s14+s6], $0x1400, $0x38;
	[tilespmem:$0x1E800] =	vst v63  }
0x107: {  	_ =	swait.ge [sflag:s19], $0x1400  }
0x108: {  	[sflag:s19] =	ssyncset.done $0x0  }
0x109: {  	[sflag:s19] =	ssyncadd.s32 $0xFFFFEC00  }
0x10a: {  	[tilespmem:s20], [sflag:$0x3] =	stream.linear.gather [hbm4b:s15+s6], $0x1400, $0x38;
	[tilespmem:$0x1E800] =	vst v63  }
0x10b: {  	_ =	swait.ge [sflag:s19], $0x1400  }
0x10c: {  	[sflag:s19] =	ssyncset.done $0x0  }
0x10d: {  	[sflag:s19] =	ssyncadd.s32 $0xFFFFEC00  }
0x10e: {  	[tilespmem:s22], [sflag:$0x1] =	stream.indirect.gather [hbm4b:s1+s21], $0x80, s6, s21, $0xb8;
	[tilespmem:$0x1E800] =	vst v63  }
0x10f: {  	s7 =	simm.s32 $0x80  }
0x110: {  	[tilespmem:s23], [sflag:$0x2] =	stream.indirect.gather [hbm4b:s1+s21], $0x80, s7, s21, $0xb8;
	[tilespmem:$0x1E800] =	vst v63  }
0x111: {  	_ =	swait.ge [sflag:s24], $0x4000  }
0x112: {  	[sflag:s24] =	ssyncset.done $0x0  }
0x113: {  	s4 =	simm.s32 $0x1400;
	[sflag:s24] =	ssyncadd.s32 $0xFFFFC000  }
0x114: {  	[spmem:s2] =	stream.indirect.scatter.add.f32 [tilespmem:s22], [sflag:$0x3], $0x80, s4, s21, $0xb8;
	[tilespmem:$0x1E800] =	vst v63  }
0x115: {  	_ =	swait.ge [sflag:s19], $0x4000  }
0x116: {  	[sflag:s19] =	ssyncset.done $0x0  }
0x117: {  	s6 =	simm.s32 $0x100;
	[sflag:s19] =	ssyncadd.s32 $0xFFFFC000  }
0x118: {  	[tilespmem:s22], [sflag:$0x1] =	stream.indirect.gather [hbm4b:s1+s21], $0x80, s6, s21, $0xb8;
	[tilespmem:$0x1E800] =	vst v63  }
0x119: {  	_ =	swait.ge [sflag:s25], $0x4000  }
0x11a: {  	[sflag:s25] =	ssyncset.done $0x0  }
0x11b: {  	s7 =	simm.s32 $0x1480;
	[sflag:s25] =	ssyncadd.s32 $0xFFFFC000  }
0x11c: {  	[spmem:s2] =	stream.indirect.scatter.add.f32 [tilespmem:s23], [sflag:$0x3], $0x80, s7, s21, $0xb8;
	[tilespmem:$0x1E800] =	vst v63  }
0x11d: {  	_ =	swait.ge [sflag:s19], $0x4000  }
0x11e: {  	s31 =	simm.s32 $0x100;
	s0 =	simm.s32 $0x800;
	[sflag:s19] =	ssyncset.done $0x0  }
.LBB2_5:
0x11f: {  	s4 =	sadd.s32 $0x80, s31  }
0x120: {  	[sflag:s19] =	ssyncadd.s32 $0xFFFFC000;
	s6 =	smov.u32 s0;
	s7 =	sadd.s32 $0x400, s0  }
0x121: {  	[tilespmem:s23], [sflag:$0x2] =	stream.indirect.gather [hbm4b:s1+s21], $0x80, s4, s21, $0xb8;
	[tilespmem:$0x1E800] =	vst v63  }
0x122: {  	p1 =	sne.s32 s0, $0x4800;
	_ =	swait.ge [sflag:s24], $0x4000  }
0x123: {  	[sflag:s24] =	ssyncset.done $0x0  }
0x124: {  	s0 =	sadd.s32 $0x1400, s31;
	[sflag:s24] =	ssyncadd.s32 $0xFFFFC000  }
0x125: {  	[spmem:s2] =	stream.indirect.scatter.add.f32 [tilespmem:s22], [sflag:$0x3], $0x80, s0, s21, $0xb8;
	[tilespmem:$0x1E800] =	vst v63  }
0x126: {  	_ =	swait.ge [sflag:s19], $0x4000  }
0x127: {  	[sflag:s19] =	ssyncset.done $0x0  }
0x128: {  	s0 =	sadd.s32 $0x100, s31;
	[sflag:s19] =	ssyncadd.s32 $0xFFFFC000  }
0x129: {  	[tilespmem:s22], [sflag:$0x1] =	stream.indirect.gather [hbm4b:s1+s21], $0x80, s0, s21, $0xb8;
	[tilespmem:$0x1E800] =	vst v63  }
0x12a: {  	_ =	swait.ge [sflag:s25], $0x4000  }
.Ltmp7:
0x12b: {  	[sflag:s25] =	ssyncset.done $0x0;
	(pc) =	sbr.rel @p1 .LBB2_5-.Ltmp7, $4  }
0x12c: {  	s0 =	sadd.s32 $0x1480, s31;
	[sflag:s25] =	ssyncadd.s32 $0xFFFFC000  }
0x12d: {  	[spmem:s2] =	stream.indirect.scatter.add.f32 [tilespmem:s23], [sflag:$0x3], $0x80, s0, s21, $0xb8;
	[tilespmem:$0x1E800] =	vst v63  }
0x12e: {  	_ =	swait.ge [sflag:s19], $0x4000  }
0x12f: {  	s31 =	sshra.s32 s6, $0x2;
	s0 =	smov.u32 s7;
	[sflag:s19] =	ssyncset.done $0x0  }
0x130: {  	s0 =	sadd.s32 $0x80, s31;
	[sflag:s19] =	ssyncadd.s32 $0xFFFFC000  }
0x131: {  	[tilespmem:s23], [sflag:$0x2] =	stream.indirect.gather [hbm4b:s1+s21], $0x80, s0, s21, $0xb8;
	[tilespmem:$0x1E800] =	vst v63  }
0x132: {  	_ =	swait.ge [sflag:s24], $0x4000  }
0x133: {  	[sflag:s24] =	ssyncset.done $0x0  }
0x134: {  	s6 =	sadd.s32 $0x1400, s31;
	[sflag:s24] =	ssyncadd.s32 $0xFFFFC000  }
0x135: {  	[spmem:s2] =	stream.indirect.scatter.add.f32 [tilespmem:s22], [sflag:$0x3], $0x80, s6, s21, $0xb8;
	[tilespmem:$0x1E800] =	vst v63  }
0x136: {  	_ =	swait.ge [sflag:s19], $0x4000  }
0x137: {  	[sflag:s19] =	ssyncset.done $0x0  }
0x138: {  	s7 =	sadd.s32 $0x100, s31;
	[sflag:s19] =	ssyncadd.s32 $0xFFFFC000  }
0x139: {  	[tilespmem:s22], [sflag:$0x1] =	stream.indirect.gather [hbm4b:s1+s21], $0x80, s7, s21, $0xb8;
	[tilespmem:$0x1E800] =	vst v63  }
0x13a: {  	_ =	swait.ge [sflag:s25], $0x4000  }
0x13b: {  	[sflag:s25] =	ssyncset.done $0x0  }
0x13c: {  	s31 =	sadd.s32 $0x1480, s31;
	[sflag:s25] =	ssyncadd.s32 $0xFFFFC000  }
0x13d: {  	[spmem:s2] =	stream.indirect.scatter.add.f32 [tilespmem:s23], [sflag:$0x3], $0x80, s31, s21, $0xb8;
	[tilespmem:$0x1E800] =	vst v63  }
0x13e: {  	_ =	swait.ge [sflag:s19], $0x4000  }
0x13f: {  	[sflag:s19] =	ssyncset.done $0x0  }
0x140: {  	[sflag:s19] =	ssyncadd.s32 $0xFFFFC000  }
0x141: {  	[tilespmem:s23], [sflag:$0x2] =	stream.indirect.gather [hbm4b:s1+s21], $0x80, s26, s21, $0xb8;
	[tilespmem:$0x1E800] =	vst v63  }
0x142: {  	_ =	swait.ge [sflag:s24], $0x4000  }
0x143: {  	[sflag:s24] =	ssyncset.done $0x0  }
0x144: {  	[sflag:s24] =	ssyncadd.s32 $0xFFFFC000  }
0x145: {  	[spmem:s2] =	stream.indirect.scatter.add.f32 [tilespmem:s22], [sflag:$0x3], $0x80, s28, s21, $0xb8;
	[tilespmem:$0x1E800] =	vst v63  }
0x146: {  	_ =	swait.ge [sflag:s19], $0x4000  }
0x147: {  	[sflag:s19] =	ssyncset.done $0x0  }
0x148: {  	[sflag:s19] =	ssyncadd.s32 $0xFFFFC000  }
0x149: {  	_ =	swait.ge [sflag:s25], $0x4000  }
0x14a: {  	[sflag:s25] =	ssyncset.done $0x0  }
.Ltmp8:
0x14b: {  	[sflag:s25] =	ssyncadd.s32 $0xFFFFC000;
	(pc) =	sbr.rel .LBB2_12-.Ltmp8, $4  }
0x14c: {  	[spmem:s2] =	stream.indirect.scatter.add.f32 [tilespmem:s23], [sflag:$0x3], $0x80, s29, s21, $0xb8;
	[tilespmem:$0x1E800] =	vst v63  }
0x14d: {  	_ =	swait.ge [sflag:s19], $0x4000  }
0x14e: {  	[sflag:s19] =	ssyncset.done $0x0  }
0x14f: {  	s0 =	rddreg [dreg:$0x4];
	[sflag:s19] =	ssyncadd.s32 $0xFFFFC000  }
.LBB2_13:
0x150: {  	_ =	sfence.sel $0x180000  }
0x151: {  	[bflag:$0x0] =	sbarrier.arrive $0xFFFF  }
0x152: {  	_ =	strace $0x9000004D  }
0x153: {  	s0 =	stileid.u32;
	[bflag:$0x2] =	sbarrier.arrive $0xFFFF  }
0x154: {  	p0 =	sne.s32 s0, $0x0;
	s0 =	rddreg [dreg:$0x3]  }
0x155: {  	s0 =	sadd.s32 @!p0 $0x100000, s0  }
0x156: {  	[sflag:s0] =	ssyncadd.tile.s32 @!p0 $0x1;
	_ =	shalt  }
.Lfunc_end2:
_tile_overlayer_lowered:
.L_overlay_start_2:
0x157: {  	(tag) =	ssettag $0x2  }
0x158: {  	s0 =	rddreg [dreg:$0x0];
	s2 =	stileid.u32  }
0x159: {  	s1 =	rddreg [dreg:$0x1];
	p0 =	sne.s32 s2, $0x0  }
0x15a: {  	s3 =	rddreg [dreg:$0x2];
	[bflag:$0x3] =	sbarrier.arrive $0xFFFF;
	s2 =	simm.s32 @!p0 $0x1C03  }
0x15b: {  	[timem:s3], [sflag:s2] =	dma.local @!p0 [hbm:s0], s1  }
0x15c: {  	s0 =	simm.s32 @!p0 $0x3  }
0x15d: {  	_ =	swait.ge @!p0 [sflag:s0], s1  }
0x15e: {  	s1 =	ssub.s32 @!p0 $0x0, s1;
	[sflag:s0] =	ssyncset.done @!p0 $0x0  }
0x15f: {  	[sflag:s0] =	ssyncadd.s32 @!p0 s1  }
0x160: {  	[bflag:$0x3] =	sbarrier.arrive $0xFFFF  }
0x161: {  	_ =	shalt  }

// kernel: kernel.8.cloned.1.call-start
scs
__scs_entry_jumppad:
0x0: {  	(pc) =	sbr.rel $0x88, $3  }
0x1: {  	(tag) =	ssettag $0x0;
	lr =	simm.s32 $0x1  }
0x2: {  	[smem:$0x3F9B] =	sst lr;
	_ =	strace $0xD0000000  }
0x3: {  	_ = 	snop  }
0x4: {  	_ = 	snop  }
0x5: {  	_ = 	snop  }
0x6: {  	_ = 	snop  }
0x7: {  	_ = 	snop  }
__scs_overlays_trampoline_lowered:
0x8: {  	[smem:$0x3FAA] =	sst s0  }
0x9: {  	[smem:$0x3FAB] =	sst s1  }
0xa: {  	[smem:$0x3FAC] =	sst s2  }
0xb: {  	[smem:$0x3FAD] =	sst s3  }
0xc: {  	[smem:$0x3FAE] =	sst s4  }
0xd: {  	[smem:$0x3FAF] =	sst s5  }
0xe: {  	[smem:$0x3FB0] =	sst s6  }
0xf: {  	[smem:$0x3FB1] =	sst s7  }
0x10: {  	[smem:$0x3FB2] =	sst s8  }
0x11: {  	[smem:$0x3FB3] =	sst s9;
	s0 =	simm.s32 @!p0 $0x0  }
0x12: {  	s1 =	sld [smem:$0x3F99];
	s0 =	simm.s32 @p0 $0x1  }
0x13: {  	[smem:$0x3FB4] =	sst s0;
	s0 =	simm.s32 @!p1 $0x0  }
0x14: {  	s2 =	sld [smem:$0x3F98];
	s0 =	simm.s32 @p1 $0x1  }
0x15: {  	[smem:$0x3FB5] =	sst s0;
	s0 =	simm.s32 @!p2 $0x0  }
0x16: {  	s3 =	sld [smem:$0x3FDB];
	s0 =	simm.s32 @p2 $0x1  }
0x17: {  	s4 =	simm.s32 $0x1BF5;
	[smem:$0x3FB7] =	sst s0  }
0x18: {  	s0 =	sld [smem:$0x3F9A];
	_ =	swait.ge [sflag:s4], $0x0  }
0x19: {  	s7 =	sld [smem:$0x3F9B]  }
0x1a: {  	s8 =	sadd.s32 $0xFFFFE003, lr  }
0x1b: {  	s9 =	sadd.s32 $0xFFFFFEF7, lr;
	s5 =	simm.s32 $0xFFFFFFFF;
	p2 =	slt.u32 s8, $0xFFFFF086  }
0x1c: {  	p1 =	slt.u32 s9, $0xF7A;
	s5 =	simm.s32 @!p2 $0x0  }
0x1d: {  	s5 =	simm.s32 @p1 $0x1;
	p0 =	seq.s32 s7, s2  }
0x1e: {  	s7 =	smul.u32 @!p0 $0xF7A, s2;
	p2 =	seq.s32 @!p0 s5, $0x0  }
0x1f: {  	s9 =	smul.u32 $0xF7A, s1;
	s8 =	simm.s32 @!p0 $0x1BF5;
	p2 =	por !p2, p0  }
0x20: {  	[sflag:s8] =	ssyncset.s32 @!p0 $0xFFFFF086;
	s6 =	sadd.s32 @!p0 s3, s7;
	s7 =	simm.s32 @!p0 $0x108  }
0x21: {  	s3 =	sadd.s32 s3, s9;
	s6 =	sadd.s32 @!p0 $0x88, s6;
	s7 =	simm.s32 @p2 $0x1082  }
0x22: {  	[simem:s7], [sflag:s8] =	dma.local @!p0 [hbm:s6], $0xF7A  }
0x23: {  	s9 =	sor.u32 $0xD0000000, s2;
	s6 =	simm.s32 $0x108;
	_ =	swait.ge @!p0 [sflag:s8], $0x0  }
0x24: {  	s3 =	sadd.s32 $0x88, s3;
	s6 =	simm.s32 @!p1 $0x1082;
	[sflag:s4] =	ssyncset.s32 $0xFFFFF086  }
0x25: {  	[simem:s6], [sflag:s4] =	dma.local [hbm:s3], $0xF7A  }
0x26: {  	[smem:$0x3F9B] =	sst s1;
	(tag) =	ssettag s2;
	_ =	strace s9  }
0x27: {  	s1 =	sld [smem:$0x3FAB]  }
0x28: {  	s2 =	sld [smem:$0x3FAC]  }
0x29: {  	s4 =	sld [smem:$0x3FAE]  }
0x2a: {  	p0 =	seq.s32 s5, $0x0;
	s5 =	sld [smem:$0x3FAF]  }
0x2b: {  	s6 =	sld [smem:$0x3FB0]  }
0x2c: {  	s7 =	sld [smem:$0x3FB1]  }
0x2d: {  	s3 =	simm.s32 $0x108;
	s8 =	sld [smem:$0x3FB2]  }
0x2e: {  	s3 =	simm.s32 @!p0 $0x1082;
	s9 =	sld [smem:$0x3FB3]  }
0x2f: {  	lr =	sadd.s32 s0, s3;
	s0 =	sld [smem:$0x3FAA]  }
0x30: {  	s3 =	sld [smem:$0x3FAD]  }
0x31: {  	[smem:$0x3FB6] =	sst s10  }
0x32: {  	s10 =	sld [smem:$0x3FB4];
	_ =	sdelay $0x3  }
0x33: {  	p0 =	seq.s32 s10, $0x1;
	s10 =	sld [smem:$0x3FB6];
	_ =	sdelay $0x3  }
0x34: {  	[smem:$0x3FB6] =	sst s10  }
0x35: {  	s10 =	sld [smem:$0x3FB5];
	_ =	sdelay $0x3  }
0x36: {  	p1 =	seq.s32 s10, $0x1;
	s10 =	sld [smem:$0x3FB6];
	_ =	sdelay $0x3  }
0x37: {  	[smem:$0x3FB6] =	sst s10  }
0x38: {  	s10 =	sld [smem:$0x3FB7]  }
0x39: {  	_ = 	snop;
	(pc) =	sbr.ind lr, $3  }
0x3a: {  	_ = 	snop  }
0x3b: {  	_ = 	snop  }
0x3c: {  	p2 =	seq.s32 s10, $0x1;
	s10 =	sld [smem:$0x3FB6]  }
0x3d: {  	_ =	shalt  }
0x3e: {  	_ =	shalt  }
0x3f: {  	_ =	shalt  }
0x40: {  	_ =	shalt  }
0x41: {  	_ =	shalt  }
0x42: {  	_ =	shalt  }
0x43: {  	_ =	shalt  }
0x44: {  	_ =	shalt  }
0x45: {  	_ =	shalt  }
0x46: {  	_ =	shalt  }
0x47: {  	_ =	shalt  }
0x48: {  	_ =	shalt  }
0x49: {  	_ =	shalt  }
0x4a: {  	_ =	shalt  }
0x4b: {  	_ =	shalt  }
0x4c: {  	_ =	shalt  }
0x4d: {  	_ =	shalt  }
0x4e: {  	_ =	shalt  }
0x4f: {  	_ =	shalt  }
0x50: {  	_ =	shalt  }
0x51: {  	_ =	shalt  }
0x52: {  	_ =	shalt  }
0x53: {  	_ =	shalt  }
0x54: {  	_ =	shalt  }
0x55: {  	_ =	shalt  }
0x56: {  	_ =	shalt  }
0x57: {  	_ =	shalt  }
0x58: {  	_ =	shalt  }
0x59: {  	_ =	shalt  }
0x5a: {  	_ =	shalt  }
0x5b: {  	_ =	shalt  }
0x5c: {  	_ =	shalt  }
0x5d: {  	_ =	shalt  }
0x5e: {  	_ =	shalt  }
0x5f: {  	_ =	shalt  }
0x60: {  	_ =	shalt  }
0x61: {  	_ =	shalt  }
0x62: {  	_ =	shalt  }
0x63: {  	_ =	shalt  }
0x64: {  	_ =	shalt  }
0x65: {  	_ =	shalt  }
0x66: {  	_ =	shalt  }
0x67: {  	_ =	shalt  }
0x68: {  	_ =	shalt  }
0x69: {  	_ =	shalt  }
0x6a: {  	_ =	shalt  }
0x6b: {  	_ =	shalt  }
0x6c: {  	_ =	shalt  }
0x6d: {  	_ =	shalt  }
0x6e: {  	_ =	shalt  }
0x6f: {  	_ =	shalt  }
0x70: {  	_ =	shalt  }
0x71: {  	_ =	shalt  }
0x72: {  	_ =	shalt  }
0x73: {  	_ =	shalt  }
0x74: {  	_ =	shalt  }
0x75: {  	_ =	shalt  }
0x76: {  	_ =	shalt  }
0x77: {  	_ =	shalt  }
0x78: {  	_ =	shalt  }
0x79: {  	_ =	shalt  }
0x7a: {  	_ =	shalt  }
0x7b: {  	_ =	shalt  }
0x7c: {  	_ =	shalt  }
0x7d: {  	_ =	shalt  }
0x7e: {  	_ =	shalt  }
0x7f: {  	_ =	shalt  }
0x80: {  	_ =	shalt  }
0x81: {  	_ =	shalt  }
0x82: {  	_ =	shalt  }
0x83: {  	_ =	shalt  }
0x84: {  	_ =	shalt  }
0x85: {  	_ =	shalt  }
0x86: {  	_ =	shalt  }
0x87: {  	_ =	shalt  }
.Lfunc_end0:
.L_simem_size_0:
called_computation_lowered:
.L_overlay_start_0:
0x88: {  	s2 =	sld [smem:$0x3FD9]  }
0x89: {  	s3 =	sld [smem:$0x3FFE];
	_ =	sdelay $0x1  }
0x8a: {  	s1 =	srdreg.scid  }
0x8b: {  	s0 =	sand.u32 $0x1, s1  }
0x8c: {  	s17 =	sshll.u32 s0, $0xA;
	s2 =	sadd.s32 s3, s2  }
0x8d: {  	s2 =	sadd.s32 s2, s17  }
0x8e: {  	[smem:$0x3FC2] =	sst s2  }
0x8f: {  	_ = 	snop  }
0x90: {  	s2 =	sld [smem:$0x3FD0];
	(tm) =	ssettm $0x1  }
0x91: {  	s18 =	sld [smem:$0x3FFB];
	_ =	sdelay $0x3  }
0x92: {  	_ =	strace s18  }
0x93: {  	s3 =	sld [smem:$0x3FFC];
	_ =	sdelay $0x3  }
0x94: {  	_ =	strace s3  }
0x95: {  	s3 =	sld [smem:$0x3FFD];
	_ =	sdelay $0x3  }
0x96: {  	_ =	strace s3  }
0x97: {  	_ =	strace $0x8FFFFFFF  }
0x98: {  	s19 =	sld [smem:$0x3FDB];
	_ =	sdelay $0x1  }
0x99: {  	s4 =	simm.s32 $_scs_section_size  }
0x9a: {  	s5 =	simm.s32 $_size__tile_overlayer_lowered;
	s6 =	simm.s32 $_tile_overlayer_lowered  }
0x9b: {  	s22 =	simm.s32 $0x1BFF;
	s21 =	sshll.u32 s6, $0x1;
	s3 =	sadd.s32 s4, s19  }
0x9c: {  	s7 =	simm.s32 $0x0;
	s20 =	sshll.u32 s5, $0x1;
	s5 =	sadd.s32 s21, s3  }
0x9d: {  	[timem:s7], [sflag:s22] =	dma.local [hbm:s5], s20  }
0x9e: {  	_ =	swait.ge [sflag:s22], s20  }
0x9f: {  	s4 =	ssub.s32 $0x0, s20;
	[sflag:s22] =	ssyncset.done $0x0  }
0xa0: {  	[sflag:s22] =	ssyncadd.s32 s4;
	_ =	sdelay $0x1  }
0xa1: {  	s23 =	simm.s32 $0x1B8B  }
0xa2: {  	_ =	swait.ge [sflag:s23], $0x1  }
0xa3: {  	[sflag:s23] =	ssyncset.done $0x0  }
0xa4: {  	s25 =	simm.s32 $0x1B8E;
	s24 =	sld [smem:$0x3FFE];
	[sflag:s23] =	ssyncadd.s32 $0xFFFFFFFF  }
0xa5: {  	s26 =	simm.s32 $execute0_lowered;
	[smem:$0x3FD2] =	sst s25  }
0xa6: {  	s5 =	sshll.u32 s26, $0x1;
	_ =	strace $0x80000046;
	[dreg:$0x1] =	wrdreg $0xFFFFFFFF  }
0xa7: {  	s28 =	simm.s32 $_size_execute0_lowered;
	s3 =	sadd.s32 s3, s5;
	[dreg:$0x0] =	wrdreg $0x0  }
0xa8: {  	s5 =	sshll.u32 s28, $0x1;
	[dreg:$0x2] =	wrdreg s3  }
0xa9: {  	[dreg:$0x3] =	wrdreg s5  }
0xaa: {  	[dreg:$0x4] =	wrdreg $0xC0  }
0xab: {  	_ =	task [dreg:s7], $0x5FFFF  }
0xac: {  	[dreg:$0x1] =	wrdreg $0xFFFFFFFF  }
0xad: {  	[dreg:$0x0] =	wrdreg $0x60  }
0xae: {  	[dreg:$0x2] =	wrdreg s24  }
0xaf: {  	[dreg:$0x3] =	wrdreg s2  }
0xb0: {  	[dreg:$0x4] =	wrdreg $0x66800  }
0xb1: {  	[dreg:$0x5] =	wrdreg $0x9  }
0xb2: {  	_ =	task.clear_ibuf [dreg:s7], $0x6FFFF;
	_ =	strace $0x90000046  }
0xb3: {  	s29 =	simm.s32 $0x9;
	_ =	strace $0x80000048  }
0xb4: {  	_ =	swait.ge [sflag:s29], $0x1  }
0xb5: {  	[sflag:s29] =	ssyncadd.s32 $0xFFFFFFFF  }
0xb6: {  	_ =	strace $0x90000048  }
0xb7: {  	_ =	sfence  }
0xb8: {  	s30 =	sld [smem:$0x0];
	_ =	sdelay $0x2  }
0xb9: {  	s31 =	sshll.u32 s1, $0xD;
	s1 =	sshrl.u32 s1, $0x2  }
0xba: {  	s3 =	sand.u32 $0x4000, s31;
	s1 =	sadd.s32 s1, s30  }
0xbb: {  	s0 =	sor.u32 s3, s0;
	s1 =	sshll.u32 s1, $0x11  }
0xbc: {  	s0 =	sor.u32 s1, s0  }
0xbd: {  	s0 =	sadd.s32 $0x8F2B, s0  }
0xbe: {  	[sflag:s0] =	ssyncadd.remote.s32 $0x1  }
0xbf: {  	_ =	sfence.sel $0xFFFF  }
0xc0: {  	[dreg:$0x0] =	wrdreg $0xFFFFFFFF;
	(pc) =	sbr.abs _section_cstart, $3  }
0xc1: {  	[dreg:$0x1] =	wrdreg $0xFFFFFFFF  }
0xc2: {  	_ =	task.clear_ibuf [dreg:s7], $0x2FFFF;
	_ =	strace $0x9FFFFFFF  }
0xc3: {  	(tm) =	ssettm $0x7FFFFFFF  }
tec
execute0_lowered:
.L_overlay_start_1:
0x0: {  	(tag) =	ssettag $0x1  }
0x1: {  	s3 =	rddreg [dreg:$0x0]  }
0x2: {  	s7 =	rddreg [dreg:$0x1]  }
0x3: {  	s1 =	srdreg.scid;
	s0 =	stileid.u32  }
0x4: {  	s6 =	rddreg [dreg:$0x2];
	s2 =	simm.s32 $0x0;
	s13 =	simm.s32 $0x14000  }
0x5: {  	s14 =	simm.s32 $0x3C00;
	s15 =	simm.s32 $0x100;
	s16 =	simm.s32 $0x6400  }
0x6: {  	s5 =	sand.u32 $0x1, s1;
	s8 =	smul.u32 $0x500, s0;
	s1 =	rddreg [dreg:$0x3]  }
0x7: {  	s17 =	simm.s32 $0x0;
	[smem:$0x7FF] =	sst s2;
	s12 =	smul.u32 $0x5000, s0  }
0x8: {  	s10 =	sshrl.u32 s0, $0x3;
	s30 =	sshll.u32 s0, $0x7;
	s4 =	smul.u32 $0x280, s5  }
0x9: {  	_ =	strace $0x80000047;
	s9 =	ssub.s32 $0x2, s5;
	s10 =	smul.u32 $0x50000, s10  }
0xa: {  	s5 =	sshll.u32 s5, $0x7;
	s11 =	sshrl.u32 s9, $0x1;
	s31 =	sshrl.u32 s12, $0x2  }
0xb: {  	s12 =	simm.s32 $0x400;
	s4 =	sadd.s32 s4, s8;
	s9 =	ssub.s32 s9, s11  }
0xc: {  	s10 =	sshrl.u32 s10, $0x2;
	s11 =	sand.u32 $0x380, s30;
	s8 =	sor.u32 s5, s8  }
0xd: {  	s4 =	sadd.s32 s4, s3;
	s3 =	sadd.s32 $0x9000, s3;
	s10 =	sadd.s32 s10, s6  }
0xe: {  	s8 =	sshrl.u32 s8, $0x3;
	s6 =	sadd.s32 s31, s6;
	s4 =	sadd.s32 $0x4000, s4  }
0xf: {  	s5 =	sadd.s32 s11, s10;
	s7 =	sadd.s32 s7, s8;
	s8 =	smax.u32 s9, $0x1  }
0x10: {  	v0 =	vimm.f32 $1.000000000e+00;
	s9 =	simm.s32 $0x1400;
	s10 =	simm.s32 $0x1;
	s11 =	simm.s32 $0x80  }
.LBB2_1:
0x11: {  	[tilespmem:s9], [sflag:$0x1] =	stream.linear.gather [hbm4b:s3+s2], $0x2800, $0x38;
	[tilespmem:$0x8E80] =	vst v63  }
0x12: {  	_ =	swait.ge [sflag:s10], $0x2800  }
0x13: {  	[sflag:s10] =	ssyncset.done $0x0  }
0x14: {  	[sflag:s10] =	ssyncadd.s32 $0xFFFFD800  }
0x15: {  	[tilespmem:s2], [sflag:$0x1] =	stream.linear.gather [hbm4b:s4+s2], $0x1400, $0x38;
	[tilespmem:$0x8E80] =	vst v63  }
0x16: {  	_ =	swait.ge [sflag:s10], $0x1400  }
0x17: {  	[sflag:s10] =	ssyncset.done $0x0  }
0x18: {  	s18 =	simm.s32 $0x1C0;
	[sflag:s10] =	ssyncadd.s32 $0xFFFFEC00  }
.LBB2_2:
0x19: {  	s19 =	sshra.s32 s18, $0x2  }
0x1a: {  	v1 =	vld [tilespmem:s19+$0xFFFFFF90];
	_ =	sdelay $0x7  }
0x1b: {  	[tilespmem:v1+s9+$0x0] =	vst.idx.add.f32.msk $0xffff, v0  }
0x1c: {  	v1 =	vld [tilespmem:s19+$0xFFFFFFA0];
	_ =	sdelay $0x7  }
0x1d: {  	[tilespmem:v1+s9+$0x0] =	vst.idx.add.f32.msk $0xffff, v0  }
0x1e: {  	v1 =	vld [tilespmem:s19+$0xFFFFFFB0];
	_ =	sdelay $0x7  }
0x1f: {  	[tilespmem:v1+s9+$0x0] =	vst.idx.add.f32.msk $0xffff, v0  }
0x20: {  	v1 =	vld [tilespmem:s19+$0xFFFFFFC0];
	_ =	sdelay $0x7  }
0x21: {  	[tilespmem:v1+s9+$0x0] =	vst.idx.add.f32.msk $0xffff, v0  }
0x22: {  	v1 =	vld [tilespmem:s19+$0xFFFFFFD0];
	_ =	sdelay $0x7  }
0x23: {  	[tilespmem:v1+s9+$0x0] =	vst.idx.add.f32.msk $0xffff, v0  }
0x24: {  	v1 =	vld [tilespmem:s19+$0xFFFFFFE0];
	_ =	sdelay $0x7  }
0x25: {  	[tilespmem:v1+s9+$0x0] =	vst.idx.add.f32.msk $0xffff, v0  }
0x26: {  	v1 =	vld [tilespmem:s19+$0xFFFFFFF0];
	_ =	sdelay $0x7  }
0x27: {  	[tilespmem:v1+s9+$0x0] =	vst.idx.add.f32.msk $0xffff, v0  }
0x28: {  	v1 =	vld [tilespmem:s19+$0x0];
	_ =	sdelay $0x2  }
0x29: {  	p0 =	sne.s32 s18, $0x4FC0  }
.Ltmp0:
0x2a: {  	_ = 	snop;
	(pc) =	sbr.rel @p0 .LBB2_2-.Ltmp0, $2  }
0x2b: {  	_ =	sdelay $0x2  }
0x2c: {  	s18 =	sadd.s32 $0x200, s18;
	[tilespmem:v1+s9+$0x0] =	vst.idx.add.f32.msk $0xffff, v0  }
0x2d: {  	[spmem:s5] =	stream.strided.scatter [tilespmem:s9], [sflag:$0x1], $0x2800, s12, s11, $0x38;
	[tilespmem:$0x8E80] =	vst v63  }
0x2e: {  	_ =	swait.ge [sflag:s10], $0x2800  }
0x2f: {  	[sflag:s10] =	ssyncset.done $0x0  }
0x30: {  	[sflag:s10] =	ssyncadd.s32 $0xFFFFD800  }
0x31: {  	[bflag:$0x0] =	sbarrier.arrive $0xFFFF  }
0x32: {  	[tilespmem:s14], [sflag:$0x1] =	stream.strided.gather [spmem:s6], $0x2800, s13, s9, $0x38;
	[tilespmem:$0x8E80] =	vst v63  }
0x33: {  	s18 =	simm.s32 $0x0;
	_ =	swait.ge [sflag:s10], $0x2800  }
0x34: {  	s19 =	sand.u32 $0x70, s18;
	s18 =	sand.u32 $0x1C00, s18;
	[sflag:s10] =	ssyncset.done $0x0  }
0x35: {  	s18 =	sor.u32 s19, s18;
	[sflag:s10] =	ssyncadd.s32 $0xFFFFD800  }
0x36: {  	v1 =	vld [tilespmem:s18+$0x3C80]  }
0x37: {  	v2 =	vld [tilespmem:s18+$0x3C00];
	_ =	sdelay $0x1  }
0x38: {  	v3 =	vld [tilespmem:s18+$0x3D00];
	_ =	sdelay $0x1  }
0x39: {  	v4 =	vld [tilespmem:s18+$0x3D80]  }
0x3a: {  	v1 =	vadd.f32 v1, v2  }
0x3b: {  	v2 =	vld [tilespmem:s18+$0x3E00]  }
0x3c: {  	v1 =	vadd.f32 v3, v1  }
0x3d: {  	v3 =	vld [tilespmem:s18+$0x3E80]  }
0x3e: {  	v1 =	vadd.f32 v4, v1  }
0x3f: {  	v60 =	vld [tilespmem:s18+$0x3F00]  }
0x40: {  	v1 =	vadd.f32 v2, v1  }
0x41: {  	v2 =	vld [tilespmem:s18+$0x3F80]  }
0x42: {  	v1 =	vadd.f32 v3, v1  }
0x43: {  	v3 =	vld [tilespmem:s18+$0x5000]  }
0x44: {  	v1 =	vadd.f32 v60, v1  }
0x45: {  	v61 =	vld [tilespmem:s18+$0x5080]  }
0x46: {  	v1 =	vadd.f32 v2, v1  }
0x47: {  	v2 =	vld [tilespmem:s18+$0x5100]  }
0x48: {  	v1 =	vadd.f32 v3, v1  }
0x49: {  	v3 =	vld [tilespmem:s18+$0x5180]  }
0x4a: {  	v1 =	vadd.f32 v61, v1  }
0x4b: {  	v62 =	vld [tilespmem:s18+$0x5200]  }
0x4c: {  	v1 =	vadd.f32 v2, v1  }
0x4d: {  	v2 =	vld [tilespmem:s18+$0x5280]  }
0x4e: {  	v1 =	vadd.f32 v3, v1  }
0x4f: {  	v3 =	vld [tilespmem:s18+$0x5300]  }
0x50: {  	v1 =	vadd.f32 v62, v1  }
0x51: {  	v63 =	vld [tilespmem:s18+$0x5380]  }
0x52: {  	v1 =	vadd.f32 v2, v1;
	_ =	sdelay $0x1  }
0x53: {  	v1 =	vadd.f32 v3, v1;
	_ =	sdelay $0x1  }
0x54: {  	s31 =	simm.s32 $0x10;
	s20 =	simm.s32 $0x80;
	v1 =	vadd.f32 v63, v1  }
0x55: {  	s21 =	sand.u32 $0x1C00, s20;
	s19 =	sand.u32 $0x70, s31;
	s18 =	simm.s32 $0x6400  }
0x56: {  	s19 =	sor.u32 s19, s21;
	s21 =	simm.s32 $0x20;
	[tilespmem:s18+$0x0] =	vst v1  }
.LBB2_4:
0x57: {  	p0 =	sne.s32 s21, $0x270;
	v1 =	vld [tilespmem:s19+$0x3C80]  }
0x58: {  	v2 =	vld [tilespmem:s19+$0x3C00];
	_ =	sdelay $0x1  }
0x59: {  	v3 =	vld [tilespmem:s19+$0x3D00];
	_ =	sdelay $0x1  }
0x5a: {  	v4 =	vld [tilespmem:s19+$0x3D80]  }
0x5b: {  	v1 =	vadd.f32 v1, v2  }
0x5c: {  	v2 =	vld [tilespmem:s19+$0x3E00]  }
0x5d: {  	v1 =	vadd.f32 v3, v1  }
0x5e: {  	v3 =	vld [tilespmem:s19+$0x3E80]  }
0x5f: {  	v1 =	vadd.f32 v4, v1  }
0x60: {  	v4 =	vld [tilespmem:s19+$0x3F00]  }
0x61: {  	v1 =	vadd.f32 v2, v1  }
0x62: {  	v2 =	vld [tilespmem:s19+$0x3F80]  }
0x63: {  	v1 =	vadd.f32 v3, v1  }
0x64: {  	v3 =	vld [tilespmem:s19+$0x5000]  }
0x65: {  	v1 =	vadd.f32 v4, v1  }
0x66: {  	v4 =	vld [tilespmem:s19+$0x5080]  }
0x67: {  	v1 =	vadd.f32 v2, v1  }
0x68: {  	v2 =	vld [tilespmem:s19+$0x5100]  }
0x69: {  	v1 =	vadd.f32 v3, v1  }
0x6a: {  	v3 =	vld [tilespmem:s19+$0x5180]  }
0x6b: {  	v1 =	vadd.f32 v4, v1  }
0x6c: {  	v4 =	vld [tilespmem:s19+$0x5200]  }
0x6d: {  	v1 =	vadd.f32 v2, v1  }
0x6e: {  	v2 =	vld [tilespmem:s19+$0x5280]  }
0x6f: {  	v1 =	vadd.f32 v3, v1  }
0x70: {  	v3 =	vld [tilespmem:s19+$0x5300]  }
0x71: {  	v1 =	vadd.f32 v4, v1  }
0x72: {  	v4 =	vld [tilespmem:s19+$0x5380]  }
0x73: {  	v1 =	vadd.f32 v2, v1;
	_ =	sdelay $0x1  }
.Ltmp1:
0x74: {  	v1 =	vadd.f32 v3, v1;
	(pc) =	sbr.rel @p0 .LBB2_4-.Ltmp1, $4  }
0x75: {  	_ = 	snop  }
0x76: {  	s20 =	sadd.s32 $0x80, s20;
	v1 =	vadd.f32 v4, v1  }
0x77: {  	s18 =	sadd.s32 $0x10, s18;
	s22 =	sand.u32 $0x1C00, s20;
	s19 =	sand.u32 $0x70, s21  }
0x78: {  	s21 =	sadd.s32 $0x10, s21;
	s19 =	sor.u32 s19, s22;
	[tilespmem:s18+$0x0] =	vst v1  }
0x79: {  	v1 =	vld [tilespmem:s19+$0x3C80]  }
0x7a: {  	v2 =	vld [tilespmem:s19+$0x3C00];
	_ =	sdelay $0x1  }
0x7b: {  	v3 =	vld [tilespmem:s19+$0x3D00];
	_ =	sdelay $0x1  }
0x7c: {  	v4 =	vld [tilespmem:s19+$0x3D80]  }
0x7d: {  	v1 =	vadd.f32 v1, v2  }
0x7e: {  	v2 =	vld [tilespmem:s19+$0x3E00]  }
0x7f: {  	v1 =	vadd.f32 v3, v1  }
0x80: {  	v3 =	vld [tilespmem:s19+$0x3E80]  }
0x81: {  	v1 =	vadd.f32 v4, v1  }
0x82: {  	v60 =	vld [tilespmem:s19+$0x3F00]  }
0x83: {  	v1 =	vadd.f32 v2, v1  }
0x84: {  	v2 =	vld [tilespmem:s19+$0x3F80]  }
0x85: {  	v1 =	vadd.f32 v3, v1  }
0x86: {  	v3 =	vld [tilespmem:s19+$0x5000]  }
0x87: {  	v1 =	vadd.f32 v60, v1  }
0x88: {  	v61 =	vld [tilespmem:s19+$0x5080]  }
0x89: {  	v1 =	vadd.f32 v2, v1  }
0x8a: {  	v2 =	vld [tilespmem:s19+$0x5100]  }
0x8b: {  	v1 =	vadd.f32 v3, v1  }
0x8c: {  	v3 =	vld [tilespmem:s19+$0x5180]  }
0x8d: {  	v1 =	vadd.f32 v61, v1  }
0x8e: {  	v62 =	vld [tilespmem:s19+$0x5200]  }
0x8f: {  	v1 =	vadd.f32 v2, v1  }
0x90: {  	v2 =	vld [tilespmem:s19+$0x5280]  }
0x91: {  	v1 =	vadd.f32 v3, v1  }
0x92: {  	v3 =	vld [tilespmem:s19+$0x5300]  }
0x93: {  	v1 =	vadd.f32 v62, v1  }
0x94: {  	v63 =	vld [tilespmem:s19+$0x5380]  }
0x95: {  	v1 =	vadd.f32 v2, v1;
	_ =	sdelay $0x1  }
0x96: {  	v1 =	vadd.f32 v3, v1;
	_ =	sdelay $0x1  }
0x97: {  	s17 =	sadd.s32 $0x1, s17;
	v1 =	vadd.f32 v63, v1  }
0x98: {  	s18 =	sadd.s32 $0x10, s18;
	p0 =	sne.s32 s17, s8  }
.Ltmp2:
0x99: {  	[tilespmem:s18+$0x0] =	vst v1;
	(pc) =	sbr.rel @p0 .LBB2_1-.Ltmp2, $4  }
0x9a: {  	[hbm4b:s7+s11] =	stream.strided.scatter [tilespmem:s16], [sflag:$0x1], $0x280, s15, s11, $0x38;
	[tilespmem:$0x8E80] =	vst v63  }
0x9b: {  	_ =	swait.ge [sflag:s10], $0x280  }
0x9c: {  	[sflag:s10] =	ssyncset.done $0x0  }
0x9d: {  	[sflag:s10] =	ssyncadd.s32 $0xFFFFFD80  }
0x9e: {  	_ =	sfence.sel $0x180000  }
0x9f: {  	[bflag:$0x0] =	sbarrier.arrive $0xFFFF  }
0xa0: {  	p0 =	sne.s32 s0, $0x0;
	_ =	strace $0x90000047  }
0xa1: {  	s0 =	sadd.s32 @!p0 $0x100000, s1;
	[bflag:$0x2] =	sbarrier.arrive $0xFFFF  }
0xa2: {  	[sflag:s0] =	ssyncadd.tile.s32 @!p0 $0x1;
	_ =	shalt  }
.Lfunc_end2:
_tile_overlayer_lowered:
.L_overlay_start_2:
0xa3: {  	(tag) =	ssettag $0x2  }
0xa4: {  	s0 =	rddreg [dreg:$0x0];
	s2 =	stileid.u32  }
0xa5: {  	s1 =	rddreg [dreg:$0x1];
	p0 =	sne.s32 s2, $0x0  }
0xa6: {  	s3 =	rddreg [dreg:$0x2];
	[bflag:$0x3] =	sbarrier.arrive $0xFFFF;
	s2 =	simm.s32 @!p0 $0x1C01  }
0xa7: {  	[timem:s3], [sflag:s2] =	dma.local @!p0 [hbm:s0], s1  }
0xa8: {  	s0 =	simm.s32 @!p0 $0x1  }
0xa9: {  	_ =	swait.ge @!p0 [sflag:s0], s1  }
0xaa: {  	s1 =	ssub.s32 @!p0 $0x0, s1;
	[sflag:s0] =	ssyncset.done @!p0 $0x0  }
0xab: {  	[sflag:s0] =	ssyncadd.s32 @!p0 s1  }
0xac: {  	[bflag:$0x3] =	sbarrier.arrive $0xFFFF  }
0xad: {  	_ =	shalt  }

</sc_bundles>
